<compile_context>
chip_gen: v7x
topology: tpu7x:2x2x1
jax: 0.10.2.dev20260603
libtpu: 0.0.44.dev20260713+nightly
codegen_flags: <defaults>
</compile_context>

<pallas_src>
import functools

import jax
import jax.numpy as jnp
from jax import lax
from jax.experimental import pallas as pl
from jax.experimental.pallas import tpu as pltpu
from jax.experimental.pallas import tpu_sc as plsc

CUTOFF = 8.0
NUM_WORKERS = 32
LANES = 16


def _sc_pair_dist2(xs, ys, zs, idx_i, idx_j):
    n_atoms = xs.shape[0]
    p = idx_i.shape[0]
    per_w = -(-p // NUM_WORKERS)
    per_w = -(-per_w // LANES) * LANES
    chunks = per_w // LANES
    mesh = plsc.VectorSubcoreMesh(core_axis_name="c", subcore_axis_name="s")

    @functools.partial(
        pl.kernel,
        out_type=jax.ShapeDtypeStruct((p,), jnp.float32),
        mesh=mesh,
        scratch_types=[
            pltpu.VMEM((n_atoms,), jnp.float32),
            pltpu.VMEM((per_w,), jnp.int32),
            pltpu.VMEM((per_w,), jnp.int32),
            pltpu.VMEM((per_w,), jnp.float32),
        ],
        compiler_params=pltpu.CompilerParams(needs_layout_passes=False),
    )
    def sc_kernel(x_hbm, y_hbm, z_hbm, ii_hbm, jj_hbm, d2_hbm,
                  tab_v, ii_v, jj_v, d2_v):
        wid = lax.axis_index("s") * 2 + lax.axis_index("c")
        base = jnp.minimum(wid * per_w, p - per_w)
        pltpu.sync_copy(ii_hbm.at[pl.ds(base, per_w)], ii_v)
        pltpu.sync_copy(jj_hbm.at[pl.ds(base, per_w)], jj_v)
        for c, coord_hbm in enumerate((x_hbm, y_hbm, z_hbm)):
            pltpu.sync_copy(coord_hbm, tab_v)
            first = c == 0

            @plsc.parallel_loop(0, per_w, step=LANES, unroll=8)
            def _(off, _first=first):
                ii = ii_v[pl.ds(off, LANES)]
                jj = jj_v[pl.ds(off, LANES)]
                xi = plsc.load_gather(tab_v, [ii])
                xj = plsc.load_gather(tab_v, [jj])
                d = xj - xi
                if _first:
                    d2_v[pl.ds(off, LANES)] = d * d
                else:
                    d2_v[pl.ds(off, LANES)] = d2_v[pl.ds(off, LANES)] + d * d
        pltpu.sync_copy(d2_v, d2_hbm.at[pl.ds(base, per_w)])

    return sc_kernel(xs, ys, zs, idx_i, idx_j)


def _sc_features(ids, table):
    n = ids.shape[0]
    v, d = table.shape
    per_w = 1600
    n_chunks = 4
    chunk = per_w // n_chunks
    mesh = plsc.VectorSubcoreMesh(core_axis_name="c", subcore_axis_name="s")

    @functools.partial(
        pl.kernel,
        out_type=jax.ShapeDtypeStruct((n, d), jnp.float32),
        mesh=mesh,
        scratch_types=[
            pltpu.VMEM((per_w,), jnp.int32),
            pltpu.VMEM((chunk, d), jnp.float32),
            pltpu.VMEM((chunk, d), jnp.float32),
            pltpu.SemaphoreType.DMA,
            pltpu.SemaphoreType.DMA,
        ],
        compiler_params=pltpu.CompilerParams(needs_layout_passes=False),
    )
    def feat_kernel(ids_hbm, tab_hbm, out_hbm, ids_v, rows0, rows1, sem0, sem1):
        wid = lax.axis_index("s") * 2 + lax.axis_index("c")
        base = jnp.minimum(wid * per_w, n - per_w)
        pltpu.sync_copy(ids_hbm.at[pl.ds(base, per_w)], ids_v)
        bufs = (rows0, rows1)
        sems = (sem0, sem1)

        def gather(k):
            return pltpu.async_copy(
                tab_hbm.at[ids_v.at[pl.ds(k * chunk, chunk)]],
                bufs[k % 2], sems[k % 2])

        cp = gather(0)
        for k in range(n_chunks):
            cp.wait()
            if k + 1 < n_chunks:
                cp = gather(k + 1)
            pltpu.sync_copy(bufs[k % 2],
                            out_hbm.at[pl.ds(base + k * chunk, chunk), :])

    return feat_kernel(ids, table)


def _tc_rbf(d2_sq, centers_row, widths_row, n_rbf):
    rows, w128 = d2_sq.shape
    r_blk = 128
    grid = -(-rows // r_blk)

    def body(d2_ref, c_ref, w_ref, d_ref, cut_ref, rbf_ref):
        d2 = d2_ref[...]
        dd = jnp.sqrt(d2)
        d_ref[...] = dd
        x = dd * (1.0 / CUTOFF)
        x3 = x * x * x
        f = 1.0 + x3 * (-10.0 + x * (15.0 - 6.0 * x))
        cut_ref[...] = jnp.where(dd < CUTOFF, f, jnp.zeros_like(f))
        c_col = c_ref[...]
        w_col = w_ref[...]
        pieces = []
        for r in range(r_blk):
            z = dd[r:r + 1, :] - c_col
            pieces.append(jnp.exp(-w_col * z * z))
        rbf_ref[...] = jnp.concatenate(pieces, axis=1)

    return pl.pallas_call(
        body,
        grid=(grid,),
        in_specs=[
            pl.BlockSpec((r_blk, w128), lambda i: (i, 0)),
            pl.BlockSpec((n_rbf, 1), lambda i: (0, 0)),
            pl.BlockSpec((n_rbf, 1), lambda i: (0, 0)),
        ],
        out_specs=[
            pl.BlockSpec((r_blk, w128), lambda i: (i, 0)),
            pl.BlockSpec((r_blk, w128), lambda i: (i, 0)),
            pl.BlockSpec((n_rbf, r_blk * w128), lambda i: (0, i)),
        ],
        out_shape=[
            jax.ShapeDtypeStruct((rows, w128), jnp.float32),
            jax.ShapeDtypeStruct((rows, w128), jnp.float32),
            jax.ShapeDtypeStruct((n_rbf, rows * w128), jnp.float32),
        ],
    )(d2_sq, centers_row, widths_row)


def kernel(atomic_numbers, positions, idx_i, idx_j,
           atom_features, rbf_centers, rbf_widths):
    p = idx_i.shape[0]
    n_rbf = rbf_centers.shape[0]

    ii = idx_i.astype(jnp.int32)
    jj = idx_j.astype(jnp.int32)
    pos = positions.astype(jnp.float32)
    d2 = _sc_pair_dist2(pos[:, 0], pos[:, 1], pos[:, 2], ii, jj)

    d_sq, cut_sq, rbfs_t = _tc_rbf(
        d2.reshape(p // 128, 128),
        rbf_centers.astype(jnp.float32).reshape(n_rbf, 1),
        rbf_widths.astype(jnp.float32).reshape(n_rbf, 1),
        n_rbf,
    )
    distances = d_sq.reshape(p)
    cutoffs = cut_sq.reshape(p)
    rbfs = jnp.transpose(rbfs_t)

    features = _sc_features(atomic_numbers.astype(jnp.int32),
                            atom_features.astype(jnp.float32))

    return (features, distances, cutoffs, rbfs, distances)

# --- scband reference (transcript-rebuilt; emitter-appended) ---
"""Pipeline reference for scband-input-phys-net-3221225472172 (READ-ONLY COPY).

The authoritative reference and input builder live on the scoring server;
editing this copy changes nothing except your own understanding.
"""

import jax, jax.numpy as jnp
import numpy as np

N_ATOMS = 50000
N_PAIRS = 800000
N_MAXATOM = 94
N_ATOMBASIS = 128
N_RBF = 64
CUTOFF = 8.0
RBF_START = 1.0
RBF_END = 8.0
FEAT_RANGE = float(np.sqrt(3.0))


def poly6_cutoff(d, cutoff):
    x = d / cutoff
    f = 1.0 - 6.0 * x**5 + 15.0 * x**4 - 10.0 * x**3
    return jnp.where(d < cutoff, f, jnp.zeros_like(f))


def setup_inputs(seed: int = 0) -> dict:
    key = jax.random.key(seed)
    k1, k2, k3, k4, k5 = jax.random.split(key, 5)
    atomic_numbers = jax.random.randint(k1, (N_ATOMS,), 1, N_MAXATOM + 1)
    positions = jax.random.normal(k2, (N_ATOMS, 3), dtype=jnp.float32) * 10.0
    idx_i = jax.random.randint(k3, (N_PAIRS,), 0, N_ATOMS)
    offset = jax.random.randint(k4, (N_PAIRS,), 1, N_ATOMS)
    idx_j = (idx_i + offset) % N_ATOMS  # avoid self-pairs (zero distance)
    atom_features = jax.random.uniform(
        k5, (N_MAXATOM + 1, N_ATOMBASIS), dtype=jnp.float32,
        minval=-FEAT_RANGE, maxval=FEAT_RANGE)
    atom_features = atom_features.at[0].set(0.0)  # padding_idx=0
    rbf_centers = jnp.linspace(RBF_START, RBF_END, N_RBF, dtype=jnp.float32)
    width = ((RBF_END - RBF_START) / N_RBF) ** -2
    rbf_widths = jnp.full((N_RBF,), width, dtype=jnp.float32)
    return {
        "atomic_numbers": atomic_numbers,
        "positions": positions,
        "idx_i": idx_i,
        "idx_j": idx_j,
        "atom_features": atom_features,
        "rbf_centers": rbf_centers,
        "rbf_widths": rbf_widths,
    }


def reference(atomic_numbers, positions, idx_i, idx_j,
              atom_features, rbf_centers, rbf_widths):
    # features = self.atom_features(atomic_numbers)
    features = jnp.take(atom_features, atomic_numbers, axis=0)
    # distances = ||positions[idx_j] - positions[idx_i]||
    vec = jnp.take(positions, idx_j, axis=0) - jnp.take(positions, idx_i, axis=0)
    distances = jnp.linalg.norm(vec, axis=-1)
    # cutoffs = Poly6 cutoff fn
    cutoffs = poly6_cutoff(distances, CUTOFF)
    # rbfs = GaussianRBF(distances)
    rbfs = jnp.exp(-rbf_widths[None, :] * (distances[:, None] - rbf_centers[None, :]) ** 2)
    # idx_u / idx_v not provided -> distances_uv = distances
    distances_uv = distances
    return (features, distances, cutoffs, rbfs, distances_uv)

if __name__ == "__main__":
    import jax
    _d = setup_inputs()
    print(jax.jit(kernel)(*tuple(_d.values())))

</pallas_src>

<mosaic_0001>
#map = affine_map<(d0, d1) -> (0)>
module attributes {stable_mosaic.version = 14 : i64} {
  func.func @sc_kernel(%arg0: i32, %arg1: i32, %arg2: memref<50000xf32, #tpu.memory_space<hbm>>, %arg3: memref<50000xf32, #tpu.memory_space<hbm>>, %arg4: memref<50000xf32, #tpu.memory_space<hbm>>, %arg5: memref<800000xi32, #tpu.memory_space<hbm>>, %arg6: memref<800000xi32, #tpu.memory_space<hbm>>, %arg7: memref<800000xf32, #tpu.memory_space<hbm>>, %arg8: memref<50000xf32, #tpu.memory_space<vmem>>, %arg9: memref<25008xi32, #tpu.memory_space<vmem>>, %arg10: memref<25008xi32, #tpu.memory_space<vmem>>, %arg11: memref<25008xf32, #tpu.memory_space<vmem>>) attributes {dimension_semantics = [#tpu.dimension_semantics<core_parallel>, #tpu.dimension_semantics<subcore_parallel>], iteration_bounds = array<i64: 2, 16>, scalar_prefetch = 0 : i64, scratch_operands = 4 : i64, tpu.core_type = #tpu.core_type<sc_vector_subcore>, window_params = [{transform_indices = #map}, {transform_indices = #map}, {transform_indices = #map}, {transform_indices = #map}, {transform_indices = #map}, {transform_indices = #map}]} {
    %mul3A = arith.constant 2 : i32
    %mul3A_0 = arith.muli %arg1, %mul3A : i32
    %add3A = arith.addi %mul3A_0, %arg0 : i32
    %mul3A_1 = arith.constant 25008 : i32
    %mul3A_2 = arith.muli %add3A, %mul3A_1 : i32
    %min3A = arith.constant 774992 : i32
    %min3A_3 = arith.minsi %mul3A_2, %min3A : i32
    "tpu.region"() ({
      %run_scoped3A = tpu.sem_alloc : memref<!tpu.dma_semaphore, #tpu.memory_space<semaphore_mem>>
      %dma_start3A = tpu.memref_slice %arg5[%min3A_3] : memref<800000xi32, #tpu.memory_space<hbm>> -> memref<25008xi32, #tpu.memory_space<hbm>>
      %dma_start3A_12 = tpu.memref_slice %arg5[%min3A_3] : memref<800000xi32, #tpu.memory_space<hbm>> -> memref<25008xi32, #tpu.memory_space<hbm>>
      tpu.enqueue_dma source(%dma_start3A_12 : memref<25008xi32, #tpu.memory_space<hbm>>) target(%arg9 : memref<25008xi32, #tpu.memory_space<vmem>>) target_semaphore(%run_scoped3A : memref<!tpu.dma_semaphore, #tpu.memory_space<semaphore_mem>>)
      %dma_wait3A = tpu.memref_slice %arg5[%min3A_3] : memref<800000xi32, #tpu.memory_space<hbm>> -> memref<25008xi32, #tpu.memory_space<hbm>>
      %dma_wait3A_13 = tpu.memref_slice %arg5[%min3A_3] : memref<800000xi32, #tpu.memory_space<hbm>> -> memref<25008xi32, #tpu.memory_space<hbm>>
      tpu.wait_dma2 semaphore(%run_scoped3A : memref<!tpu.dma_semaphore, #tpu.memory_space<semaphore_mem>>) src(%dma_wait3A_13 : memref<25008xi32, #tpu.memory_space<hbm>>) dst(%arg9 : memref<25008xi32, #tpu.memory_space<vmem>>)
      tpu.yield
    }) : () -> ()
    "tpu.region"() ({
      %run_scoped3A = tpu.sem_alloc : memref<!tpu.dma_semaphore, #tpu.memory_space<semaphore_mem>>
      %dma_start3A = tpu.memref_slice %arg6[%min3A_3] : memref<800000xi32, #tpu.memory_space<hbm>> -> memref<25008xi32, #tpu.memory_space<hbm>>
      %dma_start3A_12 = tpu.memref_slice %arg6[%min3A_3] : memref<800000xi32, #tpu.memory_space<hbm>> -> memref<25008xi32, #tpu.memory_space<hbm>>
      tpu.enqueue_dma source(%dma_start3A_12 : memref<25008xi32, #tpu.memory_space<hbm>>) target(%arg10 : memref<25008xi32, #tpu.memory_space<vmem>>) target_semaphore(%run_scoped3A : memref<!tpu.dma_semaphore, #tpu.memory_space<semaphore_mem>>)
      %dma_wait3A = tpu.memref_slice %arg6[%min3A_3] : memref<800000xi32, #tpu.memory_space<hbm>> -> memref<25008xi32, #tpu.memory_space<hbm>>
      %dma_wait3A_13 = tpu.memref_slice %arg6[%min3A_3] : memref<800000xi32, #tpu.memory_space<hbm>> -> memref<25008xi32, #tpu.memory_space<hbm>>
      tpu.wait_dma2 semaphore(%run_scoped3A : memref<!tpu.dma_semaphore, #tpu.memory_space<semaphore_mem>>) src(%dma_wait3A_13 : memref<25008xi32, #tpu.memory_space<hbm>>) dst(%arg10 : memref<25008xi32, #tpu.memory_space<vmem>>)
      tpu.yield
    }) : () -> ()
    "tpu.region"() ({
      %run_scoped3A = tpu.sem_alloc : memref<!tpu.dma_semaphore, #tpu.memory_space<semaphore_mem>>
      tpu.enqueue_dma source(%arg2 : memref<50000xf32, #tpu.memory_space<hbm>>) target(%arg8 : memref<50000xf32, #tpu.memory_space<vmem>>) target_semaphore(%run_scoped3A : memref<!tpu.dma_semaphore, #tpu.memory_space<semaphore_mem>>)
      tpu.wait_dma2 semaphore(%run_scoped3A : memref<!tpu.dma_semaphore, #tpu.memory_space<semaphore_mem>>) src(%arg2 : memref<50000xf32, #tpu.memory_space<hbm>>) dst(%arg8 : memref<50000xf32, #tpu.memory_space<vmem>>)
      tpu.yield
    }) : () -> ()
    %parallel_loop3A = arith.constant 0 : i32
    %parallel_loop3A_4 = arith.constant 25008 : i32
    %parallel_loop3A_5 = arith.constant 16 : i32
    scf.for %parallel_loop3A_12 = %parallel_loop3A to %parallel_loop3A_4 step %parallel_loop3A_5  : i32 {
      %parallel_loop3A_13 = arith.index_cast %parallel_loop3A_12 : i32 to index
      %parallel_loop3A_14 = tpu.vector_load %arg9[%parallel_loop3A_13] {strides = array<i32>} : memref<25008xi32, #tpu.memory_space<vmem>>, vector<16xi32>,
      %parallel_loop3A_15 = arith.index_cast %parallel_loop3A_12 : i32 to index
      %parallel_loop3A_16 = tpu.vector_load %arg10[%parallel_loop3A_15] {strides = array<i32>} : memref<25008xi32, #tpu.memory_space<vmem>>, vector<16xi32>,
      %parallel_loop3A_17 = tpu.vector_load_idx %arg8[%parallel_loop3A_14] : memref<50000xf32, #tpu.memory_space<vmem>>[vector<16xi32>], vector<16xf32>,
      %parallel_loop3A_18 = tpu.vector_load_idx %arg8[%parallel_loop3A_16] : memref<50000xf32, #tpu.memory_space<vmem>>[vector<16xi32>], vector<16xf32>,
      %parallel_loop3A_19 = arith.subf %parallel_loop3A_18, %parallel_loop3A_17 : vector<16xf32>
      %parallel_loop3A_20 = arith.mulf %parallel_loop3A_19, %parallel_loop3A_19 : vector<16xf32>
      %parallel_loop3A_21 = arith.index_cast %parallel_loop3A_12 : i32 to index
      %parallel_loop3A_22 = tpu.vector_load %arg11[%parallel_loop3A_21] {strides = array<i32>} : memref<25008xf32, #tpu.memory_space<vmem>>, vector<16xf32>,
      tpu.vector_store %arg11[%parallel_loop3A_21], %parallel_loop3A_20 {strides = array<i32>} : memref<25008xf32, #tpu.memory_space<vmem>>, vector<16xf32>,
    } {sc.loop_unroll_factor = 8 : i64, sc.parallel_access}
    "tpu.region"() ({
      %run_scoped3A = tpu.sem_alloc : memref<!tpu.dma_semaphore, #tpu.memory_space<semaphore_mem>>
      tpu.enqueue_dma source(%arg3 : memref<50000xf32, #tpu.memory_space<hbm>>) target(%arg8 : memref<50000xf32, #tpu.memory_space<vmem>>) target_semaphore(%run_scoped3A : memref<!tpu.dma_semaphore, #tpu.memory_space<semaphore_mem>>)
      tpu.wait_dma2 semaphore(%run_scoped3A : memref<!tpu.dma_semaphore, #tpu.memory_space<semaphore_mem>>) src(%arg3 : memref<50000xf32, #tpu.memory_space<hbm>>) dst(%arg8 : memref<50000xf32, #tpu.memory_space<vmem>>)
      tpu.yield
    }) : () -> ()
    %parallel_loop3A_6 = arith.constant 0 : i32
    %parallel_loop3A_7 = arith.constant 25008 : i32
    %parallel_loop3A_8 = arith.constant 16 : i32
    scf.for %parallel_loop3A_12 = %parallel_loop3A_6 to %parallel_loop3A_7 step %parallel_loop3A_8  : i32 {
      %parallel_loop3A_13 = arith.index_cast %parallel_loop3A_12 : i32 to index
      %parallel_loop3A_14 = tpu.vector_load %arg9[%parallel_loop3A_13] {strides = array<i32>} : memref<25008xi32, #tpu.memory_space<vmem>>, vector<16xi32>,
      %parallel_loop3A_15 = arith.index_cast %parallel_loop3A_12 : i32 to index
      %parallel_loop3A_16 = tpu.vector_load %arg10[%parallel_loop3A_15] {strides = array<i32>} : memref<25008xi32, #tpu.memory_space<vmem>>, vector<16xi32>,
      %parallel_loop3A_17 = tpu.vector_load_idx %arg8[%parallel_loop3A_14] : memref<50000xf32, #tpu.memory_space<vmem>>[vector<16xi32>], vector<16xf32>,
      %parallel_loop3A_18 = tpu.vector_load_idx %arg8[%parallel_loop3A_16] : memref<50000xf32, #tpu.memory_space<vmem>>[vector<16xi32>], vector<16xf32>,
      %parallel_loop3A_19 = arith.subf %parallel_loop3A_18, %parallel_loop3A_17 : vector<16xf32>
      %parallel_loop3A_20 = arith.index_cast %parallel_loop3A_12 : i32 to index
      %parallel_loop3A_21 = tpu.vector_load %arg11[%parallel_loop3A_20] {strides = array<i32>} : memref<25008xf32, #tpu.memory_space<vmem>>, vector<16xf32>,
      %parallel_loop3A_22 = arith.mulf %parallel_loop3A_19, %parallel_loop3A_19 : vector<16xf32>
      %parallel_loop3A_23 = arith.addf %parallel_loop3A_21, %parallel_loop3A_22 : vector<16xf32>
      %parallel_loop3A_24 = arith.index_cast %parallel_loop3A_12 : i32 to index
      %parallel_loop3A_25 = tpu.vector_load %arg11[%parallel_loop3A_24] {strides = array<i32>} : memref<25008xf32, #tpu.memory_space<vmem>>, vector<16xf32>,
      tpu.vector_store %arg11[%parallel_loop3A_24], %parallel_loop3A_23 {strides = array<i32>} : memref<25008xf32, #tpu.memory_space<vmem>>, vector<16xf32>,
    } {sc.loop_unroll_factor = 8 : i64, sc.parallel_access}
    "tpu.region"() ({
      %run_scoped3A = tpu.sem_alloc : memref<!tpu.dma_semaphore, #tpu.memory_space<semaphore_mem>>
      tpu.enqueue_dma source(%arg4 : memref<50000xf32, #tpu.memory_space<hbm>>) target(%arg8 : memref<50000xf32, #tpu.memory_space<vmem>>) target_semaphore(%run_scoped3A : memref<!tpu.dma_semaphore, #tpu.memory_space<semaphore_mem>>)
      tpu.wait_dma2 semaphore(%run_scoped3A : memref<!tpu.dma_semaphore, #tpu.memory_space<semaphore_mem>>) src(%arg4 : memref<50000xf32, #tpu.memory_space<hbm>>) dst(%arg8 : memref<50000xf32, #tpu.memory_space<vmem>>)
      tpu.yield
    }) : () -> ()
    %parallel_loop3A_9 = arith.constant 0 : i32
    %parallel_loop3A_10 = arith.constant 25008 : i32
    %parallel_loop3A_11 = arith.constant 16 : i32
    scf.for %parallel_loop3A_12 = %parallel_loop3A_9 to %parallel_loop3A_10 step %parallel_loop3A_11  : i32 {
      %parallel_loop3A_13 = arith.index_cast %parallel_loop3A_12 : i32 to index
      %parallel_loop3A_14 = tpu.vector_load %arg9[%parallel_loop3A_13] {strides = array<i32>} : memref<25008xi32, #tpu.memory_space<vmem>>, vector<16xi32>,
      %parallel_loop3A_15 = arith.index_cast %parallel_loop3A_12 : i32 to index
      %parallel_loop3A_16 = tpu.vector_load %arg10[%parallel_loop3A_15] {strides = array<i32>} : memref<25008xi32, #tpu.memory_space<vmem>>, vector<16xi32>,
      %parallel_loop3A_17 = tpu.vector_load_idx %arg8[%parallel_loop3A_14] : memref<50000xf32, #tpu.memory_space<vmem>>[vector<16xi32>], vector<16xf32>,
      %parallel_loop3A_18 = tpu.vector_load_idx %arg8[%parallel_loop3A_16] : memref<50000xf32, #tpu.memory_space<vmem>>[vector<16xi32>], vector<16xf32>,
      %parallel_loop3A_19 = arith.subf %parallel_loop3A_18, %parallel_loop3A_17 : vector<16xf32>
      %parallel_loop3A_20 = arith.index_cast %parallel_loop3A_12 : i32 to index
      %parallel_loop3A_21 = tpu.vector_load %arg11[%parallel_loop3A_20] {strides = array<i32>} : memref<25008xf32, #tpu.memory_space<vmem>>, vector<16xf32>,
      %parallel_loop3A_22 = arith.mulf %parallel_loop3A_19, %parallel_loop3A_19 : vector<16xf32>
      %parallel_loop3A_23 = arith.addf %parallel_loop3A_21, %parallel_loop3A_22 : vector<16xf32>
      %parallel_loop3A_24 = arith.index_cast %parallel_loop3A_12 : i32 to index
      %parallel_loop3A_25 = tpu.vector_load %arg11[%parallel_loop3A_24] {strides = array<i32>} : memref<25008xf32, #tpu.memory_space<vmem>>, vector<16xf32>,
      tpu.vector_store %arg11[%parallel_loop3A_24], %parallel_loop3A_23 {strides = array<i32>} : memref<25008xf32, #tpu.memory_space<vmem>>, vector<16xf32>,
    } {sc.loop_unroll_factor = 8 : i64, sc.parallel_access}
    "tpu.region"() ({
      %run_scoped3A = tpu.sem_alloc : memref<!tpu.dma_semaphore, #tpu.memory_space<semaphore_mem>>
      %dma_start3A = tpu.memref_slice %arg7[%min3A_3] : memref<800000xf32, #tpu.memory_space<hbm>> -> memref<25008xf32, #tpu.memory_space<hbm>>
      %dma_start3A_12 = tpu.memref_slice %arg7[%min3A_3] : memref<800000xf32, #tpu.memory_space<hbm>> -> memref<25008xf32, #tpu.memory_space<hbm>>
      tpu.enqueue_dma source(%arg11 : memref<25008xf32, #tpu.memory_space<vmem>>) target(%dma_start3A_12 : memref<25008xf32, #tpu.memory_space<hbm>>) target_semaphore(%run_scoped3A : memref<!tpu.dma_semaphore, #tpu.memory_space<semaphore_mem>>)
      %dma_wait3A = tpu.memref_slice %arg7[%min3A_3] : memref<800000xf32, #tpu.memory_space<hbm>> -> memref<25008xf32, #tpu.memory_space<hbm>>
      %dma_wait3A_13 = tpu.memref_slice %arg7[%min3A_3] : memref<800000xf32, #tpu.memory_space<hbm>> -> memref<25008xf32, #tpu.memory_space<hbm>>
      tpu.wait_dma2 semaphore(%run_scoped3A : memref<!tpu.dma_semaphore, #tpu.memory_space<semaphore_mem>>) src(%arg11 : memref<25008xf32, #tpu.memory_space<vmem>>) dst(%dma_wait3A_13 : memref<25008xf32, #tpu.memory_space<hbm>>)
      tpu.yield
    }) : () -> ()
    return
  }
}

#map = affine_map<(d0, d1) -> (0)>
#map1 = affine_map<(d0, d1) -> (0, 0)>
module attributes {stable_mosaic.version = 14 : i64} {
  func.func @feat_kernel(%arg0: i32, %arg1: i32, %arg2: memref<50000xi32, #tpu.memory_space<hbm>>, %arg3: memref<95x128xf32, #tpu.memory_space<hbm>>, %arg4: memref<50000x128xf32, #tpu.memory_space<hbm>>, %arg5: memref<1600xi32, #tpu.memory_space<vmem>>, %arg6: memref<400x128xf32, #tpu.memory_space<vmem>>, %arg7: memref<400x128xf32, #tpu.memory_space<vmem>>, %arg8: memref<!tpu.dma_semaphore, #tpu.memory_space<semaphore_mem>>, %arg9: memref<!tpu.dma_semaphore, #tpu.memory_space<semaphore_mem>>) attributes {dimension_semantics = [#tpu.dimension_semantics<core_parallel>, #tpu.dimension_semantics<subcore_parallel>], iteration_bounds = array<i64: 2, 16>, scalar_prefetch = 0 : i64, scratch_operands = 5 : i64, tpu.core_type = #tpu.core_type<sc_vector_subcore>, window_params = [{transform_indices = #map}, {transform_indices = #map1}, {transform_indices = #map1}]} {
    %mul3A = arith.constant 2 : i32
    %mul3A_0 = arith.muli %arg1, %mul3A : i32
    %add3A = arith.addi %mul3A_0, %arg0 : i32
    %mul3A_1 = arith.constant 1600 : i32
    %mul3A_2 = arith.muli %add3A, %mul3A_1 : i32
    %min3A = arith.constant 48400 : i32
    %min3A_3 = arith.minsi %mul3A_2, %min3A : i32
    "tpu.region"() ({
      %run_scoped3A = tpu.sem_alloc : memref<!tpu.dma_semaphore, #tpu.memory_space<semaphore_mem>>
      %dma_start3A_50 = tpu.memref_slice %arg2[%min3A_3] : memref<50000xi32, #tpu.memory_space<hbm>> -> memref<1600xi32, #tpu.memory_space<hbm>>
      %dma_start3A_51 = tpu.memref_slice %arg2[%min3A_3] : memref<50000xi32, #tpu.memory_space<hbm>> -> memref<1600xi32, #tpu.memory_space<hbm>>
      tpu.enqueue_dma source(%dma_start3A_51 : memref<1600xi32, #tpu.memory_space<hbm>>) target(%arg5 : memref<1600xi32, #tpu.memory_space<vmem>>) target_semaphore(%run_scoped3A : memref<!tpu.dma_semaphore, #tpu.memory_space<semaphore_mem>>)
      %dma_wait3A_52 = tpu.memref_slice %arg2[%min3A_3] : memref<50000xi32, #tpu.memory_space<hbm>> -> memref<1600xi32, #tpu.memory_space<hbm>>
      %dma_wait3A_53 = tpu.memref_slice %arg2[%min3A_3] : memref<50000xi32, #tpu.memory_space<hbm>> -> memref<1600xi32, #tpu.memory_space<hbm>>
      tpu.wait_dma2 semaphore(%run_scoped3A : memref<!tpu.dma_semaphore, #tpu.memory_space<semaphore_mem>>) src(%dma_wait3A_53 : memref<1600xi32, #tpu.memory_space<hbm>>) dst(%arg5 : memref<1600xi32, #tpu.memory_space<vmem>>)
      tpu.yield
    }) : () -> ()
    %dma_start3A = arith.constant 0 : i32
    %dma_start3A_4 = tpu.memref_slice %arg5[%dma_start3A] : memref<1600xi32, #tpu.memory_space<vmem>> -> memref<400xi32, #tpu.memory_space<vmem>>
    %dma_start3A_5 = arith.constant 0 : i32
    %dma_start3A_6 = arith.constant 0 : i32
    %dma_start3A_7 = tpu.memref_slice %arg3[%dma_start3A_5, %dma_start3A_6] : memref<95x128xf32, #tpu.memory_space<hbm>> -> memref<95x128xf32, #tpu.memory_space<hbm>>
    tpu.enqueue_indirect_dma source(%dma_start3A_7 : memref<95x128xf32, #tpu.memory_space<hbm>>) target(%arg6 : memref<400x128xf32, #tpu.memory_space<vmem>>) offsets(%dma_start3A_4 : memref<400xi32, #tpu.memory_space<vmem>>) semaphore(%arg8 : memref<!tpu.dma_semaphore, #tpu.memory_space<semaphore_mem>>)
    %dma_wait3A = arith.constant 0 : i32
    %dma_wait3A_8 = tpu.memref_slice %arg5[%dma_wait3A] : memref<1600xi32, #tpu.memory_space<vmem>> -> memref<400xi32, #tpu.memory_space<vmem>>
    %dma_wait3A_9 = arith.constant 0 : i32
    %dma_wait3A_10 = arith.constant 0 : i32
    %dma_wait3A_11 = tpu.memref_slice %arg3[%dma_wait3A_9, %dma_wait3A_10] : memref<95x128xf32, #tpu.memory_space<hbm>> -> memref<95x128xf32, #tpu.memory_space<hbm>>
    tpu.wait_indirect_dma semaphore(%arg8 : memref<!tpu.dma_semaphore, #tpu.memory_space<semaphore_mem>>) src(%dma_wait3A_11 : memref<95x128xf32, #tpu.memory_space<hbm>>) dst(%arg6 : memref<400x128xf32, #tpu.memory_space<vmem>>)
    %dma_start3A_12 = arith.constant 400 : i32
    %dma_start3A_13 = tpu.memref_slice %arg5[%dma_start3A_12] : memref<1600xi32, #tpu.memory_space<vmem>> -> memref<400xi32, #tpu.memory_space<vmem>>
    %dma_start3A_14 = arith.constant 0 : i32
    %dma_start3A_15 = arith.constant 0 : i32
    %dma_start3A_16 = tpu.memref_slice %arg3[%dma_start3A_14, %dma_start3A_15] : memref<95x128xf32, #tpu.memory_space<hbm>> -> memref<95x128xf32, #tpu.memory_space<hbm>>
    tpu.enqueue_indirect_dma source(%dma_start3A_16 : memref<95x128xf32, #tpu.memory_space<hbm>>) target(%arg7 : memref<400x128xf32, #tpu.memory_space<vmem>>) offsets(%dma_start3A_13 : memref<400xi32, #tpu.memory_space<vmem>>) semaphore(%arg9 : memref<!tpu.dma_semaphore, #tpu.memory_space<semaphore_mem>>)
    %add3A_17 = arith.constant 0 : i32
    %add3A_18 = arith.addi %min3A_3, %add3A_17 : i32
    "tpu.region"() ({
      %run_scoped3A = tpu.sem_alloc : memref<!tpu.dma_semaphore, #tpu.memory_space<semaphore_mem>>
      %dma_start3A_50 = arith.constant 0 : i32
      %dma_start3A_51 = tpu.memref_slice %arg4[%add3A_18, %dma_start3A_50] : memref<50000x128xf32, #tpu.memory_space<hbm>> -> memref<400x128xf32, #tpu.memory_space<hbm>>
      %dma_start3A_52 = arith.constant 0 : i32
      %dma_start3A_53 = tpu.memref_slice %arg4[%add3A_18, %dma_start3A_52] : memref<50000x128xf32, #tpu.memory_space<hbm>> -> memref<400x128xf32, #tpu.memory_space<hbm>>
      tpu.enqueue_dma source(%arg6 : memref<400x128xf32, #tpu.memory_space<vmem>>) target(%dma_start3A_53 : memref<400x128xf32, #tpu.memory_space<hbm>>) target_semaphore(%run_scoped3A : memref<!tpu.dma_semaphore, #tpu.memory_space<semaphore_mem>>)
      %dma_wait3A_54 = arith.constant 0 : i32
      %dma_wait3A_55 = tpu.memref_slice %arg4[%add3A_18, %dma_wait3A_54] : memref<50000x128xf32, #tpu.memory_space<hbm>> -> memref<400x128xf32, #tpu.memory_space<hbm>>
      %dma_wait3A_56 = arith.constant 0 : i32
      %dma_wait3A_57 = tpu.memref_slice %arg4[%add3A_18, %dma_wait3A_56] : memref<50000x128xf32, #tpu.memory_space<hbm>> -> memref<400x128xf32, #tpu.memory_space<hbm>>
      tpu.wait_dma2 semaphore(%run_scoped3A : memref<!tpu.dma_semaphore, #tpu.memory_space<semaphore_mem>>) src(%arg6 : memref<400x128xf32, #tpu.memory_space<vmem>>) dst(%dma_wait3A_57 : memref<400x128xf32, #tpu.memory_space<hbm>>)
      tpu.yield
    }) : () -> ()
    %dma_wait3A_19 = arith.constant 400 : i32
    %dma_wait3A_20 = tpu.memref_slice %arg5[%dma_wait3A_19] : memref<1600xi32, #tpu.memory_space<vmem>> -> memref<400xi32, #tpu.memory_space<vmem>>
    %dma_wait3A_21 = arith.constant 0 : i32
    %dma_wait3A_22 = arith.constant 0 : i32
    %dma_wait3A_23 = tpu.memref_slice %arg3[%dma_wait3A_21, %dma_wait3A_22] : memref<95x128xf32, #tpu.memory_space<hbm>> -> memref<95x128xf32, #tpu.memory_space<hbm>>
    tpu.wait_indirect_dma semaphore(%arg9 : memref<!tpu.dma_semaphore, #tpu.memory_space<semaphore_mem>>) src(%dma_wait3A_23 : memref<95x128xf32, #tpu.memory_space<hbm>>) dst(%arg7 : memref<400x128xf32, #tpu.memory_space<vmem>>)
    %dma_start3A_24 = arith.constant 800 : i32
    %dma_start3A_25 = tpu.memref_slice %arg5[%dma_start3A_24] : memref<1600xi32, #tpu.memory_space<vmem>> -> memref<400xi32, #tpu.memory_space<vmem>>
    %dma_start3A_26 = arith.constant 0 : i32
    %dma_start3A_27 = arith.constant 0 : i32
    %dma_start3A_28 = tpu.memref_slice %arg3[%dma_start3A_26, %dma_start3A_27] : memref<95x128xf32, #tpu.memory_space<hbm>> -> memref<95x128xf32, #tpu.memory_space<hbm>>
    tpu.enqueue_indirect_dma source(%dma_start3A_28 : memref<95x128xf32, #tpu.memory_space<hbm>>) target(%arg6 : memref<400x128xf32, #tpu.memory_space<vmem>>) offsets(%dma_start3A_25 : memref<400xi32, #tpu.memory_space<vmem>>) semaphore(%arg8 : memref<!tpu.dma_semaphore, #tpu.memory_space<semaphore_mem>>)
    %add3A_29 = arith.constant 400 : i32
    %add3A_30 = arith.addi %min3A_3, %add3A_29 : i32
    "tpu.region"() ({
      %run_scoped3A = tpu.sem_alloc : memref<!tpu.dma_semaphore, #tpu.memory_space<semaphore_mem>>
      %dma_start3A_50 = arith.constant 0 : i32
      %dma_start3A_51 = tpu.memref_slice %arg4[%add3A_30, %dma_start3A_50] : memref<50000x128xf32, #tpu.memory_space<hbm>> -> memref<400x128xf32, #tpu.memory_space<hbm>>
      %dma_start3A_52 = arith.constant 0 : i32
      %dma_start3A_53 = tpu.memref_slice %arg4[%add3A_30, %dma_start3A_52] : memref<50000x128xf32, #tpu.memory_space<hbm>> -> memref<400x128xf32, #tpu.memory_space<hbm>>
      tpu.enqueue_dma source(%arg7 : memref<400x128xf32, #tpu.memory_space<vmem>>) target(%dma_start3A_53 : memref<400x128xf32, #tpu.memory_space<hbm>>) target_semaphore(%run_scoped3A : memref<!tpu.dma_semaphore, #tpu.memory_space<semaphore_mem>>)
      %dma_wait3A_54 = arith.constant 0 : i32
      %dma_wait3A_55 = tpu.memref_slice %arg4[%add3A_30, %dma_wait3A_54] : memref<50000x128xf32, #tpu.memory_space<hbm>> -> memref<400x128xf32, #tpu.memory_space<hbm>>
      %dma_wait3A_56 = arith.constant 0 : i32
      %dma_wait3A_57 = tpu.memref_slice %arg4[%add3A_30, %dma_wait3A_56] : memref<50000x128xf32, #tpu.memory_space<hbm>> -> memref<400x128xf32, #tpu.memory_space<hbm>>
      tpu.wait_dma2 semaphore(%run_scoped3A : memref<!tpu.dma_semaphore, #tpu.memory_space<semaphore_mem>>) src(%arg7 : memref<400x128xf32, #tpu.memory_space<vmem>>) dst(%dma_wait3A_57 : memref<400x128xf32, #tpu.memory_space<hbm>>)
      tpu.yield
    }) : () -> ()
    %dma_wait3A_31 = arith.constant 800 : i32
    %dma_wait3A_32 = tpu.memref_slice %arg5[%dma_wait3A_31] : memref<1600xi32, #tpu.memory_space<vmem>> -> memref<400xi32, #tpu.memory_space<vmem>>
    %dma_wait3A_33 = arith.constant 0 : i32
    %dma_wait3A_34 = arith.constant 0 : i32
    %dma_wait3A_35 = tpu.memref_slice %arg3[%dma_wait3A_33, %dma_wait3A_34] : memref<95x128xf32, #tpu.memory_space<hbm>> -> memref<95x128xf32, #tpu.memory_space<hbm>>
    tpu.wait_indirect_dma semaphore(%arg8 : memref<!tpu.dma_semaphore, #tpu.memory_space<semaphore_mem>>) src(%dma_wait3A_35 : memref<95x128xf32, #tpu.memory_space<hbm>>) dst(%arg6 : memref<400x128xf32, #tpu.memory_space<vmem>>)
    %dma_start3A_36 = arith.constant 1200 : i32
    %dma_start3A_37 = tpu.memref_slice %arg5[%dma_start3A_36] : memref<1600xi32, #tpu.memory_space<vmem>> -> memref<400xi32, #tpu.memory_space<vmem>>
    %dma_start3A_38 = arith.constant 0 : i32
    %dma_start3A_39 = arith.constant 0 : i32
    %dma_start3A_40 = tpu.memref_slice %arg3[%dma_start3A_38, %dma_start3A_39] : memref<95x128xf32, #tpu.memory_space<hbm>> -> memref<95x128xf32, #tpu.memory_space<hbm>>
    tpu.enqueue_indirect_dma source(%dma_start3A_40 : memref<95x128xf32, #tpu.memory_space<hbm>>) target(%arg7 : memref<400x128xf32, #tpu.memory_space<vmem>>) offsets(%dma_start3A_37 : memref<400xi32, #tpu.memory_space<vmem>>) semaphore(%arg9 : memref<!tpu.dma_semaphore, #tpu.memory_space<semaphore_mem>>)
    %add3A_41 = arith.constant 800 : i32
    %add3A_42 = arith.addi %min3A_3, %add3A_41 : i32
    "tpu.region"() ({
      %run_scoped3A = tpu.sem_alloc : memref<!tpu.dma_semaphore, #tpu.memory_space<semaphore_mem>>
      %dma_start3A_50 = arith.constant 0 : i32
      %dma_start3A_51 = tpu.memref_slice %arg4[%add3A_42, %dma_start3A_50] : memref<50000x128xf32, #tpu.memory_space<hbm>> -> memref<400x128xf32, #tpu.memory_space<hbm>>
      %dma_start3A_52 = arith.constant 0 : i32
      %dma_start3A_53 = tpu.memref_slice %arg4[%add3A_42, %dma_start3A_52] : memref<50000x128xf32, #tpu.memory_space<hbm>> -> memref<400x128xf32, #tpu.memory_space<hbm>>
      tpu.enqueue_dma source(%arg6 : memref<400x128xf32, #tpu.memory_space<vmem>>) target(%dma_start3A_53 : memref<400x128xf32, #tpu.memory_space<hbm>>) target_semaphore(%run_scoped3A : memref<!tpu.dma_semaphore, #tpu.memory_space<semaphore_mem>>)
      %dma_wait3A_54 = arith.constant 0 : i32
      %dma_wait3A_55 = tpu.memref_slice %arg4[%add3A_42, %dma_wait3A_54] : memref<50000x128xf32, #tpu.memory_space<hbm>> -> memref<400x128xf32, #tpu.memory_space<hbm>>
      %dma_wait3A_56 = arith.constant 0 : i32
      %dma_wait3A_57 = tpu.memref_slice %arg4[%add3A_42, %dma_wait3A_56] : memref<50000x128xf32, #tpu.memory_space<hbm>> -> memref<400x128xf32, #tpu.memory_space<hbm>>
      tpu.wait_dma2 semaphore(%run_scoped3A : memref<!tpu.dma_semaphore, #tpu.memory_space<semaphore_mem>>) src(%arg6 : memref<400x128xf32, #tpu.memory_space<vmem>>) dst(%dma_wait3A_57 : memref<400x128xf32, #tpu.memory_space<hbm>>)
      tpu.yield
    }) : () -> ()
    %dma_wait3A_43 = arith.constant 1200 : i32
    %dma_wait3A_44 = tpu.memref_slice %arg5[%dma_wait3A_43] : memref<1600xi32, #tpu.memory_space<vmem>> -> memref<400xi32, #tpu.memory_space<vmem>>
    %dma_wait3A_45 = arith.constant 0 : i32
    %dma_wait3A_46 = arith.constant 0 : i32
    %dma_wait3A_47 = tpu.memref_slice %arg3[%dma_wait3A_45, %dma_wait3A_46] : memref<95x128xf32, #tpu.memory_space<hbm>> -> memref<95x128xf32, #tpu.memory_space<hbm>>
    tpu.wait_indirect_dma semaphore(%arg9 : memref<!tpu.dma_semaphore, #tpu.memory_space<semaphore_mem>>) src(%dma_wait3A_47 : memref<95x128xf32, #tpu.memory_space<hbm>>) dst(%arg7 : memref<400x128xf32, #tpu.memory_space<vmem>>)
    %add3A_48 = arith.constant 1200 : i32
    %add3A_49 = arith.addi %min3A_3, %add3A_48 : i32
    "tpu.region"() ({
      %run_scoped3A = tpu.sem_alloc : memref<!tpu.dma_semaphore, #tpu.memory_space<semaphore_mem>>
      %dma_start3A_50 = arith.constant 0 : i32
      %dma_start3A_51 = tpu.memref_slice %arg4[%add3A_49, %dma_start3A_50] : memref<50000x128xf32, #tpu.memory_space<hbm>> -> memref<400x128xf32, #tpu.memory_space<hbm>>
      %dma_start3A_52 = arith.constant 0 : i32
      %dma_start3A_53 = tpu.memref_slice %arg4[%add3A_49, %dma_start3A_52] : memref<50000x128xf32, #tpu.memory_space<hbm>> -> memref<400x128xf32, #tpu.memory_space<hbm>>
      tpu.enqueue_dma source(%arg7 : memref<400x128xf32, #tpu.memory_space<vmem>>) target(%dma_start3A_53 : memref<400x128xf32, #tpu.memory_space<hbm>>) target_semaphore(%run_scoped3A : memref<!tpu.dma_semaphore, #tpu.memory_space<semaphore_mem>>)
      %dma_wait3A_54 = arith.constant 0 : i32
      %dma_wait3A_55 = tpu.memref_slice %arg4[%add3A_49, %dma_wait3A_54] : memref<50000x128xf32, #tpu.memory_space<hbm>> -> memref<400x128xf32, #tpu.memory_space<hbm>>
      %dma_wait3A_56 = arith.constant 0 : i32
      %dma_wait3A_57 = tpu.memref_slice %arg4[%add3A_49, %dma_wait3A_56] : memref<50000x128xf32, #tpu.memory_space<hbm>> -> memref<400x128xf32, #tpu.memory_space<hbm>>
      tpu.wait_dma2 semaphore(%run_scoped3A : memref<!tpu.dma_semaphore, #tpu.memory_space<semaphore_mem>>) src(%arg7 : memref<400x128xf32, #tpu.memory_space<vmem>>) dst(%dma_wait3A_57 : memref<400x128xf32, #tpu.memory_space<hbm>>)
      tpu.yield
    }) : () -> ()
    return
  }
}

module attributes {stable_mosaic.version = 14 : i64} {
  func.func @body(%arg0: i32, %arg1: memref<128x128xf32, #tpu.memory_space<vmem>>, %arg2: memref<64x1xf32, #tpu.memory_space<vmem>>, %arg3: memref<64x1xf32, #tpu.memory_space<vmem>>, %arg4: memref<128x128xf32, #tpu.memory_space<vmem>>, %arg5: memref<128x128xf32, #tpu.memory_space<vmem>>, %arg6: memref<64x16384xf32, #tpu.memory_space<vmem>>) attributes {dimension_semantics = [#tpu.dimension_semantics<arbitrary>], iteration_bounds = array<i64: 49>, scalar_prefetch = 0 : i64, scratch_operands = 0 : i64, tpu.core_type = #tpu.core_type<tc>, window_params = [{transform_indices = @transform_0, window_bounds = array<i64: 128, 128>}, {pipeline_mode = #tpu.pipeline_mode<synchronous>, transform_indices = @transform_1, window_bounds = array<i64: 64, 1>}, {pipeline_mode = #tpu.pipeline_mode<synchronous>, transform_indices = @transform_2, window_bounds = array<i64: 64, 1>}, {transform_indices = @transform_3, window_bounds = array<i64: 128, 128>}, {transform_indices = @transform_4, window_bounds = array<i64: 128, 128>}, {transform_indices = @transform_5, window_bounds = array<i64: 64, 16384>}]} {
    %get3A = arith.constant 0 : index
    %get3A_0 = arith.constant 0 : index
    %get3A_1 = vector.load %arg1[%get3A, %get3A_0] : memref<128x128xf32, #tpu.memory_space<vmem>>, vector<128x128xf32>
    %sqrt3A = math.sqrt %get3A_1 : vector<128x128xf32>
    %swap3A = arith.constant 0 : index
    %swap3A_2 = arith.constant 0 : index
    %swap3A_3 = vector.load %arg4[%swap3A, %swap3A_2] : memref<128x128xf32, #tpu.memory_space<vmem>>, vector<128x128xf32>
    tpu.vector_store %arg4[%swap3A, %swap3A_2], %sqrt3A {strides = array<i32>} : memref<128x128xf32, #tpu.memory_space<vmem>>, vector<128x128xf32>,
    %mul3A = arith.constant 1.250000e-01 : f32
    %mul3A_4 = vector.broadcast %mul3A : f32 to vector<128x128xf32>
    %mul3A_5 = arith.mulf %sqrt3A, %mul3A_4 : vector<128x128xf32>
    %mul3A_6 = arith.mulf %mul3A_5, %mul3A_5 : vector<128x128xf32>
    %mul3A_7 = arith.mulf %mul3A_6, %mul3A_5 : vector<128x128xf32>
    %mul3A_8 = arith.constant 6.000000e+00 : f32
    %mul3A_9 = vector.broadcast %mul3A_8 : f32 to vector<128x128xf32>
    %mul3A_10 = arith.mulf %mul3A_9, %mul3A_5 : vector<128x128xf32>
    %sub3A = arith.constant 1.500000e+01 : f32
    %sub3A_11 = vector.broadcast %sub3A : f32 to vector<128x128xf32>
    %sub3A_12 = arith.subf %sub3A_11, %mul3A_10 : vector<128x128xf32>
    %mul3A_13 = arith.mulf %mul3A_5, %sub3A_12 : vector<128x128xf32>
    %add3A = arith.constant -1.000000e+01 : f32
    %add3A_14 = vector.broadcast %add3A : f32 to vector<128x128xf32>
    %add3A_15 = arith.addf %add3A_14, %mul3A_13 : vector<128x128xf32>
    %mul3A_16 = arith.mulf %mul3A_7, %add3A_15 : vector<128x128xf32>
    %add3A_17 = arith.constant 1.000000e+00 : f32
    %add3A_18 = vector.broadcast %add3A_17 : f32 to vector<128x128xf32>
    %add3A_19 = arith.addf %add3A_18, %mul3A_16 : vector<128x128xf32>
    %lt3A = arith.constant 8.000000e+00 : f32
    %lt3A_20 = vector.broadcast %lt3A : f32 to vector<128x128xf32>
    %lt3A_21 = arith.cmpf olt, %sqrt3A, %lt3A_20 : vector<128x128xf32>
    %broadcast_in_dim3A = arith.constant 0.000000e+00 : f32
    %broadcast_in_dim3A_22 = vector.broadcast %broadcast_in_dim3A : f32 to vector<128x128xf32>
    %select_n3A = arith.select %lt3A_21, %add3A_19, %broadcast_in_dim3A_22 : vector<128x128xi1>, vector<128x128xf32>
    %swap3A_23 = arith.constant 0 : index
    %swap3A_24 = arith.constant 0 : index
    %swap3A_25 = vector.load %arg5[%swap3A_23, %swap3A_24] : memref<128x128xf32, #tpu.memory_space<vmem>>, vector<128x128xf32>
    tpu.vector_store %arg5[%swap3A_23, %swap3A_24], %select_n3A {strides = array<i32>} : memref<128x128xf32, #tpu.memory_space<vmem>>, vector<128x128xf32>,
    %get3A_26 = arith.constant 0 : index
    %get3A_27 = arith.constant 0 : index
    %get3A_28 = vector.load %arg2[%get3A_26, %get3A_27] : memref<64x1xf32, #tpu.memory_space<vmem>>, vector<64x1xf32>
    %get3A_29 = arith.constant 0 : index
    %get3A_30 = arith.constant 0 : index
    %get3A_31 = vector.load %arg3[%get3A_29, %get3A_30] : memref<64x1xf32, #tpu.memory_space<vmem>>, vector<64x1xf32>
    %slice3A = vector.extract_strided_slice %sqrt3A {offsets = [0, 0], sizes = [1, 128], strides = [1, 1]} : vector<128x128xf32> to vector<1x128xf32>
    %sub3A_32 = vector.broadcast %slice3A : vector<1x128xf32> to vector<64x128xf32>
    %sub3A_33 = vector.broadcast %get3A_28 : vector<64x1xf32> to vector<64x128xf32>
    %sub3A_34 = arith.subf %sub3A_32, %sub3A_33 : vector<64x128xf32>
    %neg3A = arith.constant 0.000000e+00 : f32
    %neg3A_35 = vector.broadcast %neg3A : f32 to vector<64x1xf32>
    %neg3A_36 = arith.subf %neg3A_35, %get3A_31 : vector<64x1xf32>
    %mul3A_37 = vector.broadcast %neg3A_36 : vector<64x1xf32> to vector<64x128xf32>
    %mul3A_38 = arith.mulf %mul3A_37, %sub3A_34 : vector<64x128xf32>
    %mul3A_39 = arith.mulf %mul3A_38, %sub3A_34 : vector<64x128xf32>
    %exp3A = math.exp %mul3A_39 : vector<64x128xf32>
    %slice3A_40 = vector.extract_strided_slice %sqrt3A {offsets = [1, 0], sizes = [1, 128], strides = [1, 1]} : vector<128x128xf32> to vector<1x128xf32>
    %sub3A_41 = vector.broadcast %slice3A_40 : vector<1x128xf32> to vector<64x128xf32>
    %sub3A_42 = vector.broadcast %get3A_28 : vector<64x1xf32> to vector<64x128xf32>
    %sub3A_43 = arith.subf %sub3A_41, %sub3A_42 : vector<64x128xf32>
    %neg3A_44 = arith.constant 0.000000e+00 : f32
    %neg3A_45 = vector.broadcast %neg3A_44 : f32 to vector<64x1xf32>
    %neg3A_46 = arith.subf %neg3A_45, %get3A_31 : vector<64x1xf32>
    %mul3A_47 = vector.broadcast %neg3A_46 : vector<64x1xf32> to vector<64x128xf32>
    %mul3A_48 = arith.mulf %mul3A_47, %sub3A_43 : vector<64x128xf32>
    %mul3A_49 = arith.mulf %mul3A_48, %sub3A_43 : vector<64x128xf32>
    %exp3A_50 = math.exp %mul3A_49 : vector<64x128xf32>
    %slice3A_51 = vector.extract_strided_slice %sqrt3A {offsets = [2, 0], sizes = [1, 128], strides = [1, 1]} : vector<128x128xf32> to vector<1x128xf32>
    %sub3A_52 = vector.broadcast %slice3A_51 : vector<1x128xf32> to vector<64x128xf32>
    %sub3A_53 = vector.broadcast %get3A_28 : vector<64x1xf32> to vector<64x128xf32>
    %sub3A_54 = arith.subf %sub3A_52, %sub3A_53 : vector<64x128xf32>
    %neg3A_55 = arith.constant 0.000000e+00 : f32
    %neg3A_56 = vector.broadcast %neg3A_55 : f32 to vector<64x1xf32>
    %neg3A_57 = arith.subf %neg3A_56, %get3A_31 : vector<64x1xf32>
    %mul3A_58 = vector.broadcast %neg3A_57 : vector<64x1xf32> to vector<64x128xf32>
    %mul3A_59 = arith.mulf %mul3A_58, %sub3A_54 : vector<64x128xf32>
    %mul3A_60 = arith.mulf %mul3A_59, %sub3A_54 : vector<64x128xf32>
    %exp3A_61 = math.exp %mul3A_60 : vector<64x128xf32>
    %slice3A_62 = vector.extract_strided_slice %sqrt3A {offsets = [3, 0], sizes = [1, 128], strides = [1, 1]} : vector<128x128xf32> to vector<1x128xf32>
    %sub3A_63 = vector.broadcast %slice3A_62 : vector<1x128xf32> to vector<64x128xf32>
    %sub3A_64 = vector.broadcast %get3A_28 : vector<64x1xf32> to vector<64x128xf32>
    %sub3A_65 = arith.subf %sub3A_63, %sub3A_64 : vector<64x128xf32>
    %neg3A_66 = arith.constant 0.000000e+00 : f32
    %neg3A_67 = vector.broadcast %neg3A_66 : f32 to vector<64x1xf32>
    %neg3A_68 = arith.subf %neg3A_67, %get3A_31 : vector<64x1xf32>
    %mul3A_69 = vector.broadcast %neg3A_68 : vector<64x1xf32> to vector<64x128xf32>
    %mul3A_70 = arith.mulf %mul3A_69, %sub3A_65 : vector<64x128xf32>
    %mul3A_71 = arith.mulf %mul3A_70, %sub3A_65 : vector<64x128xf32>
    %exp3A_72 = math.exp %mul3A_71 : vector<64x128xf32>
    %slice3A_73 = vector.extract_strided_slice %sqrt3A {offsets = [4, 0], sizes = [1, 128], strides = [1, 1]} : vector<128x128xf32> to vector<1x128xf32>
    %sub3A_74 = vector.broadcast %slice3A_73 : vector<1x128xf32> to vector<64x128xf32>
    %sub3A_75 = vector.broadcast %get3A_28 : vector<64x1xf32> to vector<64x128xf32>
    %sub3A_76 = arith.subf %sub3A_74, %sub3A_75 : vector<64x128xf32>
    %neg3A_77 = arith.constant 0.000000e+00 : f32
    %neg3A_78 = vector.broadcast %neg3A_77 : f32 to vector<64x1xf32>
    %neg3A_79 = arith.subf %neg3A_78, %get3A_31 : vector<64x1xf32>
    %mul3A_80 = vector.broadcast %neg3A_79 : vector<64x1xf32> to vector<64x128xf32>
    %mul3A_81 = arith.mulf %mul3A_80, %sub3A_76 : vector<64x128xf32>
    %mul3A_82 = arith.mulf %mul3A_81, %sub3A_76 : vector<64x128xf32>
    %exp3A_83 = math.exp %mul3A_82 : vector<64x128xf32>
    %slice3A_84 = vector.extract_strided_slice %sqrt3A {offsets = [5, 0], sizes = [1, 128], strides = [1, 1]} : vector<128x128xf32> to vector<1x128xf32>
    %sub3A_85 = vector.broadcast %slice3A_84 : vector<1x128xf32> to vector<64x128xf32>
    %sub3A_86 = vector.broadcast %get3A_28 : vector<64x1xf32> to vector<64x128xf32>
    %sub3A_87 = arith.subf %sub3A_85, %sub3A_86 : vector<64x128xf32>
    %neg3A_88 = arith.constant 0.000000e+00 : f32
    %neg3A_89 = vector.broadcast %neg3A_88 : f32 to vector<64x1xf32>
    %neg3A_90 = arith.subf %neg3A_89, %get3A_31 : vector<64x1xf32>
    %mul3A_91 = vector.broadcast %neg3A_90 : vector<64x1xf32> to vector<64x128xf32>
    %mul3A_92 = arith.mulf %mul3A_91, %sub3A_87 : vector<64x128xf32>
    %mul3A_93 = arith.mulf %mul3A_92, %sub3A_87 : vector<64x128xf32>
    %exp3A_94 = math.exp %mul3A_93 : vector<64x128xf32>
    %slice3A_95 = vector.extract_strided_slice %sqrt3A {offsets = [6, 0], sizes = [1, 128], strides = [1, 1]} : vector<128x128xf32> to vector<1x128xf32>
    %sub3A_96 = vector.broadcast %slice3A_95 : vector<1x128xf32> to vector<64x128xf32>
    %sub3A_97 = vector.broadcast %get3A_28 : vector<64x1xf32> to vector<64x128xf32>
    %sub3A_98 = arith.subf %sub3A_96, %sub3A_97 : vector<64x128xf32>
    %neg3A_99 = arith.constant 0.000000e+00 : f32
    %neg3A_100 = vector.broadcast %neg3A_99 : f32 to vector<64x1xf32>
    %neg3A_101 = arith.subf %neg3A_100, %get3A_31 : vector<64x1xf32>
    %mul3A_102 = vector.broadcast %neg3A_101 : vector<64x1xf32> to vector<64x128xf32>
    %mul3A_103 = arith.mulf %mul3A_102, %sub3A_98 : vector<64x128xf32>
    %mul3A_104 = arith.mulf %mul3A_103, %sub3A_98 : vector<64x128xf32>
    %exp3A_105 = math.exp %mul3A_104 : vector<64x128xf32>
    %slice3A_106 = vector.extract_strided_slice %sqrt3A {offsets = [7, 0], sizes = [1, 128], strides = [1, 1]} : vector<128x128xf32> to vector<1x128xf32>
    %sub3A_107 = vector.broadcast %slice3A_106 : vector<1x128xf32> to vector<64x128xf32>
    %sub3A_108 = vector.broadcast %get3A_28 : vector<64x1xf32> to vector<64x128xf32>
    %sub3A_109 = arith.subf %sub3A_107, %sub3A_108 : vector<64x128xf32>
    %neg3A_110 = arith.constant 0.000000e+00 : f32
    %neg3A_111 = vector.broadcast %neg3A_110 : f32 to vector<64x1xf32>
    %neg3A_112 = arith.subf %neg3A_111, %get3A_31 : vector<64x1xf32>
    %mul3A_113 = vector.broadcast %neg3A_112 : vector<64x1xf32> to vector<64x128xf32>
    %mul3A_114 = arith.mulf %mul3A_113, %sub3A_109 : vector<64x128xf32>
    %mul3A_115 = arith.mulf %mul3A_114, %sub3A_109 : vector<64x128xf32>
    %exp3A_116 = math.exp %mul3A_115 : vector<64x128xf32>
    %slice3A_117 = vector.extract_strided_slice %sqrt3A {offsets = [8, 0], sizes = [1, 128], strides = [1, 1]} : vector<128x128xf32> to vector<1x128xf32>
    %sub3A_118 = vector.broadcast %slice3A_117 : vector<1x128xf32> to vector<64x128xf32>
    %sub3A_119 = vector.broadcast %get3A_28 : vector<64x1xf32> to vector<64x128xf32>
    %sub3A_120 = arith.subf %sub3A_118, %sub3A_119 : vector<64x128xf32>
    %neg3A_121 = arith.constant 0.000000e+00 : f32
    %neg3A_122 = vector.broadcast %neg3A_121 : f32 to vector<64x1xf32>
    %neg3A_123 = arith.subf %neg3A_122, %get3A_31 : vector<64x1xf32>
    %mul3A_124 = vector.broadcast %neg3A_123 : vector<64x1xf32> to vector<64x128xf32>
    %mul3A_125 = arith.mulf %mul3A_124, %sub3A_120 : vector<64x128xf32>
    %mul3A_126 = arith.mulf %mul3A_125, %sub3A_120 : vector<64x128xf32>
    %exp3A_127 = math.exp %mul3A_126 : vector<64x128xf32>
    %slice3A_128 = vector.extract_strided_slice %sqrt3A {offsets = [9, 0], sizes = [1, 128], strides = [1, 1]} : vector<128x128xf32> to vector<1x128xf32>
    %sub3A_129 = vector.broadcast %slice3A_128 : vector<1x128xf32> to vector<64x128xf32>
    %sub3A_130 = vector.broadcast %get3A_28 : vector<64x1xf32> to vector<64x128xf32>
    %sub3A_131 = arith.subf %sub3A_129, %sub3A_130 : vector<64x128xf32>
    %neg3A_132 = arith.constant 0.000000e+00 : f32
    %neg3A_133 = vector.broadcast %neg3A_132 : f32 to vector<64x1xf32>
    %neg3A_134 = arith.subf %neg3A_133, %get3A_31 : vector<64x1xf32>
    %mul3A_135 = vector.broadcast %neg3A_134 : vector<64x1xf32> to vector<64x128xf32>
    %mul3A_136 = arith.mulf %mul3A_135, %sub3A_131 : vector<64x128xf32>
    %mul3A_137 = arith.mulf %mul3A_136, %sub3A_131 : vector<64x128xf32>
    %exp3A_138 = math.exp %mul3A_137 : vector<64x128xf32>
    %slice3A_139 = vector.extract_strided_slice %sqrt3A {offsets = [10, 0], sizes = [1, 128], strides = [1, 1]} : vector<128x128xf32> to vector<1x128xf32>
    %sub3A_140 = vector.broadcast %slice3A_139 : vector<1x128xf32> to vector<64x128xf32>
    %sub3A_141 = vector.broadcast %get3A_28 : vector<64x1xf32> to vector<64x128xf32>
    %sub3A_142 = arith.subf %sub3A_140, %sub3A_141 : vector<64x128xf32>
    %neg3A_143 = arith.constant 0.000000e+00 : f32
    %neg3A_144 = vector.broadcast %neg3A_143 : f32 to vector<64x1xf32>
    %neg3A_145 = arith.subf %neg3A_144, %get3A_31 : vector<64x1xf32>
    %mul3A_146 = vector.broadcast %neg3A_145 : vector<64x1xf32> to vector<64x128xf32>
    %mul3A_147 = arith.mulf %mul3A_146, %sub3A_142 : vector<64x128xf32>
    %mul3A_148 = arith.mulf %mul3A_147, %sub3A_142 : vector<64x128xf32>
    %exp3A_149 = math.exp %mul3A_148 : vector<64x128xf32>
    %slice3A_150 = vector.extract_strided_slice %sqrt3A {offsets = [11, 0], sizes = [1, 128], strides = [1, 1]} : vector<128x128xf32> to vector<1x128xf32>
    %sub3A_151 = vector.broadcast %slice3A_150 : vector<1x128xf32> to vector<64x128xf32>
    %sub3A_152 = vector.broadcast %get3A_28 : vector<64x1xf32> to vector<64x128xf32>
    %sub3A_153 = arith.subf %sub3A_151, %sub3A_152 : vector<64x128xf32>
    %neg3A_154 = arith.constant 0.000000e+00 : f32
    %neg3A_155 = vector.broadcast %neg3A_154 : f32 to vector<64x1xf32>
    %neg3A_156 = arith.subf %neg3A_155, %get3A_31 : vector<64x1xf32>
    %mul3A_157 = vector.broadcast %neg3A_156 : vector<64x1xf32> to vector<64x128xf32>
    %mul3A_158 = arith.mulf %mul3A_157, %sub3A_153 : vector<64x128xf32>
    %mul3A_159 = arith.mulf %mul3A_158, %sub3A_153 : vector<64x128xf32>
    %exp3A_160 = math.exp %mul3A_159 : vector<64x128xf32>
    %slice3A_161 = vector.extract_strided_slice %sqrt3A {offsets = [12, 0], sizes = [1, 128], strides = [1, 1]} : vector<128x128xf32> to vector<1x128xf32>
    %sub3A_162 = vector.broadcast %slice3A_161 : vector<1x128xf32> to vector<64x128xf32>
    %sub3A_163 = vector.broadcast %get3A_28 : vector<64x1xf32> to vector<64x128xf32>
    %sub3A_164 = arith.subf %sub3A_162, %sub3A_163 : vector<64x128xf32>
    %neg3A_165 = arith.constant 0.000000e+00 : f32
    %neg3A_166 = vector.broadcast %neg3A_165 : f32 to vector<64x1xf32>
    %neg3A_167 = arith.subf %neg3A_166, %get3A_31 : vector<64x1xf32>
    %mul3A_168 = vector.broadcast %neg3A_167 : vector<64x1xf32> to vector<64x128xf32>
    %mul3A_169 = arith.mulf %mul3A_168, %sub3A_164 : vector<64x128xf32>
    %mul3A_170 = arith.mulf %mul3A_169, %sub3A_164 : vector<64x128xf32>
    %exp3A_171 = math.exp %mul3A_170 : vector<64x128xf32>
    %slice3A_172 = vector.extract_strided_slice %sqrt3A {offsets = [13, 0], sizes = [1, 128], strides = [1, 1]} : vector<128x128xf32> to vector<1x128xf32>
    %sub3A_173 = vector.broadcast %slice3A_172 : vector<1x128xf32> to vector<64x128xf32>
    %sub3A_174 = vector.broadcast %get3A_28 : vector<64x1xf32> to vector<64x128xf32>
    %sub3A_175 = arith.subf %sub3A_173, %sub3A_174 : vector<64x128xf32>
    %neg3A_176 = arith.constant 0.000000e+00 : f32
    %neg3A_177 = vector.broadcast %neg3A_176 : f32 to vector<64x1xf32>
    %neg3A_178 = arith.subf %neg3A_177, %get3A_31 : vector<64x1xf32>
    %mul3A_179 = vector.broadcast %neg3A_178 : vector<64x1xf32> to vector<64x128xf32>
    %mul3A_180 = arith.mulf %mul3A_179, %sub3A_175 : vector<64x128xf32>
    %mul3A_181 = arith.mulf %mul3A_180, %sub3A_175 : vector<64x128xf32>
    %exp3A_182 = math.exp %mul3A_181 : vector<64x128xf32>
    %slice3A_183 = vector.extract_strided_slice %sqrt3A {offsets = [14, 0], sizes = [1, 128], strides = [1, 1]} : vector<128x128xf32> to vector<1x128xf32>
    %sub3A_184 = vector.broadcast %slice3A_183 : vector<1x128xf32> to vector<64x128xf32>
    %sub3A_185 = vector.broadcast %get3A_28 : vector<64x1xf32> to vector<64x128xf32>
    %sub3A_186 = arith.subf %sub3A_184, %sub3A_185 : vector<64x128xf32>
    %neg3A_187 = arith.constant 0.000000e+00 : f32
    %neg3A_188 = vector.broadcast %neg3A_187 : f32 to vector<64x1xf32>
    %neg3A_189 = arith.subf %neg3A_188, %get3A_31 : vector<64x1xf32>
    %mul3A_190 = vector.broadcast %neg3A_189 : vector<64x1xf32> to vector<64x128xf32>
    %mul3A_191 = arith.mulf %mul3A_190, %sub3A_186 : vector<64x128xf32>
    %mul3A_192 = arith.mulf %mul3A_191, %sub3A_186 : vector<64x128xf32>
    %exp3A_193 = math.exp %mul3A_192 : vector<64x128xf32>
    %slice3A_194 = vector.extract_strided_slice %sqrt3A {offsets = [15, 0], sizes = [1, 128], strides = [1, 1]} : vector<128x128xf32> to vector<1x128xf32>
    %sub3A_195 = vector.broadcast %slice3A_194 : vector<1x128xf32> to vector<64x128xf32>
    %sub3A_196 = vector.broadcast %get3A_28 : vector<64x1xf32> to vector<64x128xf32>
    %sub3A_197 = arith.subf %sub3A_195, %sub3A_196 : vector<64x128xf32>
    %neg3A_198 = arith.constant 0.000000e+00 : f32
    %neg3A_199 = vector.broadcast %neg3A_198 : f32 to vector<64x1xf32>
    %neg3A_200 = arith.subf %neg3A_199, %get3A_31 : vector<64x1xf32>
    %mul3A_201 = vector.broadcast %neg3A_200 : vector<64x1xf32> to vector<64x128xf32>
    %mul3A_202 = arith.mulf %mul3A_201, %sub3A_197 : vector<64x128xf32>
    %mul3A_203 = arith.mulf %mul3A_202, %sub3A_197 : vector<64x128xf32>
    %exp3A_204 = math.exp %mul3A_203 : vector<64x128xf32>
    %slice3A_205 = vector.extract_strided_slice %sqrt3A {offsets = [16, 0], sizes = [1, 128], strides = [1, 1]} : vector<128x128xf32> to vector<1x128xf32>
    %sub3A_206 = vector.broadcast %slice3A_205 : vector<1x128xf32> to vector<64x128xf32>
    %sub3A_207 = vector.broadcast %get3A_28 : vector<64x1xf32> to vector<64x128xf32>
    %sub3A_208 = arith.subf %sub3A_206, %sub3A_207 : vector<64x128xf32>
    %neg3A_209 = arith.constant 0.000000e+00 : f32
    %neg3A_210 = vector.broadcast %neg3A_209 : f32 to vector<64x1xf32>
    %neg3A_211 = arith.subf %neg3A_210, %get3A_31 : vector<64x1xf32>
    %mul3A_212 = vector.broadcast %neg3A_211 : vector<64x1xf32> to vector<64x128xf32>
    %mul3A_213 = arith.mulf %mul3A_212, %sub3A_208 : vector<64x128xf32>
    %mul3A_214 = arith.mulf %mul3A_213, %sub3A_208 : vector<64x128xf32>
    %exp3A_215 = math.exp %mul3A_214 : vector<64x128xf32>
    %slice3A_216 = vector.extract_strided_slice %sqrt3A {offsets = [17, 0], sizes = [1, 128], strides = [1, 1]} : vector<128x128xf32> to vector<1x128xf32>
    %sub3A_217 = vector.broadcast %slice3A_216 : vector<1x128xf32> to vector<64x128xf32>
    %sub3A_218 = vector.broadcast %get3A_28 : vector<64x1xf32> to vector<64x128xf32>
    %sub3A_219 = arith.subf %sub3A_217, %sub3A_218 : vector<64x128xf32>
    %neg3A_220 = arith.constant 0.000000e+00 : f32
    %neg3A_221 = vector.broadcast %neg3A_220 : f32 to vector<64x1xf32>
    %neg3A_222 = arith.subf %neg3A_221, %get3A_31 : vector<64x1xf32>
    %mul3A_223 = vector.broadcast %neg3A_222 : vector<64x1xf32> to vector<64x128xf32>
    %mul3A_224 = arith.mulf %mul3A_223, %sub3A_219 : vector<64x128xf32>
    %mul3A_225 = arith.mulf %mul3A_224, %sub3A_219 : vector<64x128xf32>
    %exp3A_226 = math.exp %mul3A_225 : vector<64x128xf32>
    %slice3A_227 = vector.extract_strided_slice %sqrt3A {offsets = [18, 0], sizes = [1, 128], strides = [1, 1]} : vector<128x128xf32> to vector<1x128xf32>
    %sub3A_228 = vector.broadcast %slice3A_227 : vector<1x128xf32> to vector<64x128xf32>
    %sub3A_229 = vector.broadcast %get3A_28 : vector<64x1xf32> to vector<64x128xf32>
    %sub3A_230 = arith.subf %sub3A_228, %sub3A_229 : vector<64x128xf32>
    %neg3A_231 = arith.constant 0.000000e+00 : f32
    %neg3A_232 = vector.broadcast %neg3A_231 : f32 to vector<64x1xf32>
    %neg3A_233 = arith.subf %neg3A_232, %get3A_31 : vector<64x1xf32>
    %mul3A_234 = vector.broadcast %neg3A_233 : vector<64x1xf32> to vector<64x128xf32>
    %mul3A_235 = arith.mulf %mul3A_234, %sub3A_230 : vector<64x128xf32>
    %mul3A_236 = arith.mulf %mul3A_235, %sub3A_230 : vector<64x128xf32>
    %exp3A_237 = math.exp %mul3A_236 : vector<64x128xf32>
    %slice3A_238 = vector.extract_strided_slice %sqrt3A {offsets = [19, 0], sizes = [1, 128], strides = [1, 1]} : vector<128x128xf32> to vector<1x128xf32>
    %sub3A_239 = vector.broadcast %slice3A_238 : vector<1x128xf32> to vector<64x128xf32>
    %sub3A_240 = vector.broadcast %get3A_28 : vector<64x1xf32> to vector<64x128xf32>
    %sub3A_241 = arith.subf %sub3A_239, %sub3A_240 : vector<64x128xf32>
    %neg3A_242 = arith.constant 0.000000e+00 : f32
    %neg3A_243 = vector.broadcast %neg3A_242 : f32 to vector<64x1xf32>
    %neg3A_244 = arith.subf %neg3A_243, %get3A_31 : vector<64x1xf32>
    %mul3A_245 = vector.broadcast %neg3A_244 : vector<64x1xf32> to vector<64x128xf32>
    %mul3A_246 = arith.mulf %mul3A_245, %sub3A_241 : vector<64x128xf32>
    %mul3A_247 = arith.mulf %mul3A_246, %sub3A_241 : vector<64x128xf32>
    %exp3A_248 = math.exp %mul3A_247 : vector<64x128xf32>
    %slice3A_249 = vector.extract_strided_slice %sqrt3A {offsets = [20, 0], sizes = [1, 128], strides = [1, 1]} : vector<128x128xf32> to vector<1x128xf32>
    %sub3A_250 = vector.broadcast %slice3A_249 : vector<1x128xf32> to vector<64x128xf32>
    %sub3A_251 = vector.broadcast %get3A_28 : vector<64x1xf32> to vector<64x128xf32>
    %sub3A_252 = arith.subf %sub3A_250, %sub3A_251 : vector<64x128xf32>
    %neg3A_253 = arith.constant 0.000000e+00 : f32
    %neg3A_254 = vector.broadcast %neg3A_253 : f32 to vector<64x1xf32>
    %neg3A_255 = arith.subf %neg3A_254, %get3A_31 : vector<64x1xf32>
    %mul3A_256 = vector.broadcast %neg3A_255 : vector<64x1xf32> to vector<64x128xf32>
    %mul3A_257 = arith.mulf %mul3A_256, %sub3A_252 : vector<64x128xf32>
    %mul3A_258 = arith.mulf %mul3A_257, %sub3A_252 : vector<64x128xf32>
    %exp3A_259 = math.exp %mul3A_258 : vector<64x128xf32>
    %slice3A_260 = vector.extract_strided_slice %sqrt3A {offsets = [21, 0], sizes = [1, 128], strides = [1, 1]} : vector<128x128xf32> to vector<1x128xf32>
    %sub3A_261 = vector.broadcast %slice3A_260 : vector<1x128xf32> to vector<64x128xf32>
    %sub3A_262 = vector.broadcast %get3A_28 : vector<64x1xf32> to vector<64x128xf32>
    %sub3A_263 = arith.subf %sub3A_261, %sub3A_262 : vector<64x128xf32>
    %neg3A_264 = arith.constant 0.000000e+00 : f32
    %neg3A_265 = vector.broadcast %neg3A_264 : f32 to vector<64x1xf32>
    %neg3A_266 = arith.subf %neg3A_265, %get3A_31 : vector<64x1xf32>
    %mul3A_267 = vector.broadcast %neg3A_266 : vector<64x1xf32> to vector<64x128xf32>
    %mul3A_268 = arith.mulf %mul3A_267, %sub3A_263 : vector<64x128xf32>
    %mul3A_269 = arith.mulf %mul3A_268, %sub3A_263 : vector<64x128xf32>
    %exp3A_270 = math.exp %mul3A_269 : vector<64x128xf32>
    %slice3A_271 = vector.extract_strided_slice %sqrt3A {offsets = [22, 0], sizes = [1, 128], strides = [1, 1]} : vector<128x128xf32> to vector<1x128xf32>
    %sub3A_272 = vector.broadcast %slice3A_271 : vector<1x128xf32> to vector<64x128xf32>
    %sub3A_273 = vector.broadcast %get3A_28 : vector<64x1xf32> to vector<64x128xf32>
    %sub3A_274 = arith.subf %sub3A_272, %sub3A_273 : vector<64x128xf32>
    %neg3A_275 = arith.constant 0.000000e+00 : f32
    %neg3A_276 = vector.broadcast %neg3A_275 : f32 to vector<64x1xf32>
    %neg3A_277 = arith.subf %neg3A_276, %get3A_31 : vector<64x1xf32>
    %mul3A_278 = vector.broadcast %neg3A_277 : vector<64x1xf32> to vector<64x128xf32>
    %mul3A_279 = arith.mulf %mul3A_278, %sub3A_274 : vector<64x128xf32>
    %mul3A_280 = arith.mulf %mul3A_279, %sub3A_274 : vector<64x128xf32>
    %exp3A_281 = math.exp %mul3A_280 : vector<64x128xf32>
    %slice3A_282 = vector.extract_strided_slice %sqrt3A {offsets = [23, 0], sizes = [1, 128], strides = [1, 1]} : vector<128x128xf32> to vector<1x128xf32>
    %sub3A_283 = vector.broadcast %slice3A_282 : vector<1x128xf32> to vector<64x128xf32>
    %sub3A_284 = vector.broadcast %get3A_28 : vector<64x1xf32> to vector<64x128xf32>
    %sub3A_285 = arith.subf %sub3A_283, %sub3A_284 : vector<64x128xf32>
    %neg3A_286 = arith.constant 0.000000e+00 : f32
    %neg3A_287 = vector.broadcast %neg3A_286 : f32 to vector<64x1xf32>
    %neg3A_288 = arith.subf %neg3A_287, %get3A_31 : vector<64x1xf32>
    %mul3A_289 = vector.broadcast %neg3A_288 : vector<64x1xf32> to vector<64x128xf32>
    %mul3A_290 = arith.mulf %mul3A_289, %sub3A_285 : vector<64x128xf32>
    %mul3A_291 = arith.mulf %mul3A_290, %sub3A_285 : vector<64x128xf32>
    %exp3A_292 = math.exp %mul3A_291 : vector<64x128xf32>
    %slice3A_293 = vector.extract_strided_slice %sqrt3A {offsets = [24, 0], sizes = [1, 128], strides = [1, 1]} : vector<128x128xf32> to vector<1x128xf32>
    %sub3A_294 = vector.broadcast %slice3A_293 : vector<1x128xf32> to vector<64x128xf32>
    %sub3A_295 = vector.broadcast %get3A_28 : vector<64x1xf32> to vector<64x128xf32>
    %sub3A_296 = arith.subf %sub3A_294, %sub3A_295 : vector<64x128xf32>
    %neg3A_297 = arith.constant 0.000000e+00 : f32
    %neg3A_298 = vector.broadcast %neg3A_297 : f32 to vector<64x1xf32>
    %neg3A_299 = arith.subf %neg3A_298, %get3A_31 : vector<64x1xf32>
    %mul3A_300 = vector.broadcast %neg3A_299 : vector<64x1xf32> to vector<64x128xf32>
    %mul3A_301 = arith.mulf %mul3A_300, %sub3A_296 : vector<64x128xf32>
    %mul3A_302 = arith.mulf %mul3A_301, %sub3A_296 : vector<64x128xf32>
    %exp3A_303 = math.exp %mul3A_302 : vector<64x128xf32>
    %slice3A_304 = vector.extract_strided_slice %sqrt3A {offsets = [25, 0], sizes = [1, 128], strides = [1, 1]} : vector<128x128xf32> to vector<1x128xf32>
    %sub3A_305 = vector.broadcast %slice3A_304 : vector<1x128xf32> to vector<64x128xf32>
    %sub3A_306 = vector.broadcast %get3A_28 : vector<64x1xf32> to vector<64x128xf32>
    %sub3A_307 = arith.subf %sub3A_305, %sub3A_306 : vector<64x128xf32>
    %neg3A_308 = arith.constant 0.000000e+00 : f32
    %neg3A_309 = vector.broadcast %neg3A_308 : f32 to vector<64x1xf32>
    %neg3A_310 = arith.subf %neg3A_309, %get3A_31 : vector<64x1xf32>
    %mul3A_311 = vector.broadcast %neg3A_310 : vector<64x1xf32> to vector<64x128xf32>
    %mul3A_312 = arith.mulf %mul3A_311, %sub3A_307 : vector<64x128xf32>
    %mul3A_313 = arith.mulf %mul3A_312, %sub3A_307 : vector<64x128xf32>
    %exp3A_314 = math.exp %mul3A_313 : vector<64x128xf32>
    %slice3A_315 = vector.extract_strided_slice %sqrt3A {offsets = [26, 0], sizes = [1, 128], strides = [1, 1]} : vector<128x128xf32> to vector<1x128xf32>
    %sub3A_316 = vector.broadcast %slice3A_315 : vector<1x128xf32> to vector<64x128xf32>
    %sub3A_317 = vector.broadcast %get3A_28 : vector<64x1xf32> to vector<64x128xf32>
    %sub3A_318 = arith.subf %sub3A_316, %sub3A_317 : vector<64x128xf32>
    %neg3A_319 = arith.constant 0.000000e+00 : f32
    %neg3A_320 = vector.broadcast %neg3A_319 : f32 to vector<64x1xf32>
    %neg3A_321 = arith.subf %neg3A_320, %get3A_31 : vector<64x1xf32>
    %mul3A_322 = vector.broadcast %neg3A_321 : vector<64x1xf32> to vector<64x128xf32>
    %mul3A_323 = arith.mulf %mul3A_322, %sub3A_318 : vector<64x128xf32>
    %mul3A_324 = arith.mulf %mul3A_323, %sub3A_318 : vector<64x128xf32>
    %exp3A_325 = math.exp %mul3A_324 : vector<64x128xf32>
    %slice3A_326 = vector.extract_strided_slice %sqrt3A {offsets = [27, 0], sizes = [1, 128], strides = [1, 1]} : vector<128x128xf32> to vector<1x128xf32>
    %sub3A_327 = vector.broadcast %slice3A_326 : vector<1x128xf32> to vector<64x128xf32>
    %sub3A_328 = vector.broadcast %get3A_28 : vector<64x1xf32> to vector<64x128xf32>
    %sub3A_329 = arith.subf %sub3A_327, %sub3A_328 : vector<64x128xf32>
    %neg3A_330 = arith.constant 0.000000e+00 : f32
    %neg3A_331 = vector.broadcast %neg3A_330 : f32 to vector<64x1xf32>
    %neg3A_332 = arith.subf %neg3A_331, %get3A_31 : vector<64x1xf32>
    %mul3A_333 = vector.broadcast %neg3A_332 : vector<64x1xf32> to vector<64x128xf32>
    %mul3A_334 = arith.mulf %mul3A_333, %sub3A_329 : vector<64x128xf32>
    %mul3A_335 = arith.mulf %mul3A_334, %sub3A_329 : vector<64x128xf32>
    %exp3A_336 = math.exp %mul3A_335 : vector<64x128xf32>
    %slice3A_337 = vector.extract_strided_slice %sqrt3A {offsets = [28, 0], sizes = [1, 128], strides = [1, 1]} : vector<128x128xf32> to vector<1x128xf32>
    %sub3A_338 = vector.broadcast %slice3A_337 : vector<1x128xf32> to vector<64x128xf32>
    %sub3A_339 = vector.broadcast %get3A_28 : vector<64x1xf32> to vector<64x128xf32>
    %sub3A_340 = arith.subf %sub3A_338, %sub3A_339 : vector<64x128xf32>
    %neg3A_341 = arith.constant 0.000000e+00 : f32
    %neg3A_342 = vector.broadcast %neg3A_341 : f32 to vector<64x1xf32>
    %neg3A_343 = arith.subf %neg3A_342, %get3A_31 : vector<64x1xf32>
    %mul3A_344 = vector.broadcast %neg3A_343 : vector<64x1xf32> to vector<64x128xf32>
    %mul3A_345 = arith.mulf %mul3A_344, %sub3A_340 : vector<64x128xf32>
    %mul3A_346 = arith.mulf %mul3A_345, %sub3A_340 : vector<64x128xf32>
    %exp3A_347 = math.exp %mul3A_346 : vector<64x128xf32>
    %slice3A_348 = vector.extract_strided_slice %sqrt3A {offsets = [29, 0], sizes = [1, 128], strides = [1, 1]} : vector<128x128xf32> to vector<1x128xf32>
    %sub3A_349 = vector.broadcast %slice3A_348 : vector<1x128xf32> to vector<64x128xf32>
    %sub3A_350 = vector.broadcast %get3A_28 : vector<64x1xf32> to vector<64x128xf32>
    %sub3A_351 = arith.subf %sub3A_349, %sub3A_350 : vector<64x128xf32>
    %neg3A_352 = arith.constant 0.000000e+00 : f32
    %neg3A_353 = vector.broadcast %neg3A_352 : f32 to vector<64x1xf32>
    %neg3A_354 = arith.subf %neg3A_353, %get3A_31 : vector<64x1xf32>
    %mul3A_355 = vector.broadcast %neg3A_354 : vector<64x1xf32> to vector<64x128xf32>
    %mul3A_356 = arith.mulf %mul3A_355, %sub3A_351 : vector<64x128xf32>
    %mul3A_357 = arith.mulf %mul3A_356, %sub3A_351 : vector<64x128xf32>
    %exp3A_358 = math.exp %mul3A_357 : vector<64x128xf32>
    %slice3A_359 = vector.extract_strided_slice %sqrt3A {offsets = [30, 0], sizes = [1, 128], strides = [1, 1]} : vector<128x128xf32> to vector<1x128xf32>
    %sub3A_360 = vector.broadcast %slice3A_359 : vector<1x128xf32> to vector<64x128xf32>
    %sub3A_361 = vector.broadcast %get3A_28 : vector<64x1xf32> to vector<64x128xf32>
    %sub3A_362 = arith.subf %sub3A_360, %sub3A_361 : vector<64x128xf32>
    %neg3A_363 = arith.constant 0.000000e+00 : f32
    %neg3A_364 = vector.broadcast %neg3A_363 : f32 to vector<64x1xf32>
    %neg3A_365 = arith.subf %neg3A_364, %get3A_31 : vector<64x1xf32>
    %mul3A_366 = vector.broadcast %neg3A_365 : vector<64x1xf32> to vector<64x128xf32>
    %mul3A_367 = arith.mulf %mul3A_366, %sub3A_362 : vector<64x128xf32>
    %mul3A_368 = arith.mulf %mul3A_367, %sub3A_362 : vector<64x128xf32>
    %exp3A_369 = math.exp %mul3A_368 : vector<64x128xf32>
    %slice3A_370 = vector.extract_strided_slice %sqrt3A {offsets = [31, 0], sizes = [1, 128], strides = [1, 1]} : vector<128x128xf32> to vector<1x128xf32>
    %sub3A_371 = vector.broadcast %slice3A_370 : vector<1x128xf32> to vector<64x128xf32>
    %sub3A_372 = vector.broadcast %get3A_28 : vector<64x1xf32> to vector<64x128xf32>
    %sub3A_373 = arith.subf %sub3A_371, %sub3A_372 : vector<64x128xf32>
    %neg3A_374 = arith.constant 0.000000e+00 : f32
    %neg3A_375 = vector.broadcast %neg3A_374 : f32 to vector<64x1xf32>
    %neg3A_376 = arith.subf %neg3A_375, %get3A_31 : vector<64x1xf32>
    %mul3A_377 = vector.broadcast %neg3A_376 : vector<64x1xf32> to vector<64x128xf32>
    %mul3A_378 = arith.mulf %mul3A_377, %sub3A_373 : vector<64x128xf32>
    %mul3A_379 = arith.mulf %mul3A_378, %sub3A_373 : vector<64x128xf32>
    %exp3A_380 = math.exp %mul3A_379 : vector<64x128xf32>
    %slice3A_381 = vector.extract_strided_slice %sqrt3A {offsets = [32, 0], sizes = [1, 128], strides = [1, 1]} : vector<128x128xf32> to vector<1x128xf32>
    %sub3A_382 = vector.broadcast %slice3A_381 : vector<1x128xf32> to vector<64x128xf32>
    %sub3A_383 = vector.broadcast %get3A_28 : vector<64x1xf32> to vector<64x128xf32>
    %sub3A_384 = arith.subf %sub3A_382, %sub3A_383 : vector<64x128xf32>
    %neg3A_385 = arith.constant 0.000000e+00 : f32
    %neg3A_386 = vector.broadcast %neg3A_385 : f32 to vector<64x1xf32>
    %neg3A_387 = arith.subf %neg3A_386, %get3A_31 : vector<64x1xf32>
    %mul3A_388 = vector.broadcast %neg3A_387 : vector<64x1xf32> to vector<64x128xf32>
    %mul3A_389 = arith.mulf %mul3A_388, %sub3A_384 : vector<64x128xf32>
    %mul3A_390 = arith.mulf %mul3A_389, %sub3A_384 : vector<64x128xf32>
    %exp3A_391 = math.exp %mul3A_390 : vector<64x128xf32>
    %slice3A_392 = vector.extract_strided_slice %sqrt3A {offsets = [33, 0], sizes = [1, 128], strides = [1, 1]} : vector<128x128xf32> to vector<1x128xf32>
    %sub3A_393 = vector.broadcast %slice3A_392 : vector<1x128xf32> to vector<64x128xf32>
    %sub3A_394 = vector.broadcast %get3A_28 : vector<64x1xf32> to vector<64x128xf32>
    %sub3A_395 = arith.subf %sub3A_393, %sub3A_394 : vector<64x128xf32>
    %neg3A_396 = arith.constant 0.000000e+00 : f32
    %neg3A_397 = vector.broadcast %neg3A_396 : f32 to vector<64x1xf32>
    %neg3A_398 = arith.subf %neg3A_397, %get3A_31 : vector<64x1xf32>
    %mul3A_399 = vector.broadcast %neg3A_398 : vector<64x1xf32> to vector<64x128xf32>
    %mul3A_400 = arith.mulf %mul3A_399, %sub3A_395 : vector<64x128xf32>
    %mul3A_401 = arith.mulf %mul3A_400, %sub3A_395 : vector<64x128xf32>
    %exp3A_402 = math.exp %mul3A_401 : vector<64x128xf32>
    %slice3A_403 = vector.extract_strided_slice %sqrt3A {offsets = [34, 0], sizes = [1, 128], strides = [1, 1]} : vector<128x128xf32> to vector<1x128xf32>
    %sub3A_404 = vector.broadcast %slice3A_403 : vector<1x128xf32> to vector<64x128xf32>
    %sub3A_405 = vector.broadcast %get3A_28 : vector<64x1xf32> to vector<64x128xf32>
    %sub3A_406 = arith.subf %sub3A_404, %sub3A_405 : vector<64x128xf32>
    %neg3A_407 = arith.constant 0.000000e+00 : f32
    %neg3A_408 = vector.broadcast %neg3A_407 : f32 to vector<64x1xf32>
    %neg3A_409 = arith.subf %neg3A_408, %get3A_31 : vector<64x1xf32>
    %mul3A_410 = vector.broadcast %neg3A_409 : vector<64x1xf32> to vector<64x128xf32>
    %mul3A_411 = arith.mulf %mul3A_410, %sub3A_406 : vector<64x128xf32>
    %mul3A_412 = arith.mulf %mul3A_411, %sub3A_406 : vector<64x128xf32>
    %exp3A_413 = math.exp %mul3A_412 : vector<64x128xf32>
    %slice3A_414 = vector.extract_strided_slice %sqrt3A {offsets = [35, 0], sizes = [1, 128], strides = [1, 1]} : vector<128x128xf32> to vector<1x128xf32>
    %sub3A_415 = vector.broadcast %slice3A_414 : vector<1x128xf32> to vector<64x128xf32>
    %sub3A_416 = vector.broadcast %get3A_28 : vector<64x1xf32> to vector<64x128xf32>
    %sub3A_417 = arith.subf %sub3A_415, %sub3A_416 : vector<64x128xf32>
    %neg3A_418 = arith.constant 0.000000e+00 : f32
    %neg3A_419 = vector.broadcast %neg3A_418 : f32 to vector<64x1xf32>
    %neg3A_420 = arith.subf %neg3A_419, %get3A_31 : vector<64x1xf32>
    %mul3A_421 = vector.broadcast %neg3A_420 : vector<64x1xf32> to vector<64x128xf32>
    %mul3A_422 = arith.mulf %mul3A_421, %sub3A_417 : vector<64x128xf32>
    %mul3A_423 = arith.mulf %mul3A_422, %sub3A_417 : vector<64x128xf32>
    %exp3A_424 = math.exp %mul3A_423 : vector<64x128xf32>
    %slice3A_425 = vector.extract_strided_slice %sqrt3A {offsets = [36, 0], sizes = [1, 128], strides = [1, 1]} : vector<128x128xf32> to vector<1x128xf32>
    %sub3A_426 = vector.broadcast %slice3A_425 : vector<1x128xf32> to vector<64x128xf32>
    %sub3A_427 = vector.broadcast %get3A_28 : vector<64x1xf32> to vector<64x128xf32>
    %sub3A_428 = arith.subf %sub3A_426, %sub3A_427 : vector<64x128xf32>
    %neg3A_429 = arith.constant 0.000000e+00 : f32
    %neg3A_430 = vector.broadcast %neg3A_429 : f32 to vector<64x1xf32>
    %neg3A_431 = arith.subf %neg3A_430, %get3A_31 : vector<64x1xf32>
    %mul3A_432 = vector.broadcast %neg3A_431 : vector<64x1xf32> to vector<64x128xf32>
    %mul3A_433 = arith.mulf %mul3A_432, %sub3A_428 : vector<64x128xf32>
    %mul3A_434 = arith.mulf %mul3A_433, %sub3A_428 : vector<64x128xf32>
    %exp3A_435 = math.exp %mul3A_434 : vector<64x128xf32>
    %slice3A_436 = vector.extract_strided_slice %sqrt3A {offsets = [37, 0], sizes = [1, 128], strides = [1, 1]} : vector<128x128xf32> to vector<1x128xf32>
    %sub3A_437 = vector.broadcast %slice3A_436 : vector<1x128xf32> to vector<64x128xf32>
    %sub3A_438 = vector.broadcast %get3A_28 : vector<64x1xf32> to vector<64x128xf32>
    %sub3A_439 = arith.subf %sub3A_437, %sub3A_438 : vector<64x128xf32>
    %neg3A_440 = arith.constant 0.000000e+00 : f32
    %neg3A_441 = vector.broadcast %neg3A_440 : f32 to vector<64x1xf32>
    %neg3A_442 = arith.subf %neg3A_441, %get3A_31 : vector<64x1xf32>
    %mul3A_443 = vector.broadcast %neg3A_442 : vector<64x1xf32> to vector<64x128xf32>
    %mul3A_444 = arith.mulf %mul3A_443, %sub3A_439 : vector<64x128xf32>
    %mul3A_445 = arith.mulf %mul3A_444, %sub3A_439 : vector<64x128xf32>
    %exp3A_446 = math.exp %mul3A_445 : vector<64x128xf32>
    %slice3A_447 = vector.extract_strided_slice %sqrt3A {offsets = [38, 0], sizes = [1, 128], strides = [1, 1]} : vector<128x128xf32> to vector<1x128xf32>
    %sub3A_448 = vector.broadcast %slice3A_447 : vector<1x128xf32> to vector<64x128xf32>
    %sub3A_449 = vector.broadcast %get3A_28 : vector<64x1xf32> to vector<64x128xf32>
    %sub3A_450 = arith.subf %sub3A_448, %sub3A_449 : vector<64x128xf32>
    %neg3A_451 = arith.constant 0.000000e+00 : f32
    %neg3A_452 = vector.broadcast %neg3A_451 : f32 to vector<64x1xf32>
    %neg3A_453 = arith.subf %neg3A_452, %get3A_31 : vector<64x1xf32>
    %mul3A_454 = vector.broadcast %neg3A_453 : vector<64x1xf32> to vector<64x128xf32>
    %mul3A_455 = arith.mulf %mul3A_454, %sub3A_450 : vector<64x128xf32>
    %mul3A_456 = arith.mulf %mul3A_455, %sub3A_450 : vector<64x128xf32>
    %exp3A_457 = math.exp %mul3A_456 : vector<64x128xf32>
    %slice3A_458 = vector.extract_strided_slice %sqrt3A {offsets = [39, 0], sizes = [1, 128], strides = [1, 1]} : vector<128x128xf32> to vector<1x128xf32>
    %sub3A_459 = vector.broadcast %slice3A_458 : vector<1x128xf32> to vector<64x128xf32>
    %sub3A_460 = vector.broadcast %get3A_28 : vector<64x1xf32> to vector<64x128xf32>
    %sub3A_461 = arith.subf %sub3A_459, %sub3A_460 : vector<64x128xf32>
    %neg3A_462 = arith.constant 0.000000e+00 : f32
    %neg3A_463 = vector.broadcast %neg3A_462 : f32 to vector<64x1xf32>
    %neg3A_464 = arith.subf %neg3A_463, %get3A_31 : vector<64x1xf32>
    %mul3A_465 = vector.broadcast %neg3A_464 : vector<64x1xf32> to vector<64x128xf32>
    %mul3A_466 = arith.mulf %mul3A_465, %sub3A_461 : vector<64x128xf32>
    %mul3A_467 = arith.mulf %mul3A_466, %sub3A_461 : vector<64x128xf32>
    %exp3A_468 = math.exp %mul3A_467 : vector<64x128xf32>
    %slice3A_469 = vector.extract_strided_slice %sqrt3A {offsets = [40, 0], sizes = [1, 128], strides = [1, 1]} : vector<128x128xf32> to vector<1x128xf32>
    %sub3A_470 = vector.broadcast %slice3A_469 : vector<1x128xf32> to vector<64x128xf32>
    %sub3A_471 = vector.broadcast %get3A_28 : vector<64x1xf32> to vector<64x128xf32>
    %sub3A_472 = arith.subf %sub3A_470, %sub3A_471 : vector<64x128xf32>
    %neg3A_473 = arith.constant 0.000000e+00 : f32
    %neg3A_474 = vector.broadcast %neg3A_473 : f32 to vector<64x1xf32>
    %neg3A_475 = arith.subf %neg3A_474, %get3A_31 : vector<64x1xf32>
    %mul3A_476 = vector.broadcast %neg3A_475 : vector<64x1xf32> to vector<64x128xf32>
    %mul3A_477 = arith.mulf %mul3A_476, %sub3A_472 : vector<64x128xf32>
    %mul3A_478 = arith.mulf %mul3A_477, %sub3A_472 : vector<64x128xf32>
    %exp3A_479 = math.exp %mul3A_478 : vector<64x128xf32>
    %slice3A_480 = vector.extract_strided_slice %sqrt3A {offsets = [41, 0], sizes = [1, 128], strides = [1, 1]} : vector<128x128xf32> to vector<1x128xf32>
    %sub3A_481 = vector.broadcast %slice3A_480 : vector<1x128xf32> to vector<64x128xf32>
    %sub3A_482 = vector.broadcast %get3A_28 : vector<64x1xf32> to vector<64x128xf32>
    %sub3A_483 = arith.subf %sub3A_481, %sub3A_482 : vector<64x128xf32>
    %neg3A_484 = arith.constant 0.000000e+00 : f32
    %neg3A_485 = vector.broadcast %neg3A_484 : f32 to vector<64x1xf32>
    %neg3A_486 = arith.subf %neg3A_485, %get3A_31 : vector<64x1xf32>
    %mul3A_487 = vector.broadcast %neg3A_486 : vector<64x1xf32> to vector<64x128xf32>
    %mul3A_488 = arith.mulf %mul3A_487, %sub3A_483 : vector<64x128xf32>
    %mul3A_489 = arith.mulf %mul3A_488, %sub3A_483 : vector<64x128xf32>
    %exp3A_490 = math.exp %mul3A_489 : vector<64x128xf32>
    %slice3A_491 = vector.extract_strided_slice %sqrt3A {offsets = [42, 0], sizes = [1, 128], strides = [1, 1]} : vector<128x128xf32> to vector<1x128xf32>
    %sub3A_492 = vector.broadcast %slice3A_491 : vector<1x128xf32> to vector<64x128xf32>
    %sub3A_493 = vector.broadcast %get3A_28 : vector<64x1xf32> to vector<64x128xf32>
    %sub3A_494 = arith.subf %sub3A_492, %sub3A_493 : vector<64x128xf32>
    %neg3A_495 = arith.constant 0.000000e+00 : f32
    %neg3A_496 = vector.broadcast %neg3A_495 : f32 to vector<64x1xf32>
    %neg3A_497 = arith.subf %neg3A_496, %get3A_31 : vector<64x1xf32>
    %mul3A_498 = vector.broadcast %neg3A_497 : vector<64x1xf32> to vector<64x128xf32>
    %mul3A_499 = arith.mulf %mul3A_498, %sub3A_494 : vector<64x128xf32>
    %mul3A_500 = arith.mulf %mul3A_499, %sub3A_494 : vector<64x128xf32>
    %exp3A_501 = math.exp %mul3A_500 : vector<64x128xf32>
    %slice3A_502 = vector.extract_strided_slice %sqrt3A {offsets = [43, 0], sizes = [1, 128], strides = [1, 1]} : vector<128x128xf32> to vector<1x128xf32>
    %sub3A_503 = vector.broadcast %slice3A_502 : vector<1x128xf32> to vector<64x128xf32>
    %sub3A_504 = vector.broadcast %get3A_28 : vector<64x1xf32> to vector<64x128xf32>
    %sub3A_505 = arith.subf %sub3A_503, %sub3A_504 : vector<64x128xf32>
    %neg3A_506 = arith.constant 0.000000e+00 : f32
    %neg3A_507 = vector.broadcast %neg3A_506 : f32 to vector<64x1xf32>
    %neg3A_508 = arith.subf %neg3A_507, %get3A_31 : vector<64x1xf32>
    %mul3A_509 = vector.broadcast %neg3A_508 : vector<64x1xf32> to vector<64x128xf32>
    %mul3A_510 = arith.mulf %mul3A_509, %sub3A_505 : vector<64x128xf32>
    %mul3A_511 = arith.mulf %mul3A_510, %sub3A_505 : vector<64x128xf32>
    %exp3A_512 = math.exp %mul3A_511 : vector<64x128xf32>
    %slice3A_513 = vector.extract_strided_slice %sqrt3A {offsets = [44, 0], sizes = [1, 128], strides = [1, 1]} : vector<128x128xf32> to vector<1x128xf32>
    %sub3A_514 = vector.broadcast %slice3A_513 : vector<1x128xf32> to vector<64x128xf32>
    %sub3A_515 = vector.broadcast %get3A_28 : vector<64x1xf32> to vector<64x128xf32>
    %sub3A_516 = arith.subf %sub3A_514, %sub3A_515 : vector<64x128xf32>
    %neg3A_517 = arith.constant 0.000000e+00 : f32
    %neg3A_518 = vector.broadcast %neg3A_517 : f32 to vector<64x1xf32>
    %neg3A_519 = arith.subf %neg3A_518, %get3A_31 : vector<64x1xf32>
    %mul3A_520 = vector.broadcast %neg3A_519 : vector<64x1xf32> to vector<64x128xf32>
    %mul3A_521 = arith.mulf %mul3A_520, %sub3A_516 : vector<64x128xf32>
    %mul3A_522 = arith.mulf %mul3A_521, %sub3A_516 : vector<64x128xf32>
    %exp3A_523 = math.exp %mul3A_522 : vector<64x128xf32>
    %slice3A_524 = vector.extract_strided_slice %sqrt3A {offsets = [45, 0], sizes = [1, 128], strides = [1, 1]} : vector<128x128xf32> to vector<1x128xf32>
    %sub3A_525 = vector.broadcast %slice3A_524 : vector<1x128xf32> to vector<64x128xf32>
    %sub3A_526 = vector.broadcast %get3A_28 : vector<64x1xf32> to vector<64x128xf32>
    %sub3A_527 = arith.subf %sub3A_525, %sub3A_526 : vector<64x128xf32>
    %neg3A_528 = arith.constant 0.000000e+00 : f32
    %neg3A_529 = vector.broadcast %neg3A_528 : f32 to vector<64x1xf32>
    %neg3A_530 = arith.subf %neg3A_529, %get3A_31 : vector<64x1xf32>
    %mul3A_531 = vector.broadcast %neg3A_530 : vector<64x1xf32> to vector<64x128xf32>
    %mul3A_532 = arith.mulf %mul3A_531, %sub3A_527 : vector<64x128xf32>
    %mul3A_533 = arith.mulf %mul3A_532, %sub3A_527 : vector<64x128xf32>
    %exp3A_534 = math.exp %mul3A_533 : vector<64x128xf32>
    %slice3A_535 = vector.extract_strided_slice %sqrt3A {offsets = [46, 0], sizes = [1, 128], strides = [1, 1]} : vector<128x128xf32> to vector<1x128xf32>
    %sub3A_536 = vector.broadcast %slice3A_535 : vector<1x128xf32> to vector<64x128xf32>
    %sub3A_537 = vector.broadcast %get3A_28 : vector<64x1xf32> to vector<64x128xf32>
    %sub3A_538 = arith.subf %sub3A_536, %sub3A_537 : vector<64x128xf32>
    %neg3A_539 = arith.constant 0.000000e+00 : f32
    %neg3A_540 = vector.broadcast %neg3A_539 : f32 to vector<64x1xf32>
    %neg3A_541 = arith.subf %neg3A_540, %get3A_31 : vector<64x1xf32>
    %mul3A_542 = vector.broadcast %neg3A_541 : vector<64x1xf32> to vector<64x128xf32>
    %mul3A_543 = arith.mulf %mul3A_542, %sub3A_538 : vector<64x128xf32>
    %mul3A_544 = arith.mulf %mul3A_543, %sub3A_538 : vector<64x128xf32>
    %exp3A_545 = math.exp %mul3A_544 : vector<64x128xf32>
    %slice3A_546 = vector.extract_strided_slice %sqrt3A {offsets = [47, 0], sizes = [1, 128], strides = [1, 1]} : vector<128x128xf32> to vector<1x128xf32>
    %sub3A_547 = vector.broadcast %slice3A_546 : vector<1x128xf32> to vector<64x128xf32>
    %sub3A_548 = vector.broadcast %get3A_28 : vector<64x1xf32> to vector<64x128xf32>
    %sub3A_549 = arith.subf %sub3A_547, %sub3A_548 : vector<64x128xf32>
    %neg3A_550 = arith.constant 0.000000e+00 : f32
    %neg3A_551 = vector.broadcast %neg3A_550 : f32 to vector<64x1xf32>
    %neg3A_552 = arith.subf %neg3A_551, %get3A_31 : vector<64x1xf32>
    %mul3A_553 = vector.broadcast %neg3A_552 : vector<64x1xf32> to vector<64x128xf32>
    %mul3A_554 = arith.mulf %mul3A_553, %sub3A_549 : vector<64x128xf32>
    %mul3A_555 = arith.mulf %mul3A_554, %sub3A_549 : vector<64x128xf32>
    %exp3A_556 = math.exp %mul3A_555 : vector<64x128xf32>
    %slice3A_557 = vector.extract_strided_slice %sqrt3A {offsets = [48, 0], sizes = [1, 128], strides = [1, 1]} : vector<128x128xf32> to vector<1x128xf32>
    %sub3A_558 = vector.broadcast %slice3A_557 : vector<1x128xf32> to vector<64x128xf32>
    %sub3A_559 = vector.broadcast %get3A_28 : vector<64x1xf32> to vector<64x128xf32>
    %sub3A_560 = arith.subf %sub3A_558, %sub3A_559 : vector<64x128xf32>
    %neg3A_561 = arith.constant 0.000000e+00 : f32
    %neg3A_562 = vector.broadcast %neg3A_561 : f32 to vector<64x1xf32>
    %neg3A_563 = arith.subf %neg3A_562, %get3A_31 : vector<64x1xf32>
    %mul3A_564 = vector.broadcast %neg3A_563 : vector<64x1xf32> to vector<64x128xf32>
    %mul3A_565 = arith.mulf %mul3A_564, %sub3A_560 : vector<64x128xf32>
    %mul3A_566 = arith.mulf %mul3A_565, %sub3A_560 : vector<64x128xf32>
    %exp3A_567 = math.exp %mul3A_566 : vector<64x128xf32>
    %slice3A_568 = vector.extract_strided_slice %sqrt3A {offsets = [49, 0], sizes = [1, 128], strides = [1, 1]} : vector<128x128xf32> to vector<1x128xf32>
    %sub3A_569 = vector.broadcast %slice3A_568 : vector<1x128xf32> to vector<64x128xf32>
    %sub3A_570 = vector.broadcast %get3A_28 : vector<64x1xf32> to vector<64x128xf32>
    %sub3A_571 = arith.subf %sub3A_569, %sub3A_570 : vector<64x128xf32>
    %neg3A_572 = arith.constant 0.000000e+00 : f32
    %neg3A_573 = vector.broadcast %neg3A_572 : f32 to vector<64x1xf32>
    %neg3A_574 = arith.subf %neg3A_573, %get3A_31 : vector<64x1xf32>
    %mul3A_575 = vector.broadcast %neg3A_574 : vector<64x1xf32> to vector<64x128xf32>
    %mul3A_576 = arith.mulf %mul3A_575, %sub3A_571 : vector<64x128xf32>
    %mul3A_577 = arith.mulf %mul3A_576, %sub3A_571 : vector<64x128xf32>
    %exp3A_578 = math.exp %mul3A_577 : vector<64x128xf32>
    %slice3A_579 = vector.extract_strided_slice %sqrt3A {offsets = [50, 0], sizes = [1, 128], strides = [1, 1]} : vector<128x128xf32> to vector<1x128xf32>
    %sub3A_580 = vector.broadcast %slice3A_579 : vector<1x128xf32> to vector<64x128xf32>
    %sub3A_581 = vector.broadcast %get3A_28 : vector<64x1xf32> to vector<64x128xf32>
    %sub3A_582 = arith.subf %sub3A_580, %sub3A_581 : vector<64x128xf32>
    %neg3A_583 = arith.constant 0.000000e+00 : f32
    %neg3A_584 = vector.broadcast %neg3A_583 : f32 to vector<64x1xf32>
    %neg3A_585 = arith.subf %neg3A_584, %get3A_31 : vector<64x1xf32>
    %mul3A_586 = vector.broadcast %neg3A_585 : vector<64x1xf32> to vector<64x128xf32>
    %mul3A_587 = arith.mulf %mul3A_586, %sub3A_582 : vector<64x128xf32>
    %mul3A_588 = arith.mulf %mul3A_587, %sub3A_582 : vector<64x128xf32>
    %exp3A_589 = math.exp %mul3A_588 : vector<64x128xf32>
    %slice3A_590 = vector.extract_strided_slice %sqrt3A {offsets = [51, 0], sizes = [1, 128], strides = [1, 1]} : vector<128x128xf32> to vector<1x128xf32>
    %sub3A_591 = vector.broadcast %slice3A_590 : vector<1x128xf32> to vector<64x128xf32>
    %sub3A_592 = vector.broadcast %get3A_28 : vector<64x1xf32> to vector<64x128xf32>
    %sub3A_593 = arith.subf %sub3A_591, %sub3A_592 : vector<64x128xf32>
    %neg3A_594 = arith.constant 0.000000e+00 : f32
    %neg3A_595 = vector.broadcast %neg3A_594 : f32 to vector<64x1xf32>
    %neg3A_596 = arith.subf %neg3A_595, %get3A_31 : vector<64x1xf32>
    %mul3A_597 = vector.broadcast %neg3A_596 : vector<64x1xf32> to vector<64x128xf32>
    %mul3A_598 = arith.mulf %mul3A_597, %sub3A_593 : vector<64x128xf32>
    %mul3A_599 = arith.mulf %mul3A_598, %sub3A_593 : vector<64x128xf32>
    %exp3A_600 = math.exp %mul3A_599 : vector<64x128xf32>
    %slice3A_601 = vector.extract_strided_slice %sqrt3A {offsets = [52, 0], sizes = [1, 128], strides = [1, 1]} : vector<128x128xf32> to vector<1x128xf32>
    %sub3A_602 = vector.broadcast %slice3A_601 : vector<1x128xf32> to vector<64x128xf32>
    %sub3A_603 = vector.broadcast %get3A_28 : vector<64x1xf32> to vector<64x128xf32>
    %sub3A_604 = arith.subf %sub3A_602, %sub3A_603 : vector<64x128xf32>
    %neg3A_605 = arith.constant 0.000000e+00 : f32
    %neg3A_606 = vector.broadcast %neg3A_605 : f32 to vector<64x1xf32>
    %neg3A_607 = arith.subf %neg3A_606, %get3A_31 : vector<64x1xf32>
    %mul3A_608 = vector.broadcast %neg3A_607 : vector<64x1xf32> to vector<64x128xf32>
    %mul3A_609 = arith.mulf %mul3A_608, %sub3A_604 : vector<64x128xf32>
    %mul3A_610 = arith.mulf %mul3A_609, %sub3A_604 : vector<64x128xf32>
    %exp3A_611 = math.exp %mul3A_610 : vector<64x128xf32>
    %slice3A_612 = vector.extract_strided_slice %sqrt3A {offsets = [53, 0], sizes = [1, 128], strides = [1, 1]} : vector<128x128xf32> to vector<1x128xf32>
    %sub3A_613 = vector.broadcast %slice3A_612 : vector<1x128xf32> to vector<64x128xf32>
    %sub3A_614 = vector.broadcast %get3A_28 : vector<64x1xf32> to vector<64x128xf32>
    %sub3A_615 = arith.subf %sub3A_613, %sub3A_614 : vector<64x128xf32>
    %neg3A_616 = arith.constant 0.000000e+00 : f32
    %neg3A_617 = vector.broadcast %neg3A_616 : f32 to vector<64x1xf32>
    %neg3A_618 = arith.subf %neg3A_617, %get3A_31 : vector<64x1xf32>
    %mul3A_619 = vector.broadcast %neg3A_618 : vector<64x1xf32> to vector<64x128xf32>
    %mul3A_620 = arith.mulf %mul3A_619, %sub3A_615 : vector<64x128xf32>
    %mul3A_621 = arith.mulf %mul3A_620, %sub3A_615 : vector<64x128xf32>
    %exp3A_622 = math.exp %mul3A_621 : vector<64x128xf32>
    %slice3A_623 = vector.extract_strided_slice %sqrt3A {offsets = [54, 0], sizes = [1, 128], strides = [1, 1]} : vector<128x128xf32> to vector<1x128xf32>
    %sub3A_624 = vector.broadcast %slice3A_623 : vector<1x128xf32> to vector<64x128xf32>
    %sub3A_625 = vector.broadcast %get3A_28 : vector<64x1xf32> to vector<64x128xf32>
    %sub3A_626 = arith.subf %sub3A_624, %sub3A_625 : vector<64x128xf32>
    %neg3A_627 = arith.constant 0.000000e+00 : f32
    %neg3A_628 = vector.broadcast %neg3A_627 : f32 to vector<64x1xf32>
    %neg3A_629 = arith.subf %neg3A_628, %get3A_31 : vector<64x1xf32>
    %mul3A_630 = vector.broadcast %neg3A_629 : vector<64x1xf32> to vector<64x128xf32>
    %mul3A_631 = arith.mulf %mul3A_630, %sub3A_626 : vector<64x128xf32>
    %mul3A_632 = arith.mulf %mul3A_631, %sub3A_626 : vector<64x128xf32>
    %exp3A_633 = math.exp %mul3A_632 : vector<64x128xf32>
    %slice3A_634 = vector.extract_strided_slice %sqrt3A {offsets = [55, 0], sizes = [1, 128], strides = [1, 1]} : vector<128x128xf32> to vector<1x128xf32>
    %sub3A_635 = vector.broadcast %slice3A_634 : vector<1x128xf32> to vector<64x128xf32>
    %sub3A_636 = vector.broadcast %get3A_28 : vector<64x1xf32> to vector<64x128xf32>
    %sub3A_637 = arith.subf %sub3A_635, %sub3A_636 : vector<64x128xf32>
    %neg3A_638 = arith.constant 0.000000e+00 : f32
    %neg3A_639 = vector.broadcast %neg3A_638 : f32 to vector<64x1xf32>
    %neg3A_640 = arith.subf %neg3A_639, %get3A_31 : vector<64x1xf32>
    %mul3A_641 = vector.broadcast %neg3A_640 : vector<64x1xf32> to vector<64x128xf32>
    %mul3A_642 = arith.mulf %mul3A_641, %sub3A_637 : vector<64x128xf32>
    %mul3A_643 = arith.mulf %mul3A_642, %sub3A_637 : vector<64x128xf32>
    %exp3A_644 = math.exp %mul3A_643 : vector<64x128xf32>
    %slice3A_645 = vector.extract_strided_slice %sqrt3A {offsets = [56, 0], sizes = [1, 128], strides = [1, 1]} : vector<128x128xf32> to vector<1x128xf32>
    %sub3A_646 = vector.broadcast %slice3A_645 : vector<1x128xf32> to vector<64x128xf32>
    %sub3A_647 = vector.broadcast %get3A_28 : vector<64x1xf32> to vector<64x128xf32>
    %sub3A_648 = arith.subf %sub3A_646, %sub3A_647 : vector<64x128xf32>
    %neg3A_649 = arith.constant 0.000000e+00 : f32
    %neg3A_650 = vector.broadcast %neg3A_649 : f32 to vector<64x1xf32>
    %neg3A_651 = arith.subf %neg3A_650, %get3A_31 : vector<64x1xf32>
    %mul3A_652 = vector.broadcast %neg3A_651 : vector<64x1xf32> to vector<64x128xf32>
    %mul3A_653 = arith.mulf %mul3A_652, %sub3A_648 : vector<64x128xf32>
    %mul3A_654 = arith.mulf %mul3A_653, %sub3A_648 : vector<64x128xf32>
    %exp3A_655 = math.exp %mul3A_654 : vector<64x128xf32>
    %slice3A_656 = vector.extract_strided_slice %sqrt3A {offsets = [57, 0], sizes = [1, 128], strides = [1, 1]} : vector<128x128xf32> to vector<1x128xf32>
    %sub3A_657 = vector.broadcast %slice3A_656 : vector<1x128xf32> to vector<64x128xf32>
    %sub3A_658 = vector.broadcast %get3A_28 : vector<64x1xf32> to vector<64x128xf32>
    %sub3A_659 = arith.subf %sub3A_657, %sub3A_658 : vector<64x128xf32>
    %neg3A_660 = arith.constant 0.000000e+00 : f32
    %neg3A_661 = vector.broadcast %neg3A_660 : f32 to vector<64x1xf32>
    %neg3A_662 = arith.subf %neg3A_661, %get3A_31 : vector<64x1xf32>
    %mul3A_663 = vector.broadcast %neg3A_662 : vector<64x1xf32> to vector<64x128xf32>
    %mul3A_664 = arith.mulf %mul3A_663, %sub3A_659 : vector<64x128xf32>
    %mul3A_665 = arith.mulf %mul3A_664, %sub3A_659 : vector<64x128xf32>
    %exp3A_666 = math.exp %mul3A_665 : vector<64x128xf32>
    %slice3A_667 = vector.extract_strided_slice %sqrt3A {offsets = [58, 0], sizes = [1, 128], strides = [1, 1]} : vector<128x128xf32> to vector<1x128xf32>
    %sub3A_668 = vector.broadcast %slice3A_667 : vector<1x128xf32> to vector<64x128xf32>
    %sub3A_669 = vector.broadcast %get3A_28 : vector<64x1xf32> to vector<64x128xf32>
    %sub3A_670 = arith.subf %sub3A_668, %sub3A_669 : vector<64x128xf32>
    %neg3A_671 = arith.constant 0.000000e+00 : f32
    %neg3A_672 = vector.broadcast %neg3A_671 : f32 to vector<64x1xf32>
    %neg3A_673 = arith.subf %neg3A_672, %get3A_31 : vector<64x1xf32>
    %mul3A_674 = vector.broadcast %neg3A_673 : vector<64x1xf32> to vector<64x128xf32>
    %mul3A_675 = arith.mulf %mul3A_674, %sub3A_670 : vector<64x128xf32>
    %mul3A_676 = arith.mulf %mul3A_675, %sub3A_670 : vector<64x128xf32>
    %exp3A_677 = math.exp %mul3A_676 : vector<64x128xf32>
    %slice3A_678 = vector.extract_strided_slice %sqrt3A {offsets = [59, 0], sizes = [1, 128], strides = [1, 1]} : vector<128x128xf32> to vector<1x128xf32>
    %sub3A_679 = vector.broadcast %slice3A_678 : vector<1x128xf32> to vector<64x128xf32>
    %sub3A_680 = vector.broadcast %get3A_28 : vector<64x1xf32> to vector<64x128xf32>
    %sub3A_681 = arith.subf %sub3A_679, %sub3A_680 : vector<64x128xf32>
    %neg3A_682 = arith.constant 0.000000e+00 : f32
    %neg3A_683 = vector.broadcast %neg3A_682 : f32 to vector<64x1xf32>
    %neg3A_684 = arith.subf %neg3A_683, %get3A_31 : vector<64x1xf32>
    %mul3A_685 = vector.broadcast %neg3A_684 : vector<64x1xf32> to vector<64x128xf32>
    %mul3A_686 = arith.mulf %mul3A_685, %sub3A_681 : vector<64x128xf32>
    %mul3A_687 = arith.mulf %mul3A_686, %sub3A_681 : vector<64x128xf32>
    %exp3A_688 = math.exp %mul3A_687 : vector<64x128xf32>
    %slice3A_689 = vector.extract_strided_slice %sqrt3A {offsets = [60, 0], sizes = [1, 128], strides = [1, 1]} : vector<128x128xf32> to vector<1x128xf32>
    %sub3A_690 = vector.broadcast %slice3A_689 : vector<1x128xf32> to vector<64x128xf32>
    %sub3A_691 = vector.broadcast %get3A_28 : vector<64x1xf32> to vector<64x128xf32>
    %sub3A_692 = arith.subf %sub3A_690, %sub3A_691 : vector<64x128xf32>
    %neg3A_693 = arith.constant 0.000000e+00 : f32
    %neg3A_694 = vector.broadcast %neg3A_693 : f32 to vector<64x1xf32>
    %neg3A_695 = arith.subf %neg3A_694, %get3A_31 : vector<64x1xf32>
    %mul3A_696 = vector.broadcast %neg3A_695 : vector<64x1xf32> to vector<64x128xf32>
    %mul3A_697 = arith.mulf %mul3A_696, %sub3A_692 : vector<64x128xf32>
    %mul3A_698 = arith.mulf %mul3A_697, %sub3A_692 : vector<64x128xf32>
    %exp3A_699 = math.exp %mul3A_698 : vector<64x128xf32>
    %slice3A_700 = vector.extract_strided_slice %sqrt3A {offsets = [61, 0], sizes = [1, 128], strides = [1, 1]} : vector<128x128xf32> to vector<1x128xf32>
    %sub3A_701 = vector.broadcast %slice3A_700 : vector<1x128xf32> to vector<64x128xf32>
    %sub3A_702 = vector.broadcast %get3A_28 : vector<64x1xf32> to vector<64x128xf32>
    %sub3A_703 = arith.subf %sub3A_701, %sub3A_702 : vector<64x128xf32>
    %neg3A_704 = arith.constant 0.000000e+00 : f32
    %neg3A_705 = vector.broadcast %neg3A_704 : f32 to vector<64x1xf32>
    %neg3A_706 = arith.subf %neg3A_705, %get3A_31 : vector<64x1xf32>
    %mul3A_707 = vector.broadcast %neg3A_706 : vector<64x1xf32> to vector<64x128xf32>
    %mul3A_708 = arith.mulf %mul3A_707, %sub3A_703 : vector<64x128xf32>
    %mul3A_709 = arith.mulf %mul3A_708, %sub3A_703 : vector<64x128xf32>
    %exp3A_710 = math.exp %mul3A_709 : vector<64x128xf32>
    %slice3A_711 = vector.extract_strided_slice %sqrt3A {offsets = [62, 0], sizes = [1, 128], strides = [1, 1]} : vector<128x128xf32> to vector<1x128xf32>
    %sub3A_712 = vector.broadcast %slice3A_711 : vector<1x128xf32> to vector<64x128xf32>
    %sub3A_713 = vector.broadcast %get3A_28 : vector<64x1xf32> to vector<64x128xf32>
    %sub3A_714 = arith.subf %sub3A_712, %sub3A_713 : vector<64x128xf32>
    %neg3A_715 = arith.constant 0.000000e+00 : f32
    %neg3A_716 = vector.broadcast %neg3A_715 : f32 to vector<64x1xf32>
    %neg3A_717 = arith.subf %neg3A_716, %get3A_31 : vector<64x1xf32>
    %mul3A_718 = vector.broadcast %neg3A_717 : vector<64x1xf32> to vector<64x128xf32>
    %mul3A_719 = arith.mulf %mul3A_718, %sub3A_714 : vector<64x128xf32>
    %mul3A_720 = arith.mulf %mul3A_719, %sub3A_714 : vector<64x128xf32>
    %exp3A_721 = math.exp %mul3A_720 : vector<64x128xf32>
    %slice3A_722 = vector.extract_strided_slice %sqrt3A {offsets = [63, 0], sizes = [1, 128], strides = [1, 1]} : vector<128x128xf32> to vector<1x128xf32>
    %sub3A_723 = vector.broadcast %slice3A_722 : vector<1x128xf32> to vector<64x128xf32>
    %sub3A_724 = vector.broadcast %get3A_28 : vector<64x1xf32> to vector<64x128xf32>
    %sub3A_725 = arith.subf %sub3A_723, %sub3A_724 : vector<64x128xf32>
    %neg3A_726 = arith.constant 0.000000e+00 : f32
    %neg3A_727 = vector.broadcast %neg3A_726 : f32 to vector<64x1xf32>
    %neg3A_728 = arith.subf %neg3A_727, %get3A_31 : vector<64x1xf32>
    %mul3A_729 = vector.broadcast %neg3A_728 : vector<64x1xf32> to vector<64x128xf32>
    %mul3A_730 = arith.mulf %mul3A_729, %sub3A_725 : vector<64x128xf32>
    %mul3A_731 = arith.mulf %mul3A_730, %sub3A_725 : vector<64x128xf32>
    %exp3A_732 = math.exp %mul3A_731 : vector<64x128xf32>
    %slice3A_733 = vector.extract_strided_slice %sqrt3A {offsets = [64, 0], sizes = [1, 128], strides = [1, 1]} : vector<128x128xf32> to vector<1x128xf32>
    %sub3A_734 = vector.broadcast %slice3A_733 : vector<1x128xf32> to vector<64x128xf32>
    %sub3A_735 = vector.broadcast %get3A_28 : vector<64x1xf32> to vector<64x128xf32>
    %sub3A_736 = arith.subf %sub3A_734, %sub3A_735 : vector<64x128xf32>
    %neg3A_737 = arith.constant 0.000000e+00 : f32
    %neg3A_738 = vector.broadcast %neg3A_737 : f32 to vector<64x1xf32>
    %neg3A_739 = arith.subf %neg3A_738, %get3A_31 : vector<64x1xf32>
    %mul3A_740 = vector.broadcast %neg3A_739 : vector<64x1xf32> to vector<64x128xf32>
    %mul3A_741 = arith.mulf %mul3A_740, %sub3A_736 : vector<64x128xf32>
    %mul3A_742 = arith.mulf %mul3A_741, %sub3A_736 : vector<64x128xf32>
    %exp3A_743 = math.exp %mul3A_742 : vector<64x128xf32>
    %slice3A_744 = vector.extract_strided_slice %sqrt3A {offsets = [65, 0], sizes = [1, 128], strides = [1, 1]} : vector<128x128xf32> to vector<1x128xf32>
    %sub3A_745 = vector.broadcast %slice3A_744 : vector<1x128xf32> to vector<64x128xf32>
    %sub3A_746 = vector.broadcast %get3A_28 : vector<64x1xf32> to vector<64x128xf32>
    %sub3A_747 = arith.subf %sub3A_745, %sub3A_746 : vector<64x128xf32>
    %neg3A_748 = arith.constant 0.000000e+00 : f32
    %neg3A_749 = vector.broadcast %neg3A_748 : f32 to vector<64x1xf32>
    %neg3A_750 = arith.subf %neg3A_749, %get3A_31 : vector<64x1xf32>
    %mul3A_751 = vector.broadcast %neg3A_750 : vector<64x1xf32> to vector<64x128xf32>
    %mul3A_752 = arith.mulf %mul3A_751, %sub3A_747 : vector<64x128xf32>
    %mul3A_753 = arith.mulf %mul3A_752, %sub3A_747 : vector<64x128xf32>
    %exp3A_754 = math.exp %mul3A_753 : vector<64x128xf32>
    %slice3A_755 = vector.extract_strided_slice %sqrt3A {offsets = [66, 0], sizes = [1, 128], strides = [1, 1]} : vector<128x128xf32> to vector<1x128xf32>
    %sub3A_756 = vector.broadcast %slice3A_755 : vector<1x128xf32> to vector<64x128xf32>
    %sub3A_757 = vector.broadcast %get3A_28 : vector<64x1xf32> to vector<64x128xf32>
    %sub3A_758 = arith.subf %sub3A_756, %sub3A_757 : vector<64x128xf32>
    %neg3A_759 = arith.constant 0.000000e+00 : f32
    %neg3A_760 = vector.broadcast %neg3A_759 : f32 to vector<64x1xf32>
    %neg3A_761 = arith.subf %neg3A_760, %get3A_31 : vector<64x1xf32>
    %mul3A_762 = vector.broadcast %neg3A_761 : vector<64x1xf32> to vector<64x128xf32>
    %mul3A_763 = arith.mulf %mul3A_762, %sub3A_758 : vector<64x128xf32>
    %mul3A_764 = arith.mulf %mul3A_763, %sub3A_758 : vector<64x128xf32>
    %exp3A_765 = math.exp %mul3A_764 : vector<64x128xf32>
    %slice3A_766 = vector.extract_strided_slice %sqrt3A {offsets = [67, 0], sizes = [1, 128], strides = [1, 1]} : vector<128x128xf32> to vector<1x128xf32>
    %sub3A_767 = vector.broadcast %slice3A_766 : vector<1x128xf32> to vector<64x128xf32>
    %sub3A_768 = vector.broadcast %get3A_28 : vector<64x1xf32> to vector<64x128xf32>
    %sub3A_769 = arith.subf %sub3A_767, %sub3A_768 : vector<64x128xf32>
    %neg3A_770 = arith.constant 0.000000e+00 : f32
    %neg3A_771 = vector.broadcast %neg3A_770 : f32 to vector<64x1xf32>
    %neg3A_772 = arith.subf %neg3A_771, %get3A_31 : vector<64x1xf32>
    %mul3A_773 = vector.broadcast %neg3A_772 : vector<64x1xf32> to vector<64x128xf32>
    %mul3A_774 = arith.mulf %mul3A_773, %sub3A_769 : vector<64x128xf32>
    %mul3A_775 = arith.mulf %mul3A_774, %sub3A_769 : vector<64x128xf32>
    %exp3A_776 = math.exp %mul3A_775 : vector<64x128xf32>
    %slice3A_777 = vector.extract_strided_slice %sqrt3A {offsets = [68, 0], sizes = [1, 128], strides = [1, 1]} : vector<128x128xf32> to vector<1x128xf32>
    %sub3A_778 = vector.broadcast %slice3A_777 : vector<1x128xf32> to vector<64x128xf32>
    %sub3A_779 = vector.broadcast %get3A_28 : vector<64x1xf32> to vector<64x128xf32>
    %sub3A_780 = arith.subf %sub3A_778, %sub3A_779 : vector<64x128xf32>
    %neg3A_781 = arith.constant 0.000000e+00 : f32
    %neg3A_782 = vector.broadcast %neg3A_781 : f32 to vector<64x1xf32>
    %neg3A_783 = arith.subf %neg3A_782, %get3A_31 : vector<64x1xf32>
    %mul3A_784 = vector.broadcast %neg3A_783 : vector<64x1xf32> to vector<64x128xf32>
    %mul3A_785 = arith.mulf %mul3A_784, %sub3A_780 : vector<64x128xf32>
    %mul3A_786 = arith.mulf %mul3A_785, %sub3A_780 : vector<64x128xf32>
    %exp3A_787 = math.exp %mul3A_786 : vector<64x128xf32>
    %slice3A_788 = vector.extract_strided_slice %sqrt3A {offsets = [69, 0], sizes = [1, 128], strides = [1, 1]} : vector<128x128xf32> to vector<1x128xf32>
    %sub3A_789 = vector.broadcast %slice3A_788 : vector<1x128xf32> to vector<64x128xf32>
    %sub3A_790 = vector.broadcast %get3A_28 : vector<64x1xf32> to vector<64x128xf32>
    %sub3A_791 = arith.subf %sub3A_789, %sub3A_790 : vector<64x128xf32>
    %neg3A_792 = arith.constant 0.000000e+00 : f32
    %neg3A_793 = vector.broadcast %neg3A_792 : f32 to vector<64x1xf32>
    %neg3A_794 = arith.subf %neg3A_793, %get3A_31 : vector<64x1xf32>
    %mul3A_795 = vector.broadcast %neg3A_794 : vector<64x1xf32> to vector<64x128xf32>
    %mul3A_796 = arith.mulf %mul3A_795, %sub3A_791 : vector<64x128xf32>
    %mul3A_797 = arith.mulf %mul3A_796, %sub3A_791 : vector<64x128xf32>
    %exp3A_798 = math.exp %mul3A_797 : vector<64x128xf32>
    %slice3A_799 = vector.extract_strided_slice %sqrt3A {offsets = [70, 0], sizes = [1, 128], strides = [1, 1]} : vector<128x128xf32> to vector<1x128xf32>
    %sub3A_800 = vector.broadcast %slice3A_799 : vector<1x128xf32> to vector<64x128xf32>
    %sub3A_801 = vector.broadcast %get3A_28 : vector<64x1xf32> to vector<64x128xf32>
    %sub3A_802 = arith.subf %sub3A_800, %sub3A_801 : vector<64x128xf32>
    %neg3A_803 = arith.constant 0.000000e+00 : f32
    %neg3A_804 = vector.broadcast %neg3A_803 : f32 to vector<64x1xf32>
    %neg3A_805 = arith.subf %neg3A_804, %get3A_31 : vector<64x1xf32>
    %mul3A_806 = vector.broadcast %neg3A_805 : vector<64x1xf32> to vector<64x128xf32>
    %mul3A_807 = arith.mulf %mul3A_806, %sub3A_802 : vector<64x128xf32>
    %mul3A_808 = arith.mulf %mul3A_807, %sub3A_802 : vector<64x128xf32>
    %exp3A_809 = math.exp %mul3A_808 : vector<64x128xf32>
    %slice3A_810 = vector.extract_strided_slice %sqrt3A {offsets = [71, 0], sizes = [1, 128], strides = [1, 1]} : vector<128x128xf32> to vector<1x128xf32>
    %sub3A_811 = vector.broadcast %slice3A_810 : vector<1x128xf32> to vector<64x128xf32>
    %sub3A_812 = vector.broadcast %get3A_28 : vector<64x1xf32> to vector<64x128xf32>
    %sub3A_813 = arith.subf %sub3A_811, %sub3A_812 : vector<64x128xf32>
    %neg3A_814 = arith.constant 0.000000e+00 : f32
    %neg3A_815 = vector.broadcast %neg3A_814 : f32 to vector<64x1xf32>
    %neg3A_816 = arith.subf %neg3A_815, %get3A_31 : vector<64x1xf32>
    %mul3A_817 = vector.broadcast %neg3A_816 : vector<64x1xf32> to vector<64x128xf32>
    %mul3A_818 = arith.mulf %mul3A_817, %sub3A_813 : vector<64x128xf32>
    %mul3A_819 = arith.mulf %mul3A_818, %sub3A_813 : vector<64x128xf32>
    %exp3A_820 = math.exp %mul3A_819 : vector<64x128xf32>
    %slice3A_821 = vector.extract_strided_slice %sqrt3A {offsets = [72, 0], sizes = [1, 128], strides = [1, 1]} : vector<128x128xf32> to vector<1x128xf32>
    %sub3A_822 = vector.broadcast %slice3A_821 : vector<1x128xf32> to vector<64x128xf32>
    %sub3A_823 = vector.broadcast %get3A_28 : vector<64x1xf32> to vector<64x128xf32>
    %sub3A_824 = arith.subf %sub3A_822, %sub3A_823 : vector<64x128xf32>
    %neg3A_825 = arith.constant 0.000000e+00 : f32
    %neg3A_826 = vector.broadcast %neg3A_825 : f32 to vector<64x1xf32>
    %neg3A_827 = arith.subf %neg3A_826, %get3A_31 : vector<64x1xf32>
    %mul3A_828 = vector.broadcast %neg3A_827 : vector<64x1xf32> to vector<64x128xf32>
    %mul3A_829 = arith.mulf %mul3A_828, %sub3A_824 : vector<64x128xf32>
    %mul3A_830 = arith.mulf %mul3A_829, %sub3A_824 : vector<64x128xf32>
    %exp3A_831 = math.exp %mul3A_830 : vector<64x128xf32>
    %slice3A_832 = vector.extract_strided_slice %sqrt3A {offsets = [73, 0], sizes = [1, 128], strides = [1, 1]} : vector<128x128xf32> to vector<1x128xf32>
    %sub3A_833 = vector.broadcast %slice3A_832 : vector<1x128xf32> to vector<64x128xf32>
    %sub3A_834 = vector.broadcast %get3A_28 : vector<64x1xf32> to vector<64x128xf32>
    %sub3A_835 = arith.subf %sub3A_833, %sub3A_834 : vector<64x128xf32>
    %neg3A_836 = arith.constant 0.000000e+00 : f32
    %neg3A_837 = vector.broadcast %neg3A_836 : f32 to vector<64x1xf32>
    %neg3A_838 = arith.subf %neg3A_837, %get3A_31 : vector<64x1xf32>
    %mul3A_839 = vector.broadcast %neg3A_838 : vector<64x1xf32> to vector<64x128xf32>
    %mul3A_840 = arith.mulf %mul3A_839, %sub3A_835 : vector<64x128xf32>
    %mul3A_841 = arith.mulf %mul3A_840, %sub3A_835 : vector<64x128xf32>
    %exp3A_842 = math.exp %mul3A_841 : vector<64x128xf32>
    %slice3A_843 = vector.extract_strided_slice %sqrt3A {offsets = [74, 0], sizes = [1, 128], strides = [1, 1]} : vector<128x128xf32> to vector<1x128xf32>
    %sub3A_844 = vector.broadcast %slice3A_843 : vector<1x128xf32> to vector<64x128xf32>
    %sub3A_845 = vector.broadcast %get3A_28 : vector<64x1xf32> to vector<64x128xf32>
    %sub3A_846 = arith.subf %sub3A_844, %sub3A_845 : vector<64x128xf32>
    %neg3A_847 = arith.constant 0.000000e+00 : f32
    %neg3A_848 = vector.broadcast %neg3A_847 : f32 to vector<64x1xf32>
    %neg3A_849 = arith.subf %neg3A_848, %get3A_31 : vector<64x1xf32>
    %mul3A_850 = vector.broadcast %neg3A_849 : vector<64x1xf32> to vector<64x128xf32>
    %mul3A_851 = arith.mulf %mul3A_850, %sub3A_846 : vector<64x128xf32>
    %mul3A_852 = arith.mulf %mul3A_851, %sub3A_846 : vector<64x128xf32>
    %exp3A_853 = math.exp %mul3A_852 : vector<64x128xf32>
    %slice3A_854 = vector.extract_strided_slice %sqrt3A {offsets = [75, 0], sizes = [1, 128], strides = [1, 1]} : vector<128x128xf32> to vector<1x128xf32>
    %sub3A_855 = vector.broadcast %slice3A_854 : vector<1x128xf32> to vector<64x128xf32>
    %sub3A_856 = vector.broadcast %get3A_28 : vector<64x1xf32> to vector<64x128xf32>
    %sub3A_857 = arith.subf %sub3A_855, %sub3A_856 : vector<64x128xf32>
    %neg3A_858 = arith.constant 0.000000e+00 : f32
    %neg3A_859 = vector.broadcast %neg3A_858 : f32 to vector<64x1xf32>
    %neg3A_860 = arith.subf %neg3A_859, %get3A_31 : vector<64x1xf32>
    %mul3A_861 = vector.broadcast %neg3A_860 : vector<64x1xf32> to vector<64x128xf32>
    %mul3A_862 = arith.mulf %mul3A_861, %sub3A_857 : vector<64x128xf32>
    %mul3A_863 = arith.mulf %mul3A_862, %sub3A_857 : vector<64x128xf32>
    %exp3A_864 = math.exp %mul3A_863 : vector<64x128xf32>
    %slice3A_865 = vector.extract_strided_slice %sqrt3A {offsets = [76, 0], sizes = [1, 128], strides = [1, 1]} : vector<128x128xf32> to vector<1x128xf32>
    %sub3A_866 = vector.broadcast %slice3A_865 : vector<1x128xf32> to vector<64x128xf32>
    %sub3A_867 = vector.broadcast %get3A_28 : vector<64x1xf32> to vector<64x128xf32>
    %sub3A_868 = arith.subf %sub3A_866, %sub3A_867 : vector<64x128xf32>
    %neg3A_869 = arith.constant 0.000000e+00 : f32
    %neg3A_870 = vector.broadcast %neg3A_869 : f32 to vector<64x1xf32>
    %neg3A_871 = arith.subf %neg3A_870, %get3A_31 : vector<64x1xf32>
    %mul3A_872 = vector.broadcast %neg3A_871 : vector<64x1xf32> to vector<64x128xf32>
    %mul3A_873 = arith.mulf %mul3A_872, %sub3A_868 : vector<64x128xf32>
    %mul3A_874 = arith.mulf %mul3A_873, %sub3A_868 : vector<64x128xf32>
    %exp3A_875 = math.exp %mul3A_874 : vector<64x128xf32>
    %slice3A_876 = vector.extract_strided_slice %sqrt3A {offsets = [77, 0], sizes = [1, 128], strides = [1, 1]} : vector<128x128xf32> to vector<1x128xf32>
    %sub3A_877 = vector.broadcast %slice3A_876 : vector<1x128xf32> to vector<64x128xf32>
    %sub3A_878 = vector.broadcast %get3A_28 : vector<64x1xf32> to vector<64x128xf32>
    %sub3A_879 = arith.subf %sub3A_877, %sub3A_878 : vector<64x128xf32>
    %neg3A_880 = arith.constant 0.000000e+00 : f32
    %neg3A_881 = vector.broadcast %neg3A_880 : f32 to vector<64x1xf32>
    %neg3A_882 = arith.subf %neg3A_881, %get3A_31 : vector<64x1xf32>
    %mul3A_883 = vector.broadcast %neg3A_882 : vector<64x1xf32> to vector<64x128xf32>
    %mul3A_884 = arith.mulf %mul3A_883, %sub3A_879 : vector<64x128xf32>
    %mul3A_885 = arith.mulf %mul3A_884, %sub3A_879 : vector<64x128xf32>
    %exp3A_886 = math.exp %mul3A_885 : vector<64x128xf32>
    %slice3A_887 = vector.extract_strided_slice %sqrt3A {offsets = [78, 0], sizes = [1, 128], strides = [1, 1]} : vector<128x128xf32> to vector<1x128xf32>
    %sub3A_888 = vector.broadcast %slice3A_887 : vector<1x128xf32> to vector<64x128xf32>
    %sub3A_889 = vector.broadcast %get3A_28 : vector<64x1xf32> to vector<64x128xf32>
    %sub3A_890 = arith.subf %sub3A_888, %sub3A_889 : vector<64x128xf32>
    %neg3A_891 = arith.constant 0.000000e+00 : f32
    %neg3A_892 = vector.broadcast %neg3A_891 : f32 to vector<64x1xf32>
    %neg3A_893 = arith.subf %neg3A_892, %get3A_31 : vector<64x1xf32>
    %mul3A_894 = vector.broadcast %neg3A_893 : vector<64x1xf32> to vector<64x128xf32>
    %mul3A_895 = arith.mulf %mul3A_894, %sub3A_890 : vector<64x128xf32>
    %mul3A_896 = arith.mulf %mul3A_895, %sub3A_890 : vector<64x128xf32>
    %exp3A_897 = math.exp %mul3A_896 : vector<64x128xf32>
    %slice3A_898 = vector.extract_strided_slice %sqrt3A {offsets = [79, 0], sizes = [1, 128], strides = [1, 1]} : vector<128x128xf32> to vector<1x128xf32>
    %sub3A_899 = vector.broadcast %slice3A_898 : vector<1x128xf32> to vector<64x128xf32>
    %sub3A_900 = vector.broadcast %get3A_28 : vector<64x1xf32> to vector<64x128xf32>
    %sub3A_901 = arith.subf %sub3A_899, %sub3A_900 : vector<64x128xf32>
    %neg3A_902 = arith.constant 0.000000e+00 : f32
    %neg3A_903 = vector.broadcast %neg3A_902 : f32 to vector<64x1xf32>
    %neg3A_904 = arith.subf %neg3A_903, %get3A_31 : vector<64x1xf32>
    %mul3A_905 = vector.broadcast %neg3A_904 : vector<64x1xf32> to vector<64x128xf32>
    %mul3A_906 = arith.mulf %mul3A_905, %sub3A_901 : vector<64x128xf32>
    %mul3A_907 = arith.mulf %mul3A_906, %sub3A_901 : vector<64x128xf32>
    %exp3A_908 = math.exp %mul3A_907 : vector<64x128xf32>
    %slice3A_909 = vector.extract_strided_slice %sqrt3A {offsets = [80, 0], sizes = [1, 128], strides = [1, 1]} : vector<128x128xf32> to vector<1x128xf32>
    %sub3A_910 = vector.broadcast %slice3A_909 : vector<1x128xf32> to vector<64x128xf32>
    %sub3A_911 = vector.broadcast %get3A_28 : vector<64x1xf32> to vector<64x128xf32>
    %sub3A_912 = arith.subf %sub3A_910, %sub3A_911 : vector<64x128xf32>
    %neg3A_913 = arith.constant 0.000000e+00 : f32
    %neg3A_914 = vector.broadcast %neg3A_913 : f32 to vector<64x1xf32>
    %neg3A_915 = arith.subf %neg3A_914, %get3A_31 : vector<64x1xf32>
    %mul3A_916 = vector.broadcast %neg3A_915 : vector<64x1xf32> to vector<64x128xf32>
    %mul3A_917 = arith.mulf %mul3A_916, %sub3A_912 : vector<64x128xf32>
    %mul3A_918 = arith.mulf %mul3A_917, %sub3A_912 : vector<64x128xf32>
    %exp3A_919 = math.exp %mul3A_918 : vector<64x128xf32>
    %slice3A_920 = vector.extract_strided_slice %sqrt3A {offsets = [81, 0], sizes = [1, 128], strides = [1, 1]} : vector<128x128xf32> to vector<1x128xf32>
    %sub3A_921 = vector.broadcast %slice3A_920 : vector<1x128xf32> to vector<64x128xf32>
    %sub3A_922 = vector.broadcast %get3A_28 : vector<64x1xf32> to vector<64x128xf32>
    %sub3A_923 = arith.subf %sub3A_921, %sub3A_922 : vector<64x128xf32>
    %neg3A_924 = arith.constant 0.000000e+00 : f32
    %neg3A_925 = vector.broadcast %neg3A_924 : f32 to vector<64x1xf32>
    %neg3A_926 = arith.subf %neg3A_925, %get3A_31 : vector<64x1xf32>
    %mul3A_927 = vector.broadcast %neg3A_926 : vector<64x1xf32> to vector<64x128xf32>
    %mul3A_928 = arith.mulf %mul3A_927, %sub3A_923 : vector<64x128xf32>
    %mul3A_929 = arith.mulf %mul3A_928, %sub3A_923 : vector<64x128xf32>
    %exp3A_930 = math.exp %mul3A_929 : vector<64x128xf32>
    %slice3A_931 = vector.extract_strided_slice %sqrt3A {offsets = [82, 0], sizes = [1, 128], strides = [1, 1]} : vector<128x128xf32> to vector<1x128xf32>
    %sub3A_932 = vector.broadcast %slice3A_931 : vector<1x128xf32> to vector<64x128xf32>
    %sub3A_933 = vector.broadcast %get3A_28 : vector<64x1xf32> to vector<64x128xf32>
    %sub3A_934 = arith.subf %sub3A_932, %sub3A_933 : vector<64x128xf32>
    %neg3A_935 = arith.constant 0.000000e+00 : f32
    %neg3A_936 = vector.broadcast %neg3A_935 : f32 to vector<64x1xf32>
    %neg3A_937 = arith.subf %neg3A_936, %get3A_31 : vector<64x1xf32>
    %mul3A_938 = vector.broadcast %neg3A_937 : vector<64x1xf32> to vector<64x128xf32>
    %mul3A_939 = arith.mulf %mul3A_938, %sub3A_934 : vector<64x128xf32>
    %mul3A_940 = arith.mulf %mul3A_939, %sub3A_934 : vector<64x128xf32>
    %exp3A_941 = math.exp %mul3A_940 : vector<64x128xf32>
    %slice3A_942 = vector.extract_strided_slice %sqrt3A {offsets = [83, 0], sizes = [1, 128], strides = [1, 1]} : vector<128x128xf32> to vector<1x128xf32>
    %sub3A_943 = vector.broadcast %slice3A_942 : vector<1x128xf32> to vector<64x128xf32>
    %sub3A_944 = vector.broadcast %get3A_28 : vector<64x1xf32> to vector<64x128xf32>
    %sub3A_945 = arith.subf %sub3A_943, %sub3A_944 : vector<64x128xf32>
    %neg3A_946 = arith.constant 0.000000e+00 : f32
    %neg3A_947 = vector.broadcast %neg3A_946 : f32 to vector<64x1xf32>
    %neg3A_948 = arith.subf %neg3A_947, %get3A_31 : vector<64x1xf32>
    %mul3A_949 = vector.broadcast %neg3A_948 : vector<64x1xf32> to vector<64x128xf32>
    %mul3A_950 = arith.mulf %mul3A_949, %sub3A_945 : vector<64x128xf32>
    %mul3A_951 = arith.mulf %mul3A_950, %sub3A_945 : vector<64x128xf32>
    %exp3A_952 = math.exp %mul3A_951 : vector<64x128xf32>
    %slice3A_953 = vector.extract_strided_slice %sqrt3A {offsets = [84, 0], sizes = [1, 128], strides = [1, 1]} : vector<128x128xf32> to vector<1x128xf32>
    %sub3A_954 = vector.broadcast %slice3A_953 : vector<1x128xf32> to vector<64x128xf32>
    %sub3A_955 = vector.broadcast %get3A_28 : vector<64x1xf32> to vector<64x128xf32>
    %sub3A_956 = arith.subf %sub3A_954, %sub3A_955 : vector<64x128xf32>
    %neg3A_957 = arith.constant 0.000000e+00 : f32
    %neg3A_958 = vector.broadcast %neg3A_957 : f32 to vector<64x1xf32>
    %neg3A_959 = arith.subf %neg3A_958, %get3A_31 : vector<64x1xf32>
    %mul3A_960 = vector.broadcast %neg3A_959 : vector<64x1xf32> to vector<64x128xf32>
    %mul3A_961 = arith.mulf %mul3A_960, %sub3A_956 : vector<64x128xf32>
    %mul3A_962 = arith.mulf %mul3A_961, %sub3A_956 : vector<64x128xf32>
    %exp3A_963 = math.exp %mul3A_962 : vector<64x128xf32>
    %slice3A_964 = vector.extract_strided_slice %sqrt3A {offsets = [85, 0], sizes = [1, 128], strides = [1, 1]} : vector<128x128xf32> to vector<1x128xf32>
    %sub3A_965 = vector.broadcast %slice3A_964 : vector<1x128xf32> to vector<64x128xf32>
    %sub3A_966 = vector.broadcast %get3A_28 : vector<64x1xf32> to vector<64x128xf32>
    %sub3A_967 = arith.subf %sub3A_965, %sub3A_966 : vector<64x128xf32>
    %neg3A_968 = arith.constant 0.000000e+00 : f32
    %neg3A_969 = vector.broadcast %neg3A_968 : f32 to vector<64x1xf32>
    %neg3A_970 = arith.subf %neg3A_969, %get3A_31 : vector<64x1xf32>
    %mul3A_971 = vector.broadcast %neg3A_970 : vector<64x1xf32> to vector<64x128xf32>
    %mul3A_972 = arith.mulf %mul3A_971, %sub3A_967 : vector<64x128xf32>
    %mul3A_973 = arith.mulf %mul3A_972, %sub3A_967 : vector<64x128xf32>
    %exp3A_974 = math.exp %mul3A_973 : vector<64x128xf32>
    %slice3A_975 = vector.extract_strided_slice %sqrt3A {offsets = [86, 0], sizes = [1, 128], strides = [1, 1]} : vector<128x128xf32> to vector<1x128xf32>
    %sub3A_976 = vector.broadcast %slice3A_975 : vector<1x128xf32> to vector<64x128xf32>
    %sub3A_977 = vector.broadcast %get3A_28 : vector<64x1xf32> to vector<64x128xf32>
    %sub3A_978 = arith.subf %sub3A_976, %sub3A_977 : vector<64x128xf32>
    %neg3A_979 = arith.constant 0.000000e+00 : f32
    %neg3A_980 = vector.broadcast %neg3A_979 : f32 to vector<64x1xf32>
    %neg3A_981 = arith.subf %neg3A_980, %get3A_31 : vector<64x1xf32>
    %mul3A_982 = vector.broadcast %neg3A_981 : vector<64x1xf32> to vector<64x128xf32>
    %mul3A_983 = arith.mulf %mul3A_982, %sub3A_978 : vector<64x128xf32>
    %mul3A_984 = arith.mulf %mul3A_983, %sub3A_978 : vector<64x128xf32>
    %exp3A_985 = math.exp %mul3A_984 : vector<64x128xf32>
    %slice3A_986 = vector.extract_strided_slice %sqrt3A {offsets = [87, 0], sizes = [1, 128], strides = [1, 1]} : vector<128x128xf32> to vector<1x128xf32>
    %sub3A_987 = vector.broadcast %slice3A_986 : vector<1x128xf32> to vector<64x128xf32>
    %sub3A_988 = vector.broadcast %get3A_28 : vector<64x1xf32> to vector<64x128xf32>
    %sub3A_989 = arith.subf %sub3A_987, %sub3A_988 : vector<64x128xf32>
    %neg3A_990 = arith.constant 0.000000e+00 : f32
    %neg3A_991 = vector.broadcast %neg3A_990 : f32 to vector<64x1xf32>
    %neg3A_992 = arith.subf %neg3A_991, %get3A_31 : vector<64x1xf32>
    %mul3A_993 = vector.broadcast %neg3A_992 : vector<64x1xf32> to vector<64x128xf32>
    %mul3A_994 = arith.mulf %mul3A_993, %sub3A_989 : vector<64x128xf32>
    %mul3A_995 = arith.mulf %mul3A_994, %sub3A_989 : vector<64x128xf32>
    %exp3A_996 = math.exp %mul3A_995 : vector<64x128xf32>
    %slice3A_997 = vector.extract_strided_slice %sqrt3A {offsets = [88, 0], sizes = [1, 128], strides = [1, 1]} : vector<128x128xf32> to vector<1x128xf32>
    %sub3A_998 = vector.broadcast %slice3A_997 : vector<1x128xf32> to vector<64x128xf32>
    %sub3A_999 = vector.broadcast %get3A_28 : vector<64x1xf32> to vector<64x128xf32>
    %sub3A_1000 = arith.subf %sub3A_998, %sub3A_999 : vector<64x128xf32>
    %neg3A_1001 = arith.constant 0.000000e+00 : f32
    %neg3A_1002 = vector.broadcast %neg3A_1001 : f32 to vector<64x1xf32>
    %neg3A_1003 = arith.subf %neg3A_1002, %get3A_31 : vector<64x1xf32>
    %mul3A_1004 = vector.broadcast %neg3A_1003 : vector<64x1xf32> to vector<64x128xf32>
    %mul3A_1005 = arith.mulf %mul3A_1004, %sub3A_1000 : vector<64x128xf32>
    %mul3A_1006 = arith.mulf %mul3A_1005, %sub3A_1000 : vector<64x128xf32>
    %exp3A_1007 = math.exp %mul3A_1006 : vector<64x128xf32>
    %slice3A_1008 = vector.extract_strided_slice %sqrt3A {offsets = [89, 0], sizes = [1, 128], strides = [1, 1]} : vector<128x128xf32> to vector<1x128xf32>
    %sub3A_1009 = vector.broadcast %slice3A_1008 : vector<1x128xf32> to vector<64x128xf32>
    %sub3A_1010 = vector.broadcast %get3A_28 : vector<64x1xf32> to vector<64x128xf32>
    %sub3A_1011 = arith.subf %sub3A_1009, %sub3A_1010 : vector<64x128xf32>
    %neg3A_1012 = arith.constant 0.000000e+00 : f32
    %neg3A_1013 = vector.broadcast %neg3A_1012 : f32 to vector<64x1xf32>
    %neg3A_1014 = arith.subf %neg3A_1013, %get3A_31 : vector<64x1xf32>
    %mul3A_1015 = vector.broadcast %neg3A_1014 : vector<64x1xf32> to vector<64x128xf32>
    %mul3A_1016 = arith.mulf %mul3A_1015, %sub3A_1011 : vector<64x128xf32>
    %mul3A_1017 = arith.mulf %mul3A_1016, %sub3A_1011 : vector<64x128xf32>
    %exp3A_1018 = math.exp %mul3A_1017 : vector<64x128xf32>
    %slice3A_1019 = vector.extract_strided_slice %sqrt3A {offsets = [90, 0], sizes = [1, 128], strides = [1, 1]} : vector<128x128xf32> to vector<1x128xf32>
    %sub3A_1020 = vector.broadcast %slice3A_1019 : vector<1x128xf32> to vector<64x128xf32>
    %sub3A_1021 = vector.broadcast %get3A_28 : vector<64x1xf32> to vector<64x128xf32>
    %sub3A_1022 = arith.subf %sub3A_1020, %sub3A_1021 : vector<64x128xf32>
    %neg3A_1023 = arith.constant 0.000000e+00 : f32
    %neg3A_1024 = vector.broadcast %neg3A_1023 : f32 to vector<64x1xf32>
    %neg3A_1025 = arith.subf %neg3A_1024, %get3A_31 : vector<64x1xf32>
    %mul3A_1026 = vector.broadcast %neg3A_1025 : vector<64x1xf32> to vector<64x128xf32>
    %mul3A_1027 = arith.mulf %mul3A_1026, %sub3A_1022 : vector<64x128xf32>
    %mul3A_1028 = arith.mulf %mul3A_1027, %sub3A_1022 : vector<64x128xf32>
    %exp3A_1029 = math.exp %mul3A_1028 : vector<64x128xf32>
    %slice3A_1030 = vector.extract_strided_slice %sqrt3A {offsets = [91, 0], sizes = [1, 128], strides = [1, 1]} : vector<128x128xf32> to vector<1x128xf32>
    %sub3A_1031 = vector.broadcast %slice3A_1030 : vector<1x128xf32> to vector<64x128xf32>
    %sub3A_1032 = vector.broadcast %get3A_28 : vector<64x1xf32> to vector<64x128xf32>
    %sub3A_1033 = arith.subf %sub3A_1031, %sub3A_1032 : vector<64x128xf32>
    %neg3A_1034 = arith.constant 0.000000e+00 : f32
    %neg3A_1035 = vector.broadcast %neg3A_1034 : f32 to vector<64x1xf32>
    %neg3A_1036 = arith.subf %neg3A_1035, %get3A_31 : vector<64x1xf32>
    %mul3A_1037 = vector.broadcast %neg3A_1036 : vector<64x1xf32> to vector<64x128xf32>
    %mul3A_1038 = arith.mulf %mul3A_1037, %sub3A_1033 : vector<64x128xf32>
    %mul3A_1039 = arith.mulf %mul3A_1038, %sub3A_1033 : vector<64x128xf32>
    %exp3A_1040 = math.exp %mul3A_1039 : vector<64x128xf32>
    %slice3A_1041 = vector.extract_strided_slice %sqrt3A {offsets = [92, 0], sizes = [1, 128], strides = [1, 1]} : vector<128x128xf32> to vector<1x128xf32>
    %sub3A_1042 = vector.broadcast %slice3A_1041 : vector<1x128xf32> to vector<64x128xf32>
    %sub3A_1043 = vector.broadcast %get3A_28 : vector<64x1xf32> to vector<64x128xf32>
    %sub3A_1044 = arith.subf %sub3A_1042, %sub3A_1043 : vector<64x128xf32>
    %neg3A_1045 = arith.constant 0.000000e+00 : f32
    %neg3A_1046 = vector.broadcast %neg3A_1045 : f32 to vector<64x1xf32>
    %neg3A_1047 = arith.subf %neg3A_1046, %get3A_31 : vector<64x1xf32>
    %mul3A_1048 = vector.broadcast %neg3A_1047 : vector<64x1xf32> to vector<64x128xf32>
    %mul3A_1049 = arith.mulf %mul3A_1048, %sub3A_1044 : vector<64x128xf32>
    %mul3A_1050 = arith.mulf %mul3A_1049, %sub3A_1044 : vector<64x128xf32>
    %exp3A_1051 = math.exp %mul3A_1050 : vector<64x128xf32>
    %slice3A_1052 = vector.extract_strided_slice %sqrt3A {offsets = [93, 0], sizes = [1, 128], strides = [1, 1]} : vector<128x128xf32> to vector<1x128xf32>
    %sub3A_1053 = vector.broadcast %slice3A_1052 : vector<1x128xf32> to vector<64x128xf32>
    %sub3A_1054 = vector.broadcast %get3A_28 : vector<64x1xf32> to vector<64x128xf32>
    %sub3A_1055 = arith.subf %sub3A_1053, %sub3A_1054 : vector<64x128xf32>
    %neg3A_1056 = arith.constant 0.000000e+00 : f32
    %neg3A_1057 = vector.broadcast %neg3A_1056 : f32 to vector<64x1xf32>
    %neg3A_1058 = arith.subf %neg3A_1057, %get3A_31 : vector<64x1xf32>
    %mul3A_1059 = vector.broadcast %neg3A_1058 : vector<64x1xf32> to vector<64x128xf32>
    %mul3A_1060 = arith.mulf %mul3A_1059, %sub3A_1055 : vector<64x128xf32>
    %mul3A_1061 = arith.mulf %mul3A_1060, %sub3A_1055 : vector<64x128xf32>
    %exp3A_1062 = math.exp %mul3A_1061 : vector<64x128xf32>
    %slice3A_1063 = vector.extract_strided_slice %sqrt3A {offsets = [94, 0], sizes = [1, 128], strides = [1, 1]} : vector<128x128xf32> to vector<1x128xf32>
    %sub3A_1064 = vector.broadcast %slice3A_1063 : vector<1x128xf32> to vector<64x128xf32>
    %sub3A_1065 = vector.broadcast %get3A_28 : vector<64x1xf32> to vector<64x128xf32>
    %sub3A_1066 = arith.subf %sub3A_1064, %sub3A_1065 : vector<64x128xf32>
    %neg3A_1067 = arith.constant 0.000000e+00 : f32
    %neg3A_1068 = vector.broadcast %neg3A_1067 : f32 to vector<64x1xf32>
    %neg3A_1069 = arith.subf %neg3A_1068, %get3A_31 : vector<64x1xf32>
    %mul3A_1070 = vector.broadcast %neg3A_1069 : vector<64x1xf32> to vector<64x128xf32>
    %mul3A_1071 = arith.mulf %mul3A_1070, %sub3A_1066 : vector<64x128xf32>
    %mul3A_1072 = arith.mulf %mul3A_1071, %sub3A_1066 : vector<64x128xf32>
    %exp3A_1073 = math.exp %mul3A_1072 : vector<64x128xf32>
    %slice3A_1074 = vector.extract_strided_slice %sqrt3A {offsets = [95, 0], sizes = [1, 128], strides = [1, 1]} : vector<128x128xf32> to vector<1x128xf32>
    %sub3A_1075 = vector.broadcast %slice3A_1074 : vector<1x128xf32> to vector<64x128xf32>
    %sub3A_1076 = vector.broadcast %get3A_28 : vector<64x1xf32> to vector<64x128xf32>
    %sub3A_1077 = arith.subf %sub3A_1075, %sub3A_1076 : vector<64x128xf32>
    %neg3A_1078 = arith.constant 0.000000e+00 : f32
    %neg3A_1079 = vector.broadcast %neg3A_1078 : f32 to vector<64x1xf32>
    %neg3A_1080 = arith.subf %neg3A_1079, %get3A_31 : vector<64x1xf32>
    %mul3A_1081 = vector.broadcast %neg3A_1080 : vector<64x1xf32> to vector<64x128xf32>
    %mul3A_1082 = arith.mulf %mul3A_1081, %sub3A_1077 : vector<64x128xf32>
    %mul3A_1083 = arith.mulf %mul3A_1082, %sub3A_1077 : vector<64x128xf32>
    %exp3A_1084 = math.exp %mul3A_1083 : vector<64x128xf32>
    %slice3A_1085 = vector.extract_strided_slice %sqrt3A {offsets = [96, 0], sizes = [1, 128], strides = [1, 1]} : vector<128x128xf32> to vector<1x128xf32>
    %sub3A_1086 = vector.broadcast %slice3A_1085 : vector<1x128xf32> to vector<64x128xf32>
    %sub3A_1087 = vector.broadcast %get3A_28 : vector<64x1xf32> to vector<64x128xf32>
    %sub3A_1088 = arith.subf %sub3A_1086, %sub3A_1087 : vector<64x128xf32>
    %neg3A_1089 = arith.constant 0.000000e+00 : f32
    %neg3A_1090 = vector.broadcast %neg3A_1089 : f32 to vector<64x1xf32>
    %neg3A_1091 = arith.subf %neg3A_1090, %get3A_31 : vector<64x1xf32>
    %mul3A_1092 = vector.broadcast %neg3A_1091 : vector<64x1xf32> to vector<64x128xf32>
    %mul3A_1093 = arith.mulf %mul3A_1092, %sub3A_1088 : vector<64x128xf32>
    %mul3A_1094 = arith.mulf %mul3A_1093, %sub3A_1088 : vector<64x128xf32>
    %exp3A_1095 = math.exp %mul3A_1094 : vector<64x128xf32>
    %slice3A_1096 = vector.extract_strided_slice %sqrt3A {offsets = [97, 0], sizes = [1, 128], strides = [1, 1]} : vector<128x128xf32> to vector<1x128xf32>
    %sub3A_1097 = vector.broadcast %slice3A_1096 : vector<1x128xf32> to vector<64x128xf32>
    %sub3A_1098 = vector.broadcast %get3A_28 : vector<64x1xf32> to vector<64x128xf32>
    %sub3A_1099 = arith.subf %sub3A_1097, %sub3A_1098 : vector<64x128xf32>
    %neg3A_1100 = arith.constant 0.000000e+00 : f32
    %neg3A_1101 = vector.broadcast %neg3A_1100 : f32 to vector<64x1xf32>
    %neg3A_1102 = arith.subf %neg3A_1101, %get3A_31 : vector<64x1xf32>
    %mul3A_1103 = vector.broadcast %neg3A_1102 : vector<64x1xf32> to vector<64x128xf32>
    %mul3A_1104 = arith.mulf %mul3A_1103, %sub3A_1099 : vector<64x128xf32>
    %mul3A_1105 = arith.mulf %mul3A_1104, %sub3A_1099 : vector<64x128xf32>
    %exp3A_1106 = math.exp %mul3A_1105 : vector<64x128xf32>
    %slice3A_1107 = vector.extract_strided_slice %sqrt3A {offsets = [98, 0], sizes = [1, 128], strides = [1, 1]} : vector<128x128xf32> to vector<1x128xf32>
    %sub3A_1108 = vector.broadcast %slice3A_1107 : vector<1x128xf32> to vector<64x128xf32>
    %sub3A_1109 = vector.broadcast %get3A_28 : vector<64x1xf32> to vector<64x128xf32>
    %sub3A_1110 = arith.subf %sub3A_1108, %sub3A_1109 : vector<64x128xf32>
    %neg3A_1111 = arith.constant 0.000000e+00 : f32
    %neg3A_1112 = vector.broadcast %neg3A_1111 : f32 to vector<64x1xf32>
    %neg3A_1113 = arith.subf %neg3A_1112, %get3A_31 : vector<64x1xf32>
    %mul3A_1114 = vector.broadcast %neg3A_1113 : vector<64x1xf32> to vector<64x128xf32>
    %mul3A_1115 = arith.mulf %mul3A_1114, %sub3A_1110 : vector<64x128xf32>
    %mul3A_1116 = arith.mulf %mul3A_1115, %sub3A_1110 : vector<64x128xf32>
    %exp3A_1117 = math.exp %mul3A_1116 : vector<64x128xf32>
    %slice3A_1118 = vector.extract_strided_slice %sqrt3A {offsets = [99, 0], sizes = [1, 128], strides = [1, 1]} : vector<128x128xf32> to vector<1x128xf32>
    %sub3A_1119 = vector.broadcast %slice3A_1118 : vector<1x128xf32> to vector<64x128xf32>
    %sub3A_1120 = vector.broadcast %get3A_28 : vector<64x1xf32> to vector<64x128xf32>
    %sub3A_1121 = arith.subf %sub3A_1119, %sub3A_1120 : vector<64x128xf32>
    %neg3A_1122 = arith.constant 0.000000e+00 : f32
    %neg3A_1123 = vector.broadcast %neg3A_1122 : f32 to vector<64x1xf32>
    %neg3A_1124 = arith.subf %neg3A_1123, %get3A_31 : vector<64x1xf32>
    %mul3A_1125 = vector.broadcast %neg3A_1124 : vector<64x1xf32> to vector<64x128xf32>
    %mul3A_1126 = arith.mulf %mul3A_1125, %sub3A_1121 : vector<64x128xf32>
    %mul3A_1127 = arith.mulf %mul3A_1126, %sub3A_1121 : vector<64x128xf32>
    %exp3A_1128 = math.exp %mul3A_1127 : vector<64x128xf32>
    %slice3A_1129 = vector.extract_strided_slice %sqrt3A {offsets = [100, 0], sizes = [1, 128], strides = [1, 1]} : vector<128x128xf32> to vector<1x128xf32>
    %sub3A_1130 = vector.broadcast %slice3A_1129 : vector<1x128xf32> to vector<64x128xf32>
    %sub3A_1131 = vector.broadcast %get3A_28 : vector<64x1xf32> to vector<64x128xf32>
    %sub3A_1132 = arith.subf %sub3A_1130, %sub3A_1131 : vector<64x128xf32>
    %neg3A_1133 = arith.constant 0.000000e+00 : f32
    %neg3A_1134 = vector.broadcast %neg3A_1133 : f32 to vector<64x1xf32>
    %neg3A_1135 = arith.subf %neg3A_1134, %get3A_31 : vector<64x1xf32>
    %mul3A_1136 = vector.broadcast %neg3A_1135 : vector<64x1xf32> to vector<64x128xf32>
    %mul3A_1137 = arith.mulf %mul3A_1136, %sub3A_1132 : vector<64x128xf32>
    %mul3A_1138 = arith.mulf %mul3A_1137, %sub3A_1132 : vector<64x128xf32>
    %exp3A_1139 = math.exp %mul3A_1138 : vector<64x128xf32>
    %slice3A_1140 = vector.extract_strided_slice %sqrt3A {offsets = [101, 0], sizes = [1, 128], strides = [1, 1]} : vector<128x128xf32> to vector<1x128xf32>
    %sub3A_1141 = vector.broadcast %slice3A_1140 : vector<1x128xf32> to vector<64x128xf32>
    %sub3A_1142 = vector.broadcast %get3A_28 : vector<64x1xf32> to vector<64x128xf32>
    %sub3A_1143 = arith.subf %sub3A_1141, %sub3A_1142 : vector<64x128xf32>
    %neg3A_1144 = arith.constant 0.000000e+00 : f32
    %neg3A_1145 = vector.broadcast %neg3A_1144 : f32 to vector<64x1xf32>
    %neg3A_1146 = arith.subf %neg3A_1145, %get3A_31 : vector<64x1xf32>
    %mul3A_1147 = vector.broadcast %neg3A_1146 : vector<64x1xf32> to vector<64x128xf32>
    %mul3A_1148 = arith.mulf %mul3A_1147, %sub3A_1143 : vector<64x128xf32>
    %mul3A_1149 = arith.mulf %mul3A_1148, %sub3A_1143 : vector<64x128xf32>
    %exp3A_1150 = math.exp %mul3A_1149 : vector<64x128xf32>
    %slice3A_1151 = vector.extract_strided_slice %sqrt3A {offsets = [102, 0], sizes = [1, 128], strides = [1, 1]} : vector<128x128xf32> to vector<1x128xf32>
    %sub3A_1152 = vector.broadcast %slice3A_1151 : vector<1x128xf32> to vector<64x128xf32>
    %sub3A_1153 = vector.broadcast %get3A_28 : vector<64x1xf32> to vector<64x128xf32>
    %sub3A_1154 = arith.subf %sub3A_1152, %sub3A_1153 : vector<64x128xf32>
    %neg3A_1155 = arith.constant 0.000000e+00 : f32
    %neg3A_1156 = vector.broadcast %neg3A_1155 : f32 to vector<64x1xf32>
    %neg3A_1157 = arith.subf %neg3A_1156, %get3A_31 : vector<64x1xf32>
    %mul3A_1158 = vector.broadcast %neg3A_1157 : vector<64x1xf32> to vector<64x128xf32>
    %mul3A_1159 = arith.mulf %mul3A_1158, %sub3A_1154 : vector<64x128xf32>
    %mul3A_1160 = arith.mulf %mul3A_1159, %sub3A_1154 : vector<64x128xf32>
    %exp3A_1161 = math.exp %mul3A_1160 : vector<64x128xf32>
    %slice3A_1162 = vector.extract_strided_slice %sqrt3A {offsets = [103, 0], sizes = [1, 128], strides = [1, 1]} : vector<128x128xf32> to vector<1x128xf32>
    %sub3A_1163 = vector.broadcast %slice3A_1162 : vector<1x128xf32> to vector<64x128xf32>
    %sub3A_1164 = vector.broadcast %get3A_28 : vector<64x1xf32> to vector<64x128xf32>
    %sub3A_1165 = arith.subf %sub3A_1163, %sub3A_1164 : vector<64x128xf32>
    %neg3A_1166 = arith.constant 0.000000e+00 : f32
    %neg3A_1167 = vector.broadcast %neg3A_1166 : f32 to vector<64x1xf32>
    %neg3A_1168 = arith.subf %neg3A_1167, %get3A_31 : vector<64x1xf32>
    %mul3A_1169 = vector.broadcast %neg3A_1168 : vector<64x1xf32> to vector<64x128xf32>
    %mul3A_1170 = arith.mulf %mul3A_1169, %sub3A_1165 : vector<64x128xf32>
    %mul3A_1171 = arith.mulf %mul3A_1170, %sub3A_1165 : vector<64x128xf32>
    %exp3A_1172 = math.exp %mul3A_1171 : vector<64x128xf32>
    %slice3A_1173 = vector.extract_strided_slice %sqrt3A {offsets = [104, 0], sizes = [1, 128], strides = [1, 1]} : vector<128x128xf32> to vector<1x128xf32>
    %sub3A_1174 = vector.broadcast %slice3A_1173 : vector<1x128xf32> to vector<64x128xf32>
    %sub3A_1175 = vector.broadcast %get3A_28 : vector<64x1xf32> to vector<64x128xf32>
    %sub3A_1176 = arith.subf %sub3A_1174, %sub3A_1175 : vector<64x128xf32>
    %neg3A_1177 = arith.constant 0.000000e+00 : f32
    %neg3A_1178 = vector.broadcast %neg3A_1177 : f32 to vector<64x1xf32>
    %neg3A_1179 = arith.subf %neg3A_1178, %get3A_31 : vector<64x1xf32>
    %mul3A_1180 = vector.broadcast %neg3A_1179 : vector<64x1xf32> to vector<64x128xf32>
    %mul3A_1181 = arith.mulf %mul3A_1180, %sub3A_1176 : vector<64x128xf32>
    %mul3A_1182 = arith.mulf %mul3A_1181, %sub3A_1176 : vector<64x128xf32>
    %exp3A_1183 = math.exp %mul3A_1182 : vector<64x128xf32>
    %slice3A_1184 = vector.extract_strided_slice %sqrt3A {offsets = [105, 0], sizes = [1, 128], strides = [1, 1]} : vector<128x128xf32> to vector<1x128xf32>
    %sub3A_1185 = vector.broadcast %slice3A_1184 : vector<1x128xf32> to vector<64x128xf32>
    %sub3A_1186 = vector.broadcast %get3A_28 : vector<64x1xf32> to vector<64x128xf32>
    %sub3A_1187 = arith.subf %sub3A_1185, %sub3A_1186 : vector<64x128xf32>
    %neg3A_1188 = arith.constant 0.000000e+00 : f32
    %neg3A_1189 = vector.broadcast %neg3A_1188 : f32 to vector<64x1xf32>
    %neg3A_1190 = arith.subf %neg3A_1189, %get3A_31 : vector<64x1xf32>
    %mul3A_1191 = vector.broadcast %neg3A_1190 : vector<64x1xf32> to vector<64x128xf32>
    %mul3A_1192 = arith.mulf %mul3A_1191, %sub3A_1187 : vector<64x128xf32>
    %mul3A_1193 = arith.mulf %mul3A_1192, %sub3A_1187 : vector<64x128xf32>
    %exp3A_1194 = math.exp %mul3A_1193 : vector<64x128xf32>
    %slice3A_1195 = vector.extract_strided_slice %sqrt3A {offsets = [106, 0], sizes = [1, 128], strides = [1, 1]} : vector<128x128xf32> to vector<1x128xf32>
    %sub3A_1196 = vector.broadcast %slice3A_1195 : vector<1x128xf32> to vector<64x128xf32>
    %sub3A_1197 = vector.broadcast %get3A_28 : vector<64x1xf32> to vector<64x128xf32>
    %sub3A_1198 = arith.subf %sub3A_1196, %sub3A_1197 : vector<64x128xf32>
    %neg3A_1199 = arith.constant 0.000000e+00 : f32
    %neg3A_1200 = vector.broadcast %neg3A_1199 : f32 to vector<64x1xf32>
    %neg3A_1201 = arith.subf %neg3A_1200, %get3A_31 : vector<64x1xf32>
    %mul3A_1202 = vector.broadcast %neg3A_1201 : vector<64x1xf32> to vector<64x128xf32>
    %mul3A_1203 = arith.mulf %mul3A_1202, %sub3A_1198 : vector<64x128xf32>
    %mul3A_1204 = arith.mulf %mul3A_1203, %sub3A_1198 : vector<64x128xf32>
    %exp3A_1205 = math.exp %mul3A_1204 : vector<64x128xf32>
    %slice3A_1206 = vector.extract_strided_slice %sqrt3A {offsets = [107, 0], sizes = [1, 128], strides = [1, 1]} : vector<128x128xf32> to vector<1x128xf32>
    %sub3A_1207 = vector.broadcast %slice3A_1206 : vector<1x128xf32> to vector<64x128xf32>
    %sub3A_1208 = vector.broadcast %get3A_28 : vector<64x1xf32> to vector<64x128xf32>
    %sub3A_1209 = arith.subf %sub3A_1207, %sub3A_1208 : vector<64x128xf32>
    %neg3A_1210 = arith.constant 0.000000e+00 : f32
    %neg3A_1211 = vector.broadcast %neg3A_1210 : f32 to vector<64x1xf32>
    %neg3A_1212 = arith.subf %neg3A_1211, %get3A_31 : vector<64x1xf32>
    %mul3A_1213 = vector.broadcast %neg3A_1212 : vector<64x1xf32> to vector<64x128xf32>
    %mul3A_1214 = arith.mulf %mul3A_1213, %sub3A_1209 : vector<64x128xf32>
    %mul3A_1215 = arith.mulf %mul3A_1214, %sub3A_1209 : vector<64x128xf32>
    %exp3A_1216 = math.exp %mul3A_1215 : vector<64x128xf32>
    %slice3A_1217 = vector.extract_strided_slice %sqrt3A {offsets = [108, 0], sizes = [1, 128], strides = [1, 1]} : vector<128x128xf32> to vector<1x128xf32>
    %sub3A_1218 = vector.broadcast %slice3A_1217 : vector<1x128xf32> to vector<64x128xf32>
    %sub3A_1219 = vector.broadcast %get3A_28 : vector<64x1xf32> to vector<64x128xf32>
    %sub3A_1220 = arith.subf %sub3A_1218, %sub3A_1219 : vector<64x128xf32>
    %neg3A_1221 = arith.constant 0.000000e+00 : f32
    %neg3A_1222 = vector.broadcast %neg3A_1221 : f32 to vector<64x1xf32>
    %neg3A_1223 = arith.subf %neg3A_1222, %get3A_31 : vector<64x1xf32>
    %mul3A_1224 = vector.broadcast %neg3A_1223 : vector<64x1xf32> to vector<64x128xf32>
    %mul3A_1225 = arith.mulf %mul3A_1224, %sub3A_1220 : vector<64x128xf32>
    %mul3A_1226 = arith.mulf %mul3A_1225, %sub3A_1220 : vector<64x128xf32>
    %exp3A_1227 = math.exp %mul3A_1226 : vector<64x128xf32>
    %slice3A_1228 = vector.extract_strided_slice %sqrt3A {offsets = [109, 0], sizes = [1, 128], strides = [1, 1]} : vector<128x128xf32> to vector<1x128xf32>
    %sub3A_1229 = vector.broadcast %slice3A_1228 : vector<1x128xf32> to vector<64x128xf32>
    %sub3A_1230 = vector.broadcast %get3A_28 : vector<64x1xf32> to vector<64x128xf32>
    %sub3A_1231 = arith.subf %sub3A_1229, %sub3A_1230 : vector<64x128xf32>
    %neg3A_1232 = arith.constant 0.000000e+00 : f32
    %neg3A_1233 = vector.broadcast %neg3A_1232 : f32 to vector<64x1xf32>
    %neg3A_1234 = arith.subf %neg3A_1233, %get3A_31 : vector<64x1xf32>
    %mul3A_1235 = vector.broadcast %neg3A_1234 : vector<64x1xf32> to vector<64x128xf32>
    %mul3A_1236 = arith.mulf %mul3A_1235, %sub3A_1231 : vector<64x128xf32>
    %mul3A_1237 = arith.mulf %mul3A_1236, %sub3A_1231 : vector<64x128xf32>
    %exp3A_1238 = math.exp %mul3A_1237 : vector<64x128xf32>
    %slice3A_1239 = vector.extract_strided_slice %sqrt3A {offsets = [110, 0], sizes = [1, 128], strides = [1, 1]} : vector<128x128xf32> to vector<1x128xf32>
    %sub3A_1240 = vector.broadcast %slice3A_1239 : vector<1x128xf32> to vector<64x128xf32>
    %sub3A_1241 = vector.broadcast %get3A_28 : vector<64x1xf32> to vector<64x128xf32>
    %sub3A_1242 = arith.subf %sub3A_1240, %sub3A_1241 : vector<64x128xf32>
    %neg3A_1243 = arith.constant 0.000000e+00 : f32
    %neg3A_1244 = vector.broadcast %neg3A_1243 : f32 to vector<64x1xf32>
    %neg3A_1245 = arith.subf %neg3A_1244, %get3A_31 : vector<64x1xf32>
    %mul3A_1246 = vector.broadcast %neg3A_1245 : vector<64x1xf32> to vector<64x128xf32>
    %mul3A_1247 = arith.mulf %mul3A_1246, %sub3A_1242 : vector<64x128xf32>
    %mul3A_1248 = arith.mulf %mul3A_1247, %sub3A_1242 : vector<64x128xf32>
    %exp3A_1249 = math.exp %mul3A_1248 : vector<64x128xf32>
    %slice3A_1250 = vector.extract_strided_slice %sqrt3A {offsets = [111, 0], sizes = [1, 128], strides = [1, 1]} : vector<128x128xf32> to vector<1x128xf32>
    %sub3A_1251 = vector.broadcast %slice3A_1250 : vector<1x128xf32> to vector<64x128xf32>
    %sub3A_1252 = vector.broadcast %get3A_28 : vector<64x1xf32> to vector<64x128xf32>
    %sub3A_1253 = arith.subf %sub3A_1251, %sub3A_1252 : vector<64x128xf32>
    %neg3A_1254 = arith.constant 0.000000e+00 : f32
    %neg3A_1255 = vector.broadcast %neg3A_1254 : f32 to vector<64x1xf32>
    %neg3A_1256 = arith.subf %neg3A_1255, %get3A_31 : vector<64x1xf32>
    %mul3A_1257 = vector.broadcast %neg3A_1256 : vector<64x1xf32> to vector<64x128xf32>
    %mul3A_1258 = arith.mulf %mul3A_1257, %sub3A_1253 : vector<64x128xf32>
    %mul3A_1259 = arith.mulf %mul3A_1258, %sub3A_1253 : vector<64x128xf32>
    %exp3A_1260 = math.exp %mul3A_1259 : vector<64x128xf32>
    %slice3A_1261 = vector.extract_strided_slice %sqrt3A {offsets = [112, 0], sizes = [1, 128], strides = [1, 1]} : vector<128x128xf32> to vector<1x128xf32>
    %sub3A_1262 = vector.broadcast %slice3A_1261 : vector<1x128xf32> to vector<64x128xf32>
    %sub3A_1263 = vector.broadcast %get3A_28 : vector<64x1xf32> to vector<64x128xf32>
    %sub3A_1264 = arith.subf %sub3A_1262, %sub3A_1263 : vector<64x128xf32>
    %neg3A_1265 = arith.constant 0.000000e+00 : f32
    %neg3A_1266 = vector.broadcast %neg3A_1265 : f32 to vector<64x1xf32>
    %neg3A_1267 = arith.subf %neg3A_1266, %get3A_31 : vector<64x1xf32>
    %mul3A_1268 = vector.broadcast %neg3A_1267 : vector<64x1xf32> to vector<64x128xf32>
    %mul3A_1269 = arith.mulf %mul3A_1268, %sub3A_1264 : vector<64x128xf32>
    %mul3A_1270 = arith.mulf %mul3A_1269, %sub3A_1264 : vector<64x128xf32>
    %exp3A_1271 = math.exp %mul3A_1270 : vector<64x128xf32>
    %slice3A_1272 = vector.extract_strided_slice %sqrt3A {offsets = [113, 0], sizes = [1, 128], strides = [1, 1]} : vector<128x128xf32> to vector<1x128xf32>
    %sub3A_1273 = vector.broadcast %slice3A_1272 : vector<1x128xf32> to vector<64x128xf32>
    %sub3A_1274 = vector.broadcast %get3A_28 : vector<64x1xf32> to vector<64x128xf32>
    %sub3A_1275 = arith.subf %sub3A_1273, %sub3A_1274 : vector<64x128xf32>
    %neg3A_1276 = arith.constant 0.000000e+00 : f32
    %neg3A_1277 = vector.broadcast %neg3A_1276 : f32 to vector<64x1xf32>
    %neg3A_1278 = arith.subf %neg3A_1277, %get3A_31 : vector<64x1xf32>
    %mul3A_1279 = vector.broadcast %neg3A_1278 : vector<64x1xf32> to vector<64x128xf32>
    %mul3A_1280 = arith.mulf %mul3A_1279, %sub3A_1275 : vector<64x128xf32>
    %mul3A_1281 = arith.mulf %mul3A_1280, %sub3A_1275 : vector<64x128xf32>
    %exp3A_1282 = math.exp %mul3A_1281 : vector<64x128xf32>
    %slice3A_1283 = vector.extract_strided_slice %sqrt3A {offsets = [114, 0], sizes = [1, 128], strides = [1, 1]} : vector<128x128xf32> to vector<1x128xf32>
    %sub3A_1284 = vector.broadcast %slice3A_1283 : vector<1x128xf32> to vector<64x128xf32>
    %sub3A_1285 = vector.broadcast %get3A_28 : vector<64x1xf32> to vector<64x128xf32>
    %sub3A_1286 = arith.subf %sub3A_1284, %sub3A_1285 : vector<64x128xf32>
    %neg3A_1287 = arith.constant 0.000000e+00 : f32
    %neg3A_1288 = vector.broadcast %neg3A_1287 : f32 to vector<64x1xf32>
    %neg3A_1289 = arith.subf %neg3A_1288, %get3A_31 : vector<64x1xf32>
    %mul3A_1290 = vector.broadcast %neg3A_1289 : vector<64x1xf32> to vector<64x128xf32>
    %mul3A_1291 = arith.mulf %mul3A_1290, %sub3A_1286 : vector<64x128xf32>
    %mul3A_1292 = arith.mulf %mul3A_1291, %sub3A_1286 : vector<64x128xf32>
    %exp3A_1293 = math.exp %mul3A_1292 : vector<64x128xf32>
    %slice3A_1294 = vector.extract_strided_slice %sqrt3A {offsets = [115, 0], sizes = [1, 128], strides = [1, 1]} : vector<128x128xf32> to vector<1x128xf32>
    %sub3A_1295 = vector.broadcast %slice3A_1294 : vector<1x128xf32> to vector<64x128xf32>
    %sub3A_1296 = vector.broadcast %get3A_28 : vector<64x1xf32> to vector<64x128xf32>
    %sub3A_1297 = arith.subf %sub3A_1295, %sub3A_1296 : vector<64x128xf32>
    %neg3A_1298 = arith.constant 0.000000e+00 : f32
    %neg3A_1299 = vector.broadcast %neg3A_1298 : f32 to vector<64x1xf32>
    %neg3A_1300 = arith.subf %neg3A_1299, %get3A_31 : vector<64x1xf32>
    %mul3A_1301 = vector.broadcast %neg3A_1300 : vector<64x1xf32> to vector<64x128xf32>
    %mul3A_1302 = arith.mulf %mul3A_1301, %sub3A_1297 : vector<64x128xf32>
    %mul3A_1303 = arith.mulf %mul3A_1302, %sub3A_1297 : vector<64x128xf32>
    %exp3A_1304 = math.exp %mul3A_1303 : vector<64x128xf32>
    %slice3A_1305 = vector.extract_strided_slice %sqrt3A {offsets = [116, 0], sizes = [1, 128], strides = [1, 1]} : vector<128x128xf32> to vector<1x128xf32>
    %sub3A_1306 = vector.broadcast %slice3A_1305 : vector<1x128xf32> to vector<64x128xf32>
    %sub3A_1307 = vector.broadcast %get3A_28 : vector<64x1xf32> to vector<64x128xf32>
    %sub3A_1308 = arith.subf %sub3A_1306, %sub3A_1307 : vector<64x128xf32>
    %neg3A_1309 = arith.constant 0.000000e+00 : f32
    %neg3A_1310 = vector.broadcast %neg3A_1309 : f32 to vector<64x1xf32>
    %neg3A_1311 = arith.subf %neg3A_1310, %get3A_31 : vector<64x1xf32>
    %mul3A_1312 = vector.broadcast %neg3A_1311 : vector<64x1xf32> to vector<64x128xf32>
    %mul3A_1313 = arith.mulf %mul3A_1312, %sub3A_1308 : vector<64x128xf32>
    %mul3A_1314 = arith.mulf %mul3A_1313, %sub3A_1308 : vector<64x128xf32>
    %exp3A_1315 = math.exp %mul3A_1314 : vector<64x128xf32>
    %slice3A_1316 = vector.extract_strided_slice %sqrt3A {offsets = [117, 0], sizes = [1, 128], strides = [1, 1]} : vector<128x128xf32> to vector<1x128xf32>
    %sub3A_1317 = vector.broadcast %slice3A_1316 : vector<1x128xf32> to vector<64x128xf32>
    %sub3A_1318 = vector.broadcast %get3A_28 : vector<64x1xf32> to vector<64x128xf32>
    %sub3A_1319 = arith.subf %sub3A_1317, %sub3A_1318 : vector<64x128xf32>
    %neg3A_1320 = arith.constant 0.000000e+00 : f32
    %neg3A_1321 = vector.broadcast %neg3A_1320 : f32 to vector<64x1xf32>
    %neg3A_1322 = arith.subf %neg3A_1321, %get3A_31 : vector<64x1xf32>
    %mul3A_1323 = vector.broadcast %neg3A_1322 : vector<64x1xf32> to vector<64x128xf32>
    %mul3A_1324 = arith.mulf %mul3A_1323, %sub3A_1319 : vector<64x128xf32>
    %mul3A_1325 = arith.mulf %mul3A_1324, %sub3A_1319 : vector<64x128xf32>
    %exp3A_1326 = math.exp %mul3A_1325 : vector<64x128xf32>
    %slice3A_1327 = vector.extract_strided_slice %sqrt3A {offsets = [118, 0], sizes = [1, 128], strides = [1, 1]} : vector<128x128xf32> to vector<1x128xf32>
    %sub3A_1328 = vector.broadcast %slice3A_1327 : vector<1x128xf32> to vector<64x128xf32>
    %sub3A_1329 = vector.broadcast %get3A_28 : vector<64x1xf32> to vector<64x128xf32>
    %sub3A_1330 = arith.subf %sub3A_1328, %sub3A_1329 : vector<64x128xf32>
    %neg3A_1331 = arith.constant 0.000000e+00 : f32
    %neg3A_1332 = vector.broadcast %neg3A_1331 : f32 to vector<64x1xf32>
    %neg3A_1333 = arith.subf %neg3A_1332, %get3A_31 : vector<64x1xf32>
    %mul3A_1334 = vector.broadcast %neg3A_1333 : vector<64x1xf32> to vector<64x128xf32>
    %mul3A_1335 = arith.mulf %mul3A_1334, %sub3A_1330 : vector<64x128xf32>
    %mul3A_1336 = arith.mulf %mul3A_1335, %sub3A_1330 : vector<64x128xf32>
    %exp3A_1337 = math.exp %mul3A_1336 : vector<64x128xf32>
    %slice3A_1338 = vector.extract_strided_slice %sqrt3A {offsets = [119, 0], sizes = [1, 128], strides = [1, 1]} : vector<128x128xf32> to vector<1x128xf32>
    %sub3A_1339 = vector.broadcast %slice3A_1338 : vector<1x128xf32> to vector<64x128xf32>
    %sub3A_1340 = vector.broadcast %get3A_28 : vector<64x1xf32> to vector<64x128xf32>
    %sub3A_1341 = arith.subf %sub3A_1339, %sub3A_1340 : vector<64x128xf32>
    %neg3A_1342 = arith.constant 0.000000e+00 : f32
    %neg3A_1343 = vector.broadcast %neg3A_1342 : f32 to vector<64x1xf32>
    %neg3A_1344 = arith.subf %neg3A_1343, %get3A_31 : vector<64x1xf32>
    %mul3A_1345 = vector.broadcast %neg3A_1344 : vector<64x1xf32> to vector<64x128xf32>
    %mul3A_1346 = arith.mulf %mul3A_1345, %sub3A_1341 : vector<64x128xf32>
    %mul3A_1347 = arith.mulf %mul3A_1346, %sub3A_1341 : vector<64x128xf32>
    %exp3A_1348 = math.exp %mul3A_1347 : vector<64x128xf32>
    %slice3A_1349 = vector.extract_strided_slice %sqrt3A {offsets = [120, 0], sizes = [1, 128], strides = [1, 1]} : vector<128x128xf32> to vector<1x128xf32>
    %sub3A_1350 = vector.broadcast %slice3A_1349 : vector<1x128xf32> to vector<64x128xf32>
    %sub3A_1351 = vector.broadcast %get3A_28 : vector<64x1xf32> to vector<64x128xf32>
    %sub3A_1352 = arith.subf %sub3A_1350, %sub3A_1351 : vector<64x128xf32>
    %neg3A_1353 = arith.constant 0.000000e+00 : f32
    %neg3A_1354 = vector.broadcast %neg3A_1353 : f32 to vector<64x1xf32>
    %neg3A_1355 = arith.subf %neg3A_1354, %get3A_31 : vector<64x1xf32>
    %mul3A_1356 = vector.broadcast %neg3A_1355 : vector<64x1xf32> to vector<64x128xf32>
    %mul3A_1357 = arith.mulf %mul3A_1356, %sub3A_1352 : vector<64x128xf32>
    %mul3A_1358 = arith.mulf %mul3A_1357, %sub3A_1352 : vector<64x128xf32>
    %exp3A_1359 = math.exp %mul3A_1358 : vector<64x128xf32>
    %slice3A_1360 = vector.extract_strided_slice %sqrt3A {offsets = [121, 0], sizes = [1, 128], strides = [1, 1]} : vector<128x128xf32> to vector<1x128xf32>
    %sub3A_1361 = vector.broadcast %slice3A_1360 : vector<1x128xf32> to vector<64x128xf32>
    %sub3A_1362 = vector.broadcast %get3A_28 : vector<64x1xf32> to vector<64x128xf32>
    %sub3A_1363 = arith.subf %sub3A_1361, %sub3A_1362 : vector<64x128xf32>
    %neg3A_1364 = arith.constant 0.000000e+00 : f32
    %neg3A_1365 = vector.broadcast %neg3A_1364 : f32 to vector<64x1xf32>
    %neg3A_1366 = arith.subf %neg3A_1365, %get3A_31 : vector<64x1xf32>
    %mul3A_1367 = vector.broadcast %neg3A_1366 : vector<64x1xf32> to vector<64x128xf32>
    %mul3A_1368 = arith.mulf %mul3A_1367, %sub3A_1363 : vector<64x128xf32>
    %mul3A_1369 = arith.mulf %mul3A_1368, %sub3A_1363 : vector<64x128xf32>
    %exp3A_1370 = math.exp %mul3A_1369 : vector<64x128xf32>
    %slice3A_1371 = vector.extract_strided_slice %sqrt3A {offsets = [122, 0], sizes = [1, 128], strides = [1, 1]} : vector<128x128xf32> to vector<1x128xf32>
    %sub3A_1372 = vector.broadcast %slice3A_1371 : vector<1x128xf32> to vector<64x128xf32>
    %sub3A_1373 = vector.broadcast %get3A_28 : vector<64x1xf32> to vector<64x128xf32>
    %sub3A_1374 = arith.subf %sub3A_1372, %sub3A_1373 : vector<64x128xf32>
    %neg3A_1375 = arith.constant 0.000000e+00 : f32
    %neg3A_1376 = vector.broadcast %neg3A_1375 : f32 to vector<64x1xf32>
    %neg3A_1377 = arith.subf %neg3A_1376, %get3A_31 : vector<64x1xf32>
    %mul3A_1378 = vector.broadcast %neg3A_1377 : vector<64x1xf32> to vector<64x128xf32>
    %mul3A_1379 = arith.mulf %mul3A_1378, %sub3A_1374 : vector<64x128xf32>
    %mul3A_1380 = arith.mulf %mul3A_1379, %sub3A_1374 : vector<64x128xf32>
    %exp3A_1381 = math.exp %mul3A_1380 : vector<64x128xf32>
    %slice3A_1382 = vector.extract_strided_slice %sqrt3A {offsets = [123, 0], sizes = [1, 128], strides = [1, 1]} : vector<128x128xf32> to vector<1x128xf32>
    %sub3A_1383 = vector.broadcast %slice3A_1382 : vector<1x128xf32> to vector<64x128xf32>
    %sub3A_1384 = vector.broadcast %get3A_28 : vector<64x1xf32> to vector<64x128xf32>
    %sub3A_1385 = arith.subf %sub3A_1383, %sub3A_1384 : vector<64x128xf32>
    %neg3A_1386 = arith.constant 0.000000e+00 : f32
    %neg3A_1387 = vector.broadcast %neg3A_1386 : f32 to vector<64x1xf32>
    %neg3A_1388 = arith.subf %neg3A_1387, %get3A_31 : vector<64x1xf32>
    %mul3A_1389 = vector.broadcast %neg3A_1388 : vector<64x1xf32> to vector<64x128xf32>
    %mul3A_1390 = arith.mulf %mul3A_1389, %sub3A_1385 : vector<64x128xf32>
    %mul3A_1391 = arith.mulf %mul3A_1390, %sub3A_1385 : vector<64x128xf32>
    %exp3A_1392 = math.exp %mul3A_1391 : vector<64x128xf32>
    %slice3A_1393 = vector.extract_strided_slice %sqrt3A {offsets = [124, 0], sizes = [1, 128], strides = [1, 1]} : vector<128x128xf32> to vector<1x128xf32>
    %sub3A_1394 = vector.broadcast %slice3A_1393 : vector<1x128xf32> to vector<64x128xf32>
    %sub3A_1395 = vector.broadcast %get3A_28 : vector<64x1xf32> to vector<64x128xf32>
    %sub3A_1396 = arith.subf %sub3A_1394, %sub3A_1395 : vector<64x128xf32>
    %neg3A_1397 = arith.constant 0.000000e+00 : f32
    %neg3A_1398 = vector.broadcast %neg3A_1397 : f32 to vector<64x1xf32>
    %neg3A_1399 = arith.subf %neg3A_1398, %get3A_31 : vector<64x1xf32>
    %mul3A_1400 = vector.broadcast %neg3A_1399 : vector<64x1xf32> to vector<64x128xf32>
    %mul3A_1401 = arith.mulf %mul3A_1400, %sub3A_1396 : vector<64x128xf32>
    %mul3A_1402 = arith.mulf %mul3A_1401, %sub3A_1396 : vector<64x128xf32>
    %exp3A_1403 = math.exp %mul3A_1402 : vector<64x128xf32>
    %slice3A_1404 = vector.extract_strided_slice %sqrt3A {offsets = [125, 0], sizes = [1, 128], strides = [1, 1]} : vector<128x128xf32> to vector<1x128xf32>
    %sub3A_1405 = vector.broadcast %slice3A_1404 : vector<1x128xf32> to vector<64x128xf32>
    %sub3A_1406 = vector.broadcast %get3A_28 : vector<64x1xf32> to vector<64x128xf32>
    %sub3A_1407 = arith.subf %sub3A_1405, %sub3A_1406 : vector<64x128xf32>
    %neg3A_1408 = arith.constant 0.000000e+00 : f32
    %neg3A_1409 = vector.broadcast %neg3A_1408 : f32 to vector<64x1xf32>
    %neg3A_1410 = arith.subf %neg3A_1409, %get3A_31 : vector<64x1xf32>
    %mul3A_1411 = vector.broadcast %neg3A_1410 : vector<64x1xf32> to vector<64x128xf32>
    %mul3A_1412 = arith.mulf %mul3A_1411, %sub3A_1407 : vector<64x128xf32>
    %mul3A_1413 = arith.mulf %mul3A_1412, %sub3A_1407 : vector<64x128xf32>
    %exp3A_1414 = math.exp %mul3A_1413 : vector<64x128xf32>
    %slice3A_1415 = vector.extract_strided_slice %sqrt3A {offsets = [126, 0], sizes = [1, 128], strides = [1, 1]} : vector<128x128xf32> to vector<1x128xf32>
    %sub3A_1416 = vector.broadcast %slice3A_1415 : vector<1x128xf32> to vector<64x128xf32>
    %sub3A_1417 = vector.broadcast %get3A_28 : vector<64x1xf32> to vector<64x128xf32>
    %sub3A_1418 = arith.subf %sub3A_1416, %sub3A_1417 : vector<64x128xf32>
    %neg3A_1419 = arith.constant 0.000000e+00 : f32
    %neg3A_1420 = vector.broadcast %neg3A_1419 : f32 to vector<64x1xf32>
    %neg3A_1421 = arith.subf %neg3A_1420, %get3A_31 : vector<64x1xf32>
    %mul3A_1422 = vector.broadcast %neg3A_1421 : vector<64x1xf32> to vector<64x128xf32>
    %mul3A_1423 = arith.mulf %mul3A_1422, %sub3A_1418 : vector<64x128xf32>
    %mul3A_1424 = arith.mulf %mul3A_1423, %sub3A_1418 : vector<64x128xf32>
    %exp3A_1425 = math.exp %mul3A_1424 : vector<64x128xf32>
    %slice3A_1426 = vector.extract_strided_slice %sqrt3A {offsets = [127, 0], sizes = [1, 128], strides = [1, 1]} : vector<128x128xf32> to vector<1x128xf32>
    %sub3A_1427 = vector.broadcast %slice3A_1426 : vector<1x128xf32> to vector<64x128xf32>
    %sub3A_1428 = vector.broadcast %get3A_28 : vector<64x1xf32> to vector<64x128xf32>
    %sub3A_1429 = arith.subf %sub3A_1427, %sub3A_1428 : vector<64x128xf32>
    %neg3A_1430 = arith.constant 0.000000e+00 : f32
    %neg3A_1431 = vector.broadcast %neg3A_1430 : f32 to vector<64x1xf32>
    %neg3A_1432 = arith.subf %neg3A_1431, %get3A_31 : vector<64x1xf32>
    %mul3A_1433 = vector.broadcast %neg3A_1432 : vector<64x1xf32> to vector<64x128xf32>
    %mul3A_1434 = arith.mulf %mul3A_1433, %sub3A_1429 : vector<64x128xf32>
    %mul3A_1435 = arith.mulf %mul3A_1434, %sub3A_1429 : vector<64x128xf32>
    %exp3A_1436 = math.exp %mul3A_1435 : vector<64x128xf32>
    %concatenate3A = tpu.concatenate %exp3A, %exp3A_50, %exp3A_61, %exp3A_72, %exp3A_83, %exp3A_94, %exp3A_105, %exp3A_116, %exp3A_127, %exp3A_138, %exp3A_149, %exp3A_160, %exp3A_171, %exp3A_182, %exp3A_193, %exp3A_204, %exp3A_215, %exp3A_226, %exp3A_237, %exp3A_248, %exp3A_259, %exp3A_270, %exp3A_281, %exp3A_292, %exp3A_303, %exp3A_314, %exp3A_325, %exp3A_336, %exp3A_347, %exp3A_358, %exp3A_369, %exp3A_380, %exp3A_391, %exp3A_402, %exp3A_413, %exp3A_424, %exp3A_435, %exp3A_446, %exp3A_457, %exp3A_468, %exp3A_479, %exp3A_490, %exp3A_501, %exp3A_512, %exp3A_523, %exp3A_534, %exp3A_545, %exp3A_556, %exp3A_567, %exp3A_578, %exp3A_589, %exp3A_600, %exp3A_611, %exp3A_622, %exp3A_633, %exp3A_644, %exp3A_655, %exp3A_666, %exp3A_677, %exp3A_688, %exp3A_699, %exp3A_710, %exp3A_721, %exp3A_732, %exp3A_743, %exp3A_754, %exp3A_765, %exp3A_776, %exp3A_787, %exp3A_798, %exp3A_809, %exp3A_820, %exp3A_831, %exp3A_842, %exp3A_853, %exp3A_864, %exp3A_875, %exp3A_886, %exp3A_897, %exp3A_908, %exp3A_919, %exp3A_930, %exp3A_941, %exp3A_952, %exp3A_963, %exp3A_974, %exp3A_985, %exp3A_996, %exp3A_1007, %exp3A_1018, %exp3A_1029, %exp3A_1040, %exp3A_1051, %exp3A_1062, %exp3A_1073, %exp3A_1084, %exp3A_1095, %exp3A_1106, %exp3A_1117, %exp3A_1128, %exp3A_1139, %exp3A_1150, %exp3A_1161, %exp3A_1172, %exp3A_1183, %exp3A_1194, %exp3A_1205, %exp3A_1216, %exp3A_1227, %exp3A_1238, %exp3A_1249, %exp3A_1260, %exp3A_1271, %exp3A_1282, %exp3A_1293, %exp3A_1304, %exp3A_1315, %exp3A_1326, %exp3A_1337, %exp3A_1348, %exp3A_1359, %exp3A_1370, %exp3A_1381, %exp3A_1392, %exp3A_1403, %exp3A_1414, %exp3A_1425, %exp3A_1436 in 1 : vector<64x128xf32>, vector<64x128xf32>, vector<64x128xf32>, vector<64x128xf32>, vector<64x128xf32>, vector<64x128xf32>, vector<64x128xf32>, vector<64x128xf32>, vector<64x128xf32>, vector<64x128xf32>, vector<64x128xf32>, vector<64x128xf32>, vector<64x128xf32>, vector<64x128xf32>, vector<64x128xf32>, vector<64x128xf32>, vector<64x128xf32>, vector<64x128xf32>, vector<64x128xf32>, vector<64x128xf32>, vector<64x128xf32>, vector<64x128xf32>, vector<64x128xf32>, vector<64x128xf32>, vector<64x128xf32>, vector<64x128xf32>, vector<64x128xf32>, vector<64x128xf32>, vector<64x128xf32>, vector<64x128xf32>, vector<64x128xf32>, vector<64x128xf32>, vector<64x128xf32>, vector<64x128xf32>, vector<64x128xf32>, vector<64x128xf32>, vector<64x128xf32>, vector<64x128xf32>, vector<64x128xf32>, vector<64x128xf32>, vector<64x128xf32>, vector<64x128xf32>, vector<64x128xf32>, vector<64x128xf32>, vector<64x128xf32>, vector<64x128xf32>, vector<64x128xf32>, vector<64x128xf32>, vector<64x128xf32>, vector<64x128xf32>, vector<64x128xf32>, vector<64x128xf32>, vector<64x128xf32>, vector<64x128xf32>, vector<64x128xf32>, vector<64x128xf32>, vector<64x128xf32>, vector<64x128xf32>, vector<64x128xf32>, vector<64x128xf32>, vector<64x128xf32>, vector<64x128xf32>, vector<64x128xf32>, vector<64x128xf32>, vector<64x128xf32>, vector<64x128xf32>, vector<64x128xf32>, vector<64x128xf32>, vector<64x128xf32>, vector<64x128xf32>, vector<64x128xf32>, vector<64x128xf32>, vector<64x128xf32>, vector<64x128xf32>, vector<64x128xf32>, vector<64x128xf32>, vector<64x128xf32>, vector<64x128xf32>, vector<64x128xf32>, vector<64x128xf32>, vector<64x128xf32>, vector<64x128xf32>, vector<64x128xf32>, vector<64x128xf32>, vector<64x128xf32>, vector<64x128xf32>, vector<64x128xf32>, vector<64x128xf32>, vector<64x128xf32>, vector<64x128xf32>, vector<64x128xf32>, vector<64x128xf32>, vector<64x128xf32>, vector<64x128xf32>, vector<64x128xf32>, vector<64x128xf32>, vector<64x128xf32>, vector<64x128xf32>, vector<64x128xf32>, vector<64x128xf32>, vector<64x128xf32>, vector<64x128xf32>, vector<64x128xf32>, vector<64x128xf32>, vector<64x128xf32>, vector<64x128xf32>, vector<64x128xf32>, vector<64x128xf32>, vector<64x128xf32>, vector<64x128xf32>, vector<64x128xf32>, vector<64x128xf32>, vector<64x128xf32>, vector<64x128xf32>, vector<64x128xf32>, vector<64x128xf32>, vector<64x128xf32>, vector<64x128xf32>, vector<64x128xf32>, vector<64x128xf32>, vector<64x128xf32>, vector<64x128xf32>, vector<64x128xf32>, vector<64x128xf32>, vector<64x128xf32>, vector<64x128xf32>, vector<64x128xf32>, vector<64x128xf32> -> vector<64x16384xf32>
    %swap3A_1437 = arith.constant 0 : index
    %swap3A_1438 = arith.constant 0 : index
    %swap3A_1439 = vector.load %arg6[%swap3A_1437, %swap3A_1438] : memref<64x16384xf32, #tpu.memory_space<vmem>>, vector<64x16384xf32>
    tpu.vector_store %arg6[%swap3A_1437, %swap3A_1438], %concatenate3A {strides = array<i32>} : memref<64x16384xf32, #tpu.memory_space<vmem>>, vector<64x16384xf32>,
    return
  }
  func.func @transform_0(%arg0: i32) -> (i32, i32) {
    %c0_i32 = arith.constant 0 : i32
    %c0_i32_0 = arith.constant 0 : i32
    return %arg0, %c0_i32 : i32, i32
  }
  func.func @transform_1(%arg0: i32) -> (i32, i32) {
    %c0_i32 = arith.constant 0 : i32
    %c0_i32_0 = arith.constant 0 : i32
    %c0_i32_1 = arith.constant 0 : i32
    return %c0_i32, %c0_i32_0 : i32, i32
  }
  func.func @transform_2(%arg0: i32) -> (i32, i32) {
    %c0_i32 = arith.constant 0 : i32
    %c0_i32_0 = arith.constant 0 : i32
    %c0_i32_1 = arith.constant 0 : i32
    return %c0_i32, %c0_i32_0 : i32, i32
  }
  func.func @transform_3(%arg0: i32) -> (i32, i32) {
    %c0_i32 = arith.constant 0 : i32
    %c0_i32_0 = arith.constant 0 : i32
    return %arg0, %c0_i32 : i32, i32
  }
  func.func @transform_4(%arg0: i32) -> (i32, i32) {
    %c0_i32 = arith.constant 0 : i32
    %c0_i32_0 = arith.constant 0 : i32
    return %arg0, %c0_i32 : i32, i32
  }
  func.func @transform_5(%arg0: i32) -> (i32, i32) {
    %c0_i32 = arith.constant 0 : i32
    %c0_i32_0 = arith.constant 0 : i32
    return %c0_i32, %arg0 : i32, i32
  }
}

</mosaic_0001>

<sc_bundles>
// kernel: kernel.5.cloned.1.call-start
scs
__scs_entry_jumppad:
0x0: {  	(pc) =	sbr.rel $0x88, $3  }
0x1: {  	(tag) =	ssettag $0x0;
	lr =	simm.s32 $0x1  }
0x2: {  	[smem:$0x3F9A] =	sst lr;
	_ =	strace $0xD0000000  }
0x3: {  	_ = 	snop  }
0x4: {  	_ = 	snop  }
0x5: {  	_ = 	snop  }
0x6: {  	_ = 	snop  }
0x7: {  	_ = 	snop  }
__scs_overlays_trampoline_lowered:
0x8: {  	[smem:$0x3FA9] =	sst s0  }
0x9: {  	[smem:$0x3FAA] =	sst s1  }
0xa: {  	[smem:$0x3FAB] =	sst s2  }
0xb: {  	[smem:$0x3FAC] =	sst s3  }
0xc: {  	[smem:$0x3FAD] =	sst s4  }
0xd: {  	[smem:$0x3FAE] =	sst s5  }
0xe: {  	[smem:$0x3FAF] =	sst s6  }
0xf: {  	[smem:$0x3FB0] =	sst s7  }
0x10: {  	[smem:$0x3FB1] =	sst s8  }
0x11: {  	[smem:$0x3FB2] =	sst s9;
	s0 =	simm.s32 @!p0 $0x0  }
0x12: {  	s1 =	sld [smem:$0x3F98];
	s0 =	simm.s32 @p0 $0x1  }
0x13: {  	[smem:$0x3FB3] =	sst s0;
	s0 =	simm.s32 @!p1 $0x0  }
0x14: {  	s2 =	sld [smem:$0x3F97];
	s0 =	simm.s32 @p1 $0x1  }
0x15: {  	[smem:$0x3FB4] =	sst s0;
	s0 =	simm.s32 @!p2 $0x0  }
0x16: {  	s3 =	sld [smem:$0x3FDB];
	s0 =	simm.s32 @p2 $0x1  }
0x17: {  	s4 =	simm.s32 $0x1BF5;
	[smem:$0x3FB6] =	sst s0  }
0x18: {  	s0 =	sld [smem:$0x3F99];
	_ =	swait.ge [sflag:s4], $0x0  }
0x19: {  	s7 =	sld [smem:$0x3F9A]  }
0x1a: {  	s8 =	sadd.s32 $0xFFFFE003, lr  }
0x1b: {  	s9 =	sadd.s32 $0xFFFFFEF7, lr;
	s5 =	simm.s32 $0xFFFFFFFF;
	p2 =	slt.u32 s8, $0xFFFFF086  }
0x1c: {  	p1 =	slt.u32 s9, $0xF7A;
	s5 =	simm.s32 @!p2 $0x0  }
0x1d: {  	s5 =	simm.s32 @p1 $0x1;
	p0 =	seq.s32 s7, s2  }
0x1e: {  	s7 =	smul.u32 @!p0 $0xF7A, s2;
	p2 =	seq.s32 @!p0 s5, $0x0  }
0x1f: {  	s9 =	smul.u32 $0xF7A, s1;
	s8 =	simm.s32 @!p0 $0x1BF5;
	p2 =	por !p2, p0  }
0x20: {  	[sflag:s8] =	ssyncset.s32 @!p0 $0xFFFFF086;
	s6 =	sadd.s32 @!p0 s3, s7;
	s7 =	simm.s32 @!p0 $0x108  }
0x21: {  	s3 =	sadd.s32 s3, s9;
	s6 =	sadd.s32 @!p0 $0x88, s6;
	s7 =	simm.s32 @p2 $0x1082  }
0x22: {  	[simem:s7], [sflag:s8] =	dma.local @!p0 [hbm:s6], $0xF7A  }
0x23: {  	s9 =	sor.u32 $0xD0000000, s2;
	s6 =	simm.s32 $0x108;
	_ =	swait.ge @!p0 [sflag:s8], $0x0  }
0x24: {  	s3 =	sadd.s32 $0x88, s3;
	s6 =	simm.s32 @!p1 $0x1082;
	[sflag:s4] =	ssyncset.s32 $0xFFFFF086  }
0x25: {  	[simem:s6], [sflag:s4] =	dma.local [hbm:s3], $0xF7A  }
0x26: {  	[smem:$0x3F9A] =	sst s1;
	(tag) =	ssettag s2;
	_ =	strace s9  }
0x27: {  	s1 =	sld [smem:$0x3FAA]  }
0x28: {  	s2 =	sld [smem:$0x3FAB]  }
0x29: {  	s4 =	sld [smem:$0x3FAD]  }
0x2a: {  	p0 =	seq.s32 s5, $0x0;
	s5 =	sld [smem:$0x3FAE]  }
0x2b: {  	s6 =	sld [smem:$0x3FAF]  }
0x2c: {  	s7 =	sld [smem:$0x3FB0]  }
0x2d: {  	s3 =	simm.s32 $0x108;
	s8 =	sld [smem:$0x3FB1]  }
0x2e: {  	s3 =	simm.s32 @!p0 $0x1082;
	s9 =	sld [smem:$0x3FB2]  }
0x2f: {  	lr =	sadd.s32 s0, s3;
	s0 =	sld [smem:$0x3FA9]  }
0x30: {  	s3 =	sld [smem:$0x3FAC]  }
0x31: {  	[smem:$0x3FB5] =	sst s10  }
0x32: {  	s10 =	sld [smem:$0x3FB3];
	_ =	sdelay $0x3  }
0x33: {  	p0 =	seq.s32 s10, $0x1;
	s10 =	sld [smem:$0x3FB5];
	_ =	sdelay $0x3  }
0x34: {  	[smem:$0x3FB5] =	sst s10  }
0x35: {  	s10 =	sld [smem:$0x3FB4];
	_ =	sdelay $0x3  }
0x36: {  	p1 =	seq.s32 s10, $0x1;
	s10 =	sld [smem:$0x3FB5];
	_ =	sdelay $0x3  }
0x37: {  	[smem:$0x3FB5] =	sst s10  }
0x38: {  	s10 =	sld [smem:$0x3FB6]  }
0x39: {  	_ = 	snop;
	(pc) =	sbr.ind lr, $3  }
0x3a: {  	_ = 	snop  }
0x3b: {  	_ = 	snop  }
0x3c: {  	p2 =	seq.s32 s10, $0x1;
	s10 =	sld [smem:$0x3FB5]  }
0x3d: {  	_ =	shalt  }
0x3e: {  	_ =	shalt  }
0x3f: {  	_ =	shalt  }
0x40: {  	_ =	shalt  }
0x41: {  	_ =	shalt  }
0x42: {  	_ =	shalt  }
0x43: {  	_ =	shalt  }
0x44: {  	_ =	shalt  }
0x45: {  	_ =	shalt  }
0x46: {  	_ =	shalt  }
0x47: {  	_ =	shalt  }
0x48: {  	_ =	shalt  }
0x49: {  	_ =	shalt  }
0x4a: {  	_ =	shalt  }
0x4b: {  	_ =	shalt  }
0x4c: {  	_ =	shalt  }
0x4d: {  	_ =	shalt  }
0x4e: {  	_ =	shalt  }
0x4f: {  	_ =	shalt  }
0x50: {  	_ =	shalt  }
0x51: {  	_ =	shalt  }
0x52: {  	_ =	shalt  }
0x53: {  	_ =	shalt  }
0x54: {  	_ =	shalt  }
0x55: {  	_ =	shalt  }
0x56: {  	_ =	shalt  }
0x57: {  	_ =	shalt  }
0x58: {  	_ =	shalt  }
0x59: {  	_ =	shalt  }
0x5a: {  	_ =	shalt  }
0x5b: {  	_ =	shalt  }
0x5c: {  	_ =	shalt  }
0x5d: {  	_ =	shalt  }
0x5e: {  	_ =	shalt  }
0x5f: {  	_ =	shalt  }
0x60: {  	_ =	shalt  }
0x61: {  	_ =	shalt  }
0x62: {  	_ =	shalt  }
0x63: {  	_ =	shalt  }
0x64: {  	_ =	shalt  }
0x65: {  	_ =	shalt  }
0x66: {  	_ =	shalt  }
0x67: {  	_ =	shalt  }
0x68: {  	_ =	shalt  }
0x69: {  	_ =	shalt  }
0x6a: {  	_ =	shalt  }
0x6b: {  	_ =	shalt  }
0x6c: {  	_ =	shalt  }
0x6d: {  	_ =	shalt  }
0x6e: {  	_ =	shalt  }
0x6f: {  	_ =	shalt  }
0x70: {  	_ =	shalt  }
0x71: {  	_ =	shalt  }
0x72: {  	_ =	shalt  }
0x73: {  	_ =	shalt  }
0x74: {  	_ =	shalt  }
0x75: {  	_ =	shalt  }
0x76: {  	_ =	shalt  }
0x77: {  	_ =	shalt  }
0x78: {  	_ =	shalt  }
0x79: {  	_ =	shalt  }
0x7a: {  	_ =	shalt  }
0x7b: {  	_ =	shalt  }
0x7c: {  	_ =	shalt  }
0x7d: {  	_ =	shalt  }
0x7e: {  	_ =	shalt  }
0x7f: {  	_ =	shalt  }
0x80: {  	_ =	shalt  }
0x81: {  	_ =	shalt  }
0x82: {  	_ =	shalt  }
0x83: {  	_ =	shalt  }
0x84: {  	_ =	shalt  }
0x85: {  	_ =	shalt  }
0x86: {  	_ =	shalt  }
0x87: {  	_ =	shalt  }
.Lfunc_end0:
.L_simem_size_0:
called_computation_lowered:
.L_overlay_start_0:
0x88: {  	s2 =	sld [smem:$0x3FD9]  }
0x89: {  	s3 =	sld [smem:$0x3FFE];
	_ =	sdelay $0x1  }
0x8a: {  	s1 =	srdreg.scid  }
0x8b: {  	s0 =	sand.u32 $0x1, s1  }
0x8c: {  	s15 =	sshll.u32 s0, $0xA;
	s2 =	sadd.s32 s3, s2  }
0x8d: {  	s2 =	sadd.s32 s2, s15  }
0x8e: {  	[smem:$0x3FC1] =	sst s2  }
0x8f: {  	_ = 	snop  }
0x90: {  	s2 =	sld [smem:$0x3FD0];
	_ =	sdelay $0x1  }
0x91: {  	s16 =	sld [smem:$0x3FC7]  }
0x92: {  	s5 =	simm.s32 $0xB;
	s6 =	simm.s32 $0x10;
	s4 =	sld [smem:$0x3FC6]  }
0x93: {  	[smem:s6], [sflag:s5] =	dma.local [hbm:s2], $0x1  }
0x94: {  	_ =	swait.eq [sflag:s5], $0x1  }
0x95: {  	s17 =	sld [smem:$0x11]  }
0x96: {  	s18 =	sld [smem:$0x12];
	[sflag:s5] =	ssyncset.done $0x0  }
0x97: {  	s7 =	sld [smem:$0x13];
	[sflag:s5] =	ssyncadd.s32 $0xFFFFFFFF  }
0x98: {  	s19 =	sld [smem:$0x14];
	(tm) =	ssettm $0x1  }
0x99: {  	s8 =	sld [smem:$0x3FFB];
	_ =	sdelay $0x3  }
0x9a: {  	_ =	strace s8  }
0x9b: {  	s8 =	sld [smem:$0x3FFC];
	_ =	sdelay $0x3  }
0x9c: {  	_ =	strace s8  }
0x9d: {  	s8 =	sld [smem:$0x3FFD];
	_ =	sdelay $0x3  }
0x9e: {  	_ =	strace s8  }
0x9f: {  	_ =	strace $0x8FFFFFFF  }
0xa0: {  	s20 =	sld [smem:$0x3FDB];
	_ =	sdelay $0x1  }
0xa1: {  	s9 =	simm.s32 $_scs_section_size  }
0xa2: {  	s10 =	simm.s32 $_size__tile_overlayer_lowered;
	s11 =	simm.s32 $_tile_overlayer_lowered  }
0xa3: {  	s23 =	simm.s32 $0x1BFF;
	s22 =	sshll.u32 s11, $0x1;
	s8 =	sadd.s32 s9, s20  }
0xa4: {  	s12 =	simm.s32 $0x0;
	s21 =	sshll.u32 s10, $0x1;
	s10 =	sadd.s32 s22, s8  }
0xa5: {  	[timem:s12], [sflag:s23] =	dma.local [hbm:s10], s21  }
0xa6: {  	_ =	swait.ge [sflag:s23], s21  }
0xa7: {  	s9 =	ssub.s32 $0x0, s21;
	[sflag:s23] =	ssyncset.done $0x0  }
0xa8: {  	[sflag:s23] =	ssyncadd.s32 s9;
	_ =	sdelay $0x1  }
0xa9: {  	s24 =	simm.s32 $0x1B8B  }
0xaa: {  	_ =	swait.ge [sflag:s24], $0x1  }
0xab: {  	[sflag:s24] =	ssyncset.done $0x0  }
0xac: {  	s25 =	simm.s32 $0x1B8E;
	[sflag:s24] =	ssyncadd.s32 $0xFFFFFFFF  }
0xad: {  	s26 =	simm.s32 $execute0_lowered;
	[smem:$0x3FD2] =	sst s25  }
0xae: {  	s9 =	sshll.u32 s26, $0x1;
	_ =	strace $0x80000046;
	[dreg:$0x1] =	wrdreg $0xFFFFFFFF  }
0xaf: {  	s28 =	simm.s32 $_size_execute0_lowered;
	s8 =	sadd.s32 s8, s9;
	[dreg:$0x0] =	wrdreg $0x0  }
0xb0: {  	s9 =	sshll.u32 s28, $0x1;
	[dreg:$0x2] =	wrdreg s8  }
0xb1: {  	[dreg:$0x3] =	wrdreg s9  }
0xb2: {  	[dreg:$0x4] =	wrdreg $0xC0  }
0xb3: {  	_ =	task [dreg:s12], $0x5FFFF  }
0xb4: {  	[dreg:$0x1] =	wrdreg $0xFFFFFFFF  }
0xb5: {  	[dreg:$0x0] =	wrdreg $0x60  }
0xb6: {  	[dreg:$0x2] =	wrdreg s7  }
0xb7: {  	[dreg:$0x3] =	wrdreg s17  }
0xb8: {  	[dreg:$0x4] =	wrdreg s18  }
0xb9: {  	[dreg:$0x5] =	wrdreg s16  }
0xba: {  	[dreg:$0x6] =	wrdreg s4  }
0xbb: {  	[dreg:$0x7] =	wrdreg s19  }
0xbc: {  	[dreg:$0x8] =	wrdreg $0x9  }
0xbd: {  	_ =	task.clear_ibuf [dreg:s12], $0x9FFFF;
	_ =	strace $0x90000046  }
0xbe: {  	s29 =	simm.s32 $0x9;
	_ =	strace $0x80000048  }
0xbf: {  	_ =	swait.ge [sflag:s29], $0x1  }
0xc0: {  	[sflag:s29] =	ssyncadd.s32 $0xFFFFFFFF  }
0xc1: {  	_ =	strace $0x90000048  }
0xc2: {  	_ =	sfence  }
0xc3: {  	s30 =	sld [smem:$0x0];
	_ =	sdelay $0x2  }
0xc4: {  	s31 =	sshll.u32 s1, $0xD;
	s1 =	sshrl.u32 s1, $0x2  }
0xc5: {  	s3 =	sand.u32 $0x4000, s31;
	s1 =	sadd.s32 s1, s30  }
0xc6: {  	s0 =	sor.u32 s3, s0;
	s1 =	sshll.u32 s1, $0x11  }
0xc7: {  	s0 =	sor.u32 s1, s0  }
0xc8: {  	s0 =	sadd.s32 $0x8F2B, s0  }
0xc9: {  	[sflag:s0] =	ssyncadd.remote.s32 $0x1  }
0xca: {  	_ =	sfence.sel $0xFFFF  }
0xcb: {  	[dreg:$0x0] =	wrdreg $0xFFFFFFFF;
	(pc) =	sbr.abs _section_cstart, $3  }
0xcc: {  	[dreg:$0x1] =	wrdreg $0xFFFFFFFF  }
0xcd: {  	_ =	task.clear_ibuf [dreg:s12], $0x2FFFF;
	_ =	strace $0x9FFFFFFF  }
0xce: {  	(tm) =	ssettm $0x7FFFFFFF  }
0xcf: {  	_ =	shalt  }
tec
execute0_lowered:
.L_overlay_start_1:
0x0: {  	(tag) =	ssettag $0x1  }
0x1: {  	s1 =	rddreg [dreg:$0x0]  }
0x2: {  	s2 =	rddreg [dreg:$0x1]  }
0x3: {  	s3 =	rddreg [dreg:$0x2];
	s4 =	srdreg.scid  }
0x4: {  	s0 =	stileid.u32;
	s6 =	rddreg [dreg:$0x3]  }
0x5: {  	s8 =	rddreg [dreg:$0x4];
	s7 =	sand.u32 $0x1, s4;
	s31 =	sshll.u32 s0, $0x1  }
0x6: {  	s9 =	rddreg [dreg:$0x5];
	s5 =	simm.s32 $0x0;
	s4 =	sor.u32 s7, s31  }
0x7: {  	s12 =	simm.s32 $0x12580;
	s13 =	simm.s32 $0x18780;
	s10 =	smul.u32 $0x61B0, s4  }
0x8: {  	s14 =	simm.s32 $0x0;
	[smem:$0x7FF] =	sst s5;
	s7 =	ssub.s32 $0x2, s7  }
0x9: {  	s4 =	rddreg [dreg:$0x6];
	s11 =	sshrl.u32 s7, $0x1;
	s10 =	smin.u32 s10, $0xBD350  }
0xa: {  	_ =	strace $0x80000047;
	s11 =	ssub.s32 s7, s11;
	s10 =	sshrl.u32 s10, $0x3  }
0xb: {  	s6 =	sadd.s32 s6, s10;
	s7 =	sadd.s32 s8, s10;
	s8 =	sadd.s32 s9, s10  }
0xc: {  	s9 =	smax.u32 s11, $0x1;
	s10 =	simm.s32 $0xC380;
	s11 =	simm.s32 $0x1  }
.LBB2_1:
0xd: {  	[tilespmem:s10], [sflag:$0x1] =	stream.linear.gather [hbm4b:s6+s5], $0x61B0, $0x38;
	[tilespmem:$0x1E980] =	vst v63  }
0xe: {  	_ =	swait.ge [sflag:s11], $0x61B0  }
0xf: {  	[sflag:s11] =	ssyncset.done $0x0  }
0x10: {  	[sflag:s11] =	ssyncadd.s32 $0xFFFF9E50  }
0x11: {  	[tilespmem:s12], [sflag:$0x1] =	stream.linear.gather [hbm4b:s7+s5], $0x61B0, $0x38;
	[tilespmem:$0x1E980] =	vst v63  }
0x12: {  	_ =	swait.ge [sflag:s11], $0x61B0  }
0x13: {  	[sflag:s11] =	ssyncset.done $0x0  }
0x14: {  	[sflag:s11] =	ssyncadd.s32 $0xFFFF9E50  }
0x15: {  	[tilespmem:s5], [sflag:$0x1] =	stream.linear.gather [hbm4b:s1+s5], $0xC380, $0x38;
	[tilespmem:$0x1E980] =	vst v63  }
0x16: {  	_ =	swait.ge [sflag:s11], $0xC380  }
0x17: {  	[sflag:s11] =	ssyncset.done $0x0  }
0x18: {  	s16 =	simm.s32 $0xC3C0;
	[sflag:s11] =	ssyncadd.s32 $0xFFFF3C80  }
0x19: {  	s15 =	simm.s32 $0x125C0;
	v0 =	vld [tilespmem:s16+$0x30]  }
0x1a: {  	v1 =	vld [tilespmem:s15+$0x30]  }
0x1b: {  	v2 =	vld [tilespmem:s15+$0xFFFFFFC0]  }
0x1c: {  	v3 =	vld [tilespmem:s16+$0xFFFFFFD0]  }
0x1d: {  	v4 =	vld [tilespmem:s15+$0xFFFFFFD0]  }
0x1e: {  	v5 =	vld [tilespmem:s16+$0xFFFFFFE0]  }
0x1f: {  	v6 =	vld [tilespmem:s15+$0xFFFFFFE0]  }
0x20: {  	v7 =	vld [tilespmem:s16+$0xFFFFFFF0]  }
0x21: {  	v8 =	vld [tilespmem:s15+$0xFFFFFFF0]  }
0x22: {  	v9 =	vld [tilespmem:s16+$0x0]  }
0x23: {  	v10 =	vld [tilespmem:s15+$0x0]  }
0x24: {  	v11 =	vld [tilespmem:s16+$0x10]  }
0x25: {  	v12 =	vld [tilespmem:s15+$0x10]  }
0x26: {  	v13 =	vld [tilespmem:s16+$0x20]  }
0x27: {  	v14 =	vld [tilespmem:s15+$0x20]  }
0x28: {  	v15 =	vld [tilespmem:s16+$0xFFFFFFC0]  }
0x29: {  	v0 =	vld.idx.msk [tilespmem:v0+s5+$0x0], $0xffff  }
0x2a: {  	v1 =	vld.idx.msk [tilespmem:v1+s5+$0x0], $0xffff  }
0x2b: {  	v16 =	vld.idx.msk [tilespmem:v2+s5+$0x0], $0xffff  }
0x2c: {  	v2 =	vld.idx.msk [tilespmem:v3+s5+$0x0], $0xffff  }
0x2d: {  	v3 =	vld.idx.msk [tilespmem:v4+s5+$0x0], $0xffff  }
0x2e: {  	v4 =	vld.idx.msk [tilespmem:v5+s5+$0x0], $0xffff  }
0x2f: {  	v5 =	vld.idx.msk [tilespmem:v6+s5+$0x0], $0xffff  }
0x30: {  	v6 =	vld.idx.msk [tilespmem:v7+s5+$0x0], $0xffff  }
0x31: {  	v8 =	vld.idx.msk [tilespmem:v8+s5+$0x0], $0xffff  }
0x32: {  	v15 =	vld.idx.msk [tilespmem:v15+s5+$0x0], $0xffff  }
0x33: {  	v0 =	vsub.f32 v1, v0;
	v1 =	vld.idx.msk [tilespmem:v9+s5+$0x0], $0xffff  }
0x34: {  	v3 =	vsub.f32 v3, v2;
	v2 =	vld.idx.msk [tilespmem:v10+s5+$0x0], $0xffff  }
0x35: {  	v5 =	vsub.f32 v5, v4;
	v4 =	vld.idx.msk [tilespmem:v13+s5+$0x0], $0xffff;
	v7 =	vmul.f32 v0, v0  }
0x36: {  	s20 =	simm.s32 $0x187C0;
	v9 =	vmul.f32 v3, v3;
	v0 =	vld.idx.msk [tilespmem:v11+s5+$0x0], $0xffff  }
0x37: {  	s21 =	simm.s32 $0x0;
	s17 =	simm.s32 $0x6170;
	s18 =	simm.s32 $0x1E900;
	v8 =	vsub.f32 v8, v6;
	v3 =	vld.idx.msk [tilespmem:v12+s5+$0x0], $0xffff;
	[tilespmem:s20+$0x30] =	vst v7;
	v7 =	vmul.f32 v5, v5  }
0x38: {  	s19 =	simm.s32 $0x18700;
	s22 =	simm.s32 $0xC440;
	s16 =	simm.s32 $0x12500;
	v6 =	vsub.f32 v16, v15;
	[tilespmem:s20+$0xFFFFFFD0] =	vst v9;
	v5 =	vld.idx.msk [tilespmem:v14+s5+$0x0], $0xffff  }
.LBB2_2:
0x39: {  	v9 =	vld [tilespmem:s22+$0x30];
	[tilespmem:s20+$0xFFFFFFE0] =	vst v7;
	v7 =	vmul.f32 v8, v8;
	s15 =	sadd.s32 $0x80, s15  }
0x3a: {  	s21 =	sadd.s32 $0x80, s21;
	v1 =	vsub.f32 v2, v1;
	v8 =	vld [tilespmem:s15+$0x30];
	v6 =	vmul.f32 v6, v6  }
0x3b: {  	p0 =	slt.u32 s21, $0x6100;
	v2 =	vld [tilespmem:s15+$0xFFFFFFC0];
	[tilespmem:s20+$0xFFFFFFF0] =	vst v7  }
0x3c: {  	v1 =	vmul.f32 v1, v1;
	v0 =	vsub.f32 v3, v0;
	v7 =	vld [tilespmem:s22+$0xFFFFFFD0];
	[tilespmem:s20+$0xFFFFFFC0] =	vst v6  }
0x3d: {  	v3 =	vld [tilespmem:s15+$0xFFFFFFD0]  }
0x3e: {  	v0 =	vmul.f32 v0, v0;
	v6 =	vld [tilespmem:s22+$0xFFFFFFE0];
	[tilespmem:s20+$0x0] =	vst v1;
	v1 =	vsub.f32 v5, v4  }
0x3f: {  	v4 =	vld [tilespmem:s15+$0xFFFFFFE0]  }
0x40: {  	v5 =	vld [tilespmem:s22+$0xFFFFFFF0];
	[tilespmem:s20+$0x10] =	vst v0;
	v0 =	vmul.f32 v1, v1  }
0x41: {  	v1 =	vld.idx.msk [tilespmem:v9+s5+$0x0], $0xffff  }
0x42: {  	v8 =	vld.idx.msk [tilespmem:v8+s5+$0x0], $0xffff;
	[tilespmem:s20+$0x20] =	vst v0  }
0x43: {  	v0 =	vld [tilespmem:s15+$0xFFFFFFF0]  }
0x44: {  	v9 =	vld [tilespmem:s22+$0x0]  }
0x45: {  	v10 =	vld [tilespmem:s15+$0x0]  }
0x46: {  	v11 =	vld [tilespmem:s22+$0x10]  }
0x47: {  	v12 =	vld [tilespmem:s15+$0x10]  }
0x48: {  	v1 =	vsub.f32 v8, v1;
	v13 =	vld [tilespmem:s22+$0x20]  }
0x49: {  	v14 =	vld [tilespmem:s15+$0x20]  }
0x4a: {  	v1 =	vmul.f32 v1, v1;
	v8 =	vld [tilespmem:s22+$0xFFFFFFC0]  }
0x4b: {  	s20 =	sadd.s32 $0x80, s20;
	v15 =	vld.idx.msk [tilespmem:v2+s5+$0x0], $0xffff  }
0x4c: {  	v2 =	vld.idx.msk [tilespmem:v7+s5+$0x0], $0xffff;
	[tilespmem:s20+$0x30] =	vst v1  }
0x4d: {  	v1 =	vld.idx.msk [tilespmem:v3+s5+$0x0], $0xffff  }
0x4e: {  	v3 =	vld.idx.msk [tilespmem:v6+s5+$0x0], $0xffff  }
0x4f: {  	v4 =	vld.idx.msk [tilespmem:v4+s5+$0x0], $0xffff  }
0x50: {  	v5 =	vld.idx.msk [tilespmem:v5+s5+$0x0], $0xffff  }
0x51: {  	v6 =	vld.idx.msk [tilespmem:v0+s5+$0x0], $0xffff  }
0x52: {  	v16 =	vld.idx.msk [tilespmem:v8+s5+$0x0], $0xffff  }
0x53: {  	v0 =	vsub.f32 v1, v2;
	v1 =	vld.idx.msk [tilespmem:v9+s5+$0x0], $0xffff  }
.Ltmp0:
0x54: {  	v2 =	vld.idx.msk [tilespmem:v10+s5+$0x0], $0xffff;
	(pc) =	sbr.rel @p0 .LBB2_2-.Ltmp0, $4  }
0x55: {  	v7 =	vmul.f32 v0, v0;
	v4 =	vsub.f32 v4, v3;
	v0 =	vld.idx.msk [tilespmem:v11+s5+$0x0], $0xffff  }
0x56: {  	v3 =	vld.idx.msk [tilespmem:v12+s5+$0x0], $0xffff  }
0x57: {  	v8 =	vsub.f32 v6, v5;
	[tilespmem:s20+$0xFFFFFFD0] =	vst v7;
	v7 =	vmul.f32 v4, v4;
	v4 =	vld.idx.msk [tilespmem:v13+s5+$0x0], $0xffff  }
0x58: {  	s22 =	sadd.s32 $0x80, s22;
	v6 =	vsub.f32 v15, v16;
	v5 =	vld.idx.msk [tilespmem:v14+s5+$0x0], $0xffff  }
0x59: {  	_ =	sdelay $0x1  }
0x5a: {  	v8 =	vmul.f32 v8, v8;
	v1 =	vsub.f32 v2, v1  }
0x5b: {  	[tilespmem:s20+$0xFFFFFFE0] =	vst v7;
	v61 =	vmul.f32 v6, v6;
	v0 =	vsub.f32 v3, v0  }
0x5c: {  	[tilespmem:s20+$0xFFFFFFF0] =	vst v8;
	v1 =	vmul.f32 v1, v1;
	v62 =	vsub.f32 v5, v4  }
0x5d: {  	[tilespmem:s20+$0xFFFFFFC0] =	vst v61;
	v0 =	vmul.f32 v0, v0  }
0x5e: {  	[tilespmem:s20+$0x0] =	vst v1;
	v63 =	vmul.f32 v62, v62  }
0x5f: {  	[tilespmem:s20+$0x10] =	vst v0  }
0x60: {  	[tilespmem:s20+$0x20] =	vst v63  }
.LBB2_4:
0x61: {  	v0 =	vld [tilespmem:s16+$0x0]  }
0x62: {  	v1 =	vld [tilespmem:s19+$0x0];
	_ =	sdelay $0x6  }
0x63: {  	v0 =	vld.idx.msk [tilespmem:v0+s5+$0x0], $0xffff  }
0x64: {  	v1 =	vld.idx.msk [tilespmem:v1+s5+$0x0], $0xffff;
	_ =	sdelay $0x2  }
0x65: {  	s17 =	sadd.s32 $0x10, s17  }
0x66: {  	p0 =	slt.u32 s17, $0x61A0  }
.Ltmp1:
0x67: {  	v0 =	vsub.f32 v1, v0;
	(pc) =	sbr.rel @p0 .LBB2_4-.Ltmp1, $3  }
0x68: {  	_ = 	snop  }
0x69: {  	v0 =	vmul.f32 v0, v0;
	_ =	sdelay $0x1  }
0x6a: {  	s19 =	sadd.s32 $0x10, s19;
	s16 =	sadd.s32 $0x10, s16;
	[tilespmem:s18+$0x0] =	vst v0;
	s18 =	sadd.s32 $0x10, s18  }
0x6b: {  	[tilespmem:s5], [sflag:$0x1] =	stream.linear.gather [hbm4b:s2+s5], $0xC380, $0x38;
	[tilespmem:$0x1E980] =	vst v63  }
0x6c: {  	_ =	swait.ge [sflag:s11], $0xC380  }
0x6d: {  	[sflag:s11] =	ssyncset.done $0x0  }
0x6e: {  	s17 =	simm.s32 $0xC3C0;
	[sflag:s11] =	ssyncadd.s32 $0xFFFF3C80  }
0x6f: {  	s15 =	simm.s32 $0x125C0;
	v0 =	vld [tilespmem:s17+$0x30]  }
0x70: {  	v1 =	vld [tilespmem:s15+$0x30]  }
0x71: {  	v2 =	vld [tilespmem:s15+$0xFFFFFFC0]  }
0x72: {  	v3 =	vld [tilespmem:s17+$0xFFFFFFD0]  }
0x73: {  	v4 =	vld [tilespmem:s15+$0xFFFFFFD0]  }
0x74: {  	v5 =	vld [tilespmem:s17+$0xFFFFFFE0]  }
0x75: {  	v6 =	vld [tilespmem:s15+$0xFFFFFFE0]  }
0x76: {  	v7 =	vld [tilespmem:s17+$0xFFFFFFF0]  }
0x77: {  	v8 =	vld [tilespmem:s15+$0xFFFFFFF0]  }
0x78: {  	v9 =	vld [tilespmem:s17+$0x0]  }
0x79: {  	v10 =	vld [tilespmem:s15+$0x0]  }
0x7a: {  	s16 =	simm.s32 $0x187C0;
	v11 =	vld [tilespmem:s17+$0x10]  }
0x7b: {  	v12 =	vld [tilespmem:s16+$0x30]  }
0x7c: {  	v13 =	vld [tilespmem:s15+$0x10]  }
0x7d: {  	v14 =	vld [tilespmem:s17+$0x20]  }
0x7e: {  	v15 =	vld [tilespmem:s15+$0x20]  }
0x7f: {  	v16 =	vld [tilespmem:s17+$0xFFFFFFC0]  }
0x80: {  	v62 =	vld [tilespmem:s16+$0xFFFFFFC0]  }
0x81: {  	v0 =	vld.idx.msk [tilespmem:v0+s5+$0x0], $0xffff  }
0x82: {  	v1 =	vld.idx.msk [tilespmem:v1+s5+$0x0], $0xffff  }
0x83: {  	v2 =	vld.idx.msk [tilespmem:v2+s5+$0x0], $0xffff  }
0x84: {  	v3 =	vld.idx.msk [tilespmem:v3+s5+$0x0], $0xffff  }
0x85: {  	v4 =	vld.idx.msk [tilespmem:v4+s5+$0x0], $0xffff  }
0x86: {  	v5 =	vld.idx.msk [tilespmem:v5+s5+$0x0], $0xffff  }
0x87: {  	v6 =	vld.idx.msk [tilespmem:v6+s5+$0x0], $0xffff  }
0x88: {  	v7 =	vld.idx.msk [tilespmem:v7+s5+$0x0], $0xffff  }
0x89: {  	v8 =	vld.idx.msk [tilespmem:v8+s5+$0x0], $0xffff  }
0x8a: {  	v16 =	vld.idx.msk [tilespmem:v16+s5+$0x0], $0xffff  }
0x8b: {  	v9 =	vld.idx.msk [tilespmem:v9+s5+$0x0], $0xffff  }
0x8c: {  	v10 =	vld.idx.msk [tilespmem:v10+s5+$0x0], $0xffff;
	v0 =	vsub.f32 v1, v0  }
0x8d: {  	v11 =	vld.idx.msk [tilespmem:v11+s5+$0x0], $0xffff  }
0x8e: {  	v1 =	vld.idx.msk [tilespmem:v13+s5+$0x0], $0xffff;
	v0 =	vmul.f32 v0, v0  }
0x8f: {  	v60 =	vld.idx.msk [tilespmem:v14+s5+$0x0], $0xffff  }
0x90: {  	v61 =	vld.idx.msk [tilespmem:v15+s5+$0x0], $0xffff;
	v12 =	vadd.f32 v0, v12;
	v0 =	vsub.f32 v2, v16  }
0x91: {  	v63 =	vld [tilespmem:s16+$0xFFFFFFD0];
	v2 =	vsub.f32 v4, v3;
	v4 =	vsub.f32 v6, v5  }
0x92: {  	v6 =	vld [tilespmem:s16+$0xFFFFFFE0];
	v5 =	vsub.f32 v8, v7;
	v8 =	vsub.f32 v10, v9  }
0x93: {  	v3 =	vld [tilespmem:s16+$0xFFFFFFF0];
	v10 =	vsub.f32 v1, v11;
	v7 =	vmul.f32 v0, v0;
	v17 =	vmul.f32 v2, v2  }
0x94: {  	v0 =	vmul.f32 v4, v4;
	v4 =	vld [tilespmem:s16+$0x0];
	v1 =	vmul.f32 v5, v5  }
0x95: {  	v5 =	vld [tilespmem:s16+$0x10];
	v9 =	vadd.f32 v7, v62;
	v7 =	vmul.f32 v10, v10;
	v10 =	vsub.f32 v61, v60  }
0x96: {  	s18 =	simm.s32 $0xC440;
	s17 =	simm.s32 $0x0;
	v2 =	vmul.f32 v8, v8;
	[tilespmem:s16+$0x30] =	vst v12;
	v8 =	vld [tilespmem:s16+$0x20];
	v11 =	vadd.f32 v17, v63  }
.LBB2_6:
0x97: {  	v12 =	vld [tilespmem:s18+$0x30];
	[tilespmem:s16+$0xFFFFFFC0] =	vst v9;
	v0 =	vadd.f32 v0, v6;
	v6 =	vmul.f32 v10, v10;
	s15 =	sadd.s32 $0x80, s15  }
0x98: {  	s17 =	sadd.s32 $0x80, s17;
	v9 =	vld [tilespmem:s15+$0x30];
	[tilespmem:s16+$0xFFFFFFD0] =	vst v11;
	v1 =	vadd.f32 v1, v3  }
0x99: {  	p0 =	slt.u32 s17, $0x6100;
	v3 =	vld [tilespmem:s15+$0xFFFFFFC0];
	[tilespmem:s16+$0xFFFFFFE0] =	vst v0;
	v0 =	vadd.f32 v2, v4  }
0x9a: {  	v2 =	vld [tilespmem:s18+$0xFFFFFFD0];
	[tilespmem:s16+$0xFFFFFFF0] =	vst v1;
	v1 =	vadd.f32 v7, v5  }
0x9b: {  	v4 =	vld [tilespmem:s15+$0xFFFFFFD0];
	[tilespmem:s16+$0x0] =	vst v0;
	v0 =	vadd.f32 v6, v8  }
0x9c: {  	v5 =	vld [tilespmem:s18+$0xFFFFFFE0];
	[tilespmem:s16+$0x10] =	vst v1  }
0x9d: {  	v1 =	vld [tilespmem:s15+$0xFFFFFFE0];
	[tilespmem:s16+$0x20] =	vst v0  }
0x9e: {  	v0 =	vld [tilespmem:s18+$0xFFFFFFF0]  }
0x9f: {  	v6 =	vld.idx.msk [tilespmem:v12+s5+$0x0], $0xffff  }
0xa0: {  	v7 =	vld.idx.msk [tilespmem:v9+s5+$0x0], $0xffff  }
0xa1: {  	v8 =	vld [tilespmem:s15+$0xFFFFFFF0]  }
0xa2: {  	v9 =	vld [tilespmem:s18+$0x0]  }
0xa3: {  	v10 =	vld [tilespmem:s15+$0x0]  }
0xa4: {  	s16 =	sadd.s32 $0x80, s16;
	v11 =	vld [tilespmem:s18+$0x10]  }
0xa5: {  	v12 =	vld [tilespmem:s16+$0x30]  }
0xa6: {  	v6 =	vsub.f32 v7, v6;
	v13 =	vld [tilespmem:s15+$0x10]  }
0xa7: {  	v7 =	vld [tilespmem:s18+$0x20]  }
0xa8: {  	v6 =	vmul.f32 v6, v6;
	v14 =	vld [tilespmem:s15+$0x20]  }
0xa9: {  	v15 =	vld [tilespmem:s18+$0xFFFFFFC0]  }
0xaa: {  	v3 =	vld.idx.msk [tilespmem:v3+s5+$0x0], $0xffff;
	v6 =	vadd.f32 v6, v12  }
0xab: {  	s19 =	simm.s32 $0x12500;
	v2 =	vld.idx.msk [tilespmem:v2+s5+$0x0], $0xffff  }
0xac: {  	s20 =	simm.s32 $0x6170;
	s21 =	simm.s32 $0x1E900;
	s22 =	simm.s32 $0x18700;
	v4 =	vld.idx.msk [tilespmem:v4+s5+$0x0], $0xffff;
	[tilespmem:s16+$0x30] =	vst v6  }
0xad: {  	v5 =	vld.idx.msk [tilespmem:v5+s5+$0x0], $0xffff  }
0xae: {  	v1 =	vld.idx.msk [tilespmem:v1+s5+$0x0], $0xffff  }
0xaf: {  	v6 =	vld.idx.msk [tilespmem:v0+s5+$0x0], $0xffff  }
0xb0: {  	v8 =	vld.idx.msk [tilespmem:v8+s5+$0x0], $0xffff  }
0xb1: {  	v12 =	vld.idx.msk [tilespmem:v15+s5+$0x0], $0xffff  }
0xb2: {  	v0 =	vsub.f32 v4, v2;
	v2 =	vld.idx.msk [tilespmem:v9+s5+$0x0], $0xffff  }
0xb3: {  	v4 =	vld.idx.msk [tilespmem:v10+s5+$0x0], $0xffff  }
0xb4: {  	v15 =	vmul.f32 v0, v0;
	v0 =	vsub.f32 v1, v5;
	v5 =	vld.idx.msk [tilespmem:v11+s5+$0x0], $0xffff  }
0xb5: {  	v9 =	vld.idx.msk [tilespmem:v13+s5+$0x0], $0xffff  }
0xb6: {  	v0 =	vmul.f32 v0, v0;
	v1 =	vsub.f32 v8, v6;
	v8 =	vld.idx.msk [tilespmem:v7+s5+$0x0], $0xffff  }
0xb7: {  	v3 =	vsub.f32 v3, v12;
	v10 =	vld.idx.msk [tilespmem:v14+s5+$0x0], $0xffff  }
0xb8: {  	v1 =	vmul.f32 v1, v1;
	v7 =	vld [tilespmem:s16+$0xFFFFFFC0]  }
0xb9: {  	v11 =	vmul.f32 v3, v3;
	v2 =	vsub.f32 v4, v2;
	v12 =	vld [tilespmem:s16+$0xFFFFFFD0]  }
.Ltmp2:
0xba: {  	v6 =	vld [tilespmem:s16+$0xFFFFFFE0];
	(pc) =	sbr.rel @p0 .LBB2_6-.Ltmp2, $4  }
0xbb: {  	v2 =	vmul.f32 v2, v2;
	v13 =	vsub.f32 v9, v5;
	v3 =	vld [tilespmem:s16+$0xFFFFFFF0]  }
0xbc: {  	v4 =	vld [tilespmem:s16+$0x0]  }
0xbd: {  	v10 =	vsub.f32 v10, v8;
	v9 =	vadd.f32 v11, v7;
	v5 =	vld [tilespmem:s16+$0x10];
	v7 =	vmul.f32 v13, v13  }
0xbe: {  	s18 =	sadd.s32 $0x80, s18;
	v11 =	vadd.f32 v15, v12;
	v8 =	vld [tilespmem:s16+$0x20]  }
0xbf: {  	[tilespmem:s16+$0xFFFFFFC0] =	vst v9;
	v0 =	vadd.f32 v0, v6  }
0xc0: {  	[tilespmem:s16+$0xFFFFFFD0] =	vst v11;
	v1 =	vadd.f32 v1, v3  }
0xc1: {  	v60 =	vmul.f32 v10, v10;
	[tilespmem:s16+$0xFFFFFFE0] =	vst v0;
	v61 =	vadd.f32 v2, v4  }
0xc2: {  	[tilespmem:s16+$0xFFFFFFF0] =	vst v1;
	v62 =	vadd.f32 v7, v5  }
0xc3: {  	[tilespmem:s16+$0x0] =	vst v61;
	v63 =	vadd.f32 v60, v8  }
0xc4: {  	[tilespmem:s16+$0x10] =	vst v62  }
0xc5: {  	[tilespmem:s16+$0x20] =	vst v63  }
.LBB2_8:
0xc6: {  	v0 =	vld [tilespmem:s19+$0x0]  }
0xc7: {  	v1 =	vld [tilespmem:s22+$0x0];
	_ =	sdelay $0x6  }
0xc8: {  	v0 =	vld.idx.msk [tilespmem:v0+s5+$0x0], $0xffff  }
0xc9: {  	v1 =	vld.idx.msk [tilespmem:v1+s5+$0x0], $0xffff;
	_ =	sdelay $0x3  }
0xca: {  	v2 =	vld [tilespmem:s21+$0x0]  }
0xcb: {  	s20 =	sadd.s32 $0x10, s20;
	v0 =	vsub.f32 v1, v0  }
0xcc: {  	p0 =	slt.u32 s20, $0x61A0  }
.Ltmp3:
0xcd: {  	v0 =	vmul.f32 v0, v0;
	(pc) =	sbr.rel @p0 .LBB2_8-.Ltmp3, $3  }
0xce: {  	_ = 	snop  }
0xcf: {  	v0 =	vadd.f32 v0, v2;
	_ =	sdelay $0x1  }
0xd0: {  	s22 =	sadd.s32 $0x10, s22;
	s19 =	sadd.s32 $0x10, s19;
	[tilespmem:s21+$0x0] =	vst v0;
	s21 =	sadd.s32 $0x10, s21  }
0xd1: {  	[tilespmem:s5], [sflag:$0x1] =	stream.linear.gather [hbm4b:s3+s5], $0xC380, $0x38;
	[tilespmem:$0x1E980] =	vst v63  }
0xd2: {  	_ =	swait.ge [sflag:s11], $0xC380  }
0xd3: {  	[sflag:s11] =	ssyncset.done $0x0  }
0xd4: {  	s17 =	simm.s32 $0xC3C0;
	[sflag:s11] =	ssyncadd.s32 $0xFFFF3C80  }
0xd5: {  	s15 =	simm.s32 $0x125C0;
	v0 =	vld [tilespmem:s17+$0x30]  }
0xd6: {  	v1 =	vld [tilespmem:s15+$0x30]  }
0xd7: {  	v2 =	vld [tilespmem:s15+$0xFFFFFFC0]  }
0xd8: {  	v3 =	vld [tilespmem:s17+$0xFFFFFFD0]  }
0xd9: {  	v4 =	vld [tilespmem:s15+$0xFFFFFFD0]  }
0xda: {  	v5 =	vld [tilespmem:s17+$0xFFFFFFE0]  }
0xdb: {  	v6 =	vld [tilespmem:s15+$0xFFFFFFE0]  }
0xdc: {  	v7 =	vld [tilespmem:s17+$0xFFFFFFF0]  }
0xdd: {  	v8 =	vld [tilespmem:s15+$0xFFFFFFF0]  }
0xde: {  	v9 =	vld [tilespmem:s17+$0x0]  }
0xdf: {  	v10 =	vld [tilespmem:s15+$0x0]  }
0xe0: {  	s16 =	simm.s32 $0x187C0;
	v11 =	vld [tilespmem:s17+$0x10]  }
0xe1: {  	v12 =	vld [tilespmem:s16+$0x30]  }
0xe2: {  	v13 =	vld [tilespmem:s15+$0x10]  }
0xe3: {  	v14 =	vld [tilespmem:s17+$0x20]  }
0xe4: {  	v15 =	vld [tilespmem:s15+$0x20]  }
0xe5: {  	v16 =	vld [tilespmem:s17+$0xFFFFFFC0]  }
0xe6: {  	v62 =	vld [tilespmem:s16+$0xFFFFFFC0]  }
0xe7: {  	v0 =	vld.idx.msk [tilespmem:v0+s5+$0x0], $0xffff  }
0xe8: {  	v1 =	vld.idx.msk [tilespmem:v1+s5+$0x0], $0xffff  }
0xe9: {  	v2 =	vld.idx.msk [tilespmem:v2+s5+$0x0], $0xffff  }
0xea: {  	v3 =	vld.idx.msk [tilespmem:v3+s5+$0x0], $0xffff  }
0xeb: {  	v4 =	vld.idx.msk [tilespmem:v4+s5+$0x0], $0xffff  }
0xec: {  	v5 =	vld.idx.msk [tilespmem:v5+s5+$0x0], $0xffff  }
0xed: {  	v6 =	vld.idx.msk [tilespmem:v6+s5+$0x0], $0xffff  }
0xee: {  	v7 =	vld.idx.msk [tilespmem:v7+s5+$0x0], $0xffff  }
0xef: {  	v8 =	vld.idx.msk [tilespmem:v8+s5+$0x0], $0xffff  }
0xf0: {  	v16 =	vld.idx.msk [tilespmem:v16+s5+$0x0], $0xffff  }
0xf1: {  	v9 =	vld.idx.msk [tilespmem:v9+s5+$0x0], $0xffff  }
0xf2: {  	v10 =	vld.idx.msk [tilespmem:v10+s5+$0x0], $0xffff;
	v0 =	vsub.f32 v1, v0  }
0xf3: {  	v11 =	vld.idx.msk [tilespmem:v11+s5+$0x0], $0xffff  }
0xf4: {  	v1 =	vld.idx.msk [tilespmem:v13+s5+$0x0], $0xffff;
	v0 =	vmul.f32 v0, v0  }
0xf5: {  	v60 =	vld.idx.msk [tilespmem:v14+s5+$0x0], $0xffff  }
0xf6: {  	v61 =	vld.idx.msk [tilespmem:v15+s5+$0x0], $0xffff;
	v12 =	vadd.f32 v0, v12;
	v0 =	vsub.f32 v2, v16  }
0xf7: {  	v63 =	vld [tilespmem:s16+$0xFFFFFFD0];
	v2 =	vsub.f32 v4, v3;
	v4 =	vsub.f32 v6, v5  }
0xf8: {  	v6 =	vld [tilespmem:s16+$0xFFFFFFE0];
	v5 =	vsub.f32 v8, v7;
	v8 =	vsub.f32 v10, v9  }
0xf9: {  	v3 =	vld [tilespmem:s16+$0xFFFFFFF0];
	v10 =	vsub.f32 v1, v11;
	v7 =	vmul.f32 v0, v0;
	v17 =	vmul.f32 v2, v2  }
0xfa: {  	v0 =	vmul.f32 v4, v4;
	v4 =	vld [tilespmem:s16+$0x0];
	v1 =	vmul.f32 v5, v5  }
0xfb: {  	v5 =	vld [tilespmem:s16+$0x10];
	v9 =	vadd.f32 v7, v62;
	v7 =	vmul.f32 v10, v10;
	v10 =	vsub.f32 v61, v60  }
0xfc: {  	s18 =	simm.s32 $0xC440;
	s17 =	simm.s32 $0x0;
	v2 =	vmul.f32 v8, v8;
	[tilespmem:s16+$0x30] =	vst v12;
	v8 =	vld [tilespmem:s16+$0x20];
	v11 =	vadd.f32 v17, v63  }
.LBB2_10:
0xfd: {  	v12 =	vld [tilespmem:s18+$0x30];
	[tilespmem:s16+$0xFFFFFFC0] =	vst v9;
	v0 =	vadd.f32 v0, v6;
	v6 =	vmul.f32 v10, v10;
	s15 =	sadd.s32 $0x80, s15  }
0xfe: {  	s17 =	sadd.s32 $0x80, s17;
	v9 =	vld [tilespmem:s15+$0x30];
	[tilespmem:s16+$0xFFFFFFD0] =	vst v11;
	v1 =	vadd.f32 v1, v3  }
0xff: {  	p0 =	slt.u32 s17, $0x6100;
	v3 =	vld [tilespmem:s15+$0xFFFFFFC0];
	[tilespmem:s16+$0xFFFFFFE0] =	vst v0;
	v0 =	vadd.f32 v2, v4  }
0x100: {  	v2 =	vld [tilespmem:s18+$0xFFFFFFD0];
	[tilespmem:s16+$0xFFFFFFF0] =	vst v1;
	v1 =	vadd.f32 v7, v5  }
0x101: {  	v4 =	vld [tilespmem:s15+$0xFFFFFFD0];
	[tilespmem:s16+$0x0] =	vst v0;
	v0 =	vadd.f32 v6, v8  }
0x102: {  	v5 =	vld [tilespmem:s18+$0xFFFFFFE0];
	[tilespmem:s16+$0x10] =	vst v1  }
0x103: {  	v1 =	vld [tilespmem:s15+$0xFFFFFFE0];
	[tilespmem:s16+$0x20] =	vst v0  }
0x104: {  	v0 =	vld [tilespmem:s18+$0xFFFFFFF0]  }
0x105: {  	v6 =	vld.idx.msk [tilespmem:v12+s5+$0x0], $0xffff  }
0x106: {  	v7 =	vld.idx.msk [tilespmem:v9+s5+$0x0], $0xffff  }
0x107: {  	v8 =	vld [tilespmem:s15+$0xFFFFFFF0]  }
0x108: {  	v9 =	vld [tilespmem:s18+$0x0]  }
0x109: {  	v10 =	vld [tilespmem:s15+$0x0]  }
0x10a: {  	s16 =	sadd.s32 $0x80, s16;
	v11 =	vld [tilespmem:s18+$0x10]  }
0x10b: {  	v12 =	vld [tilespmem:s16+$0x30]  }
0x10c: {  	v6 =	vsub.f32 v7, v6;
	v13 =	vld [tilespmem:s15+$0x10]  }
0x10d: {  	v7 =	vld [tilespmem:s18+$0x20]  }
0x10e: {  	v6 =	vmul.f32 v6, v6;
	v14 =	vld [tilespmem:s15+$0x20]  }
0x10f: {  	v15 =	vld [tilespmem:s18+$0xFFFFFFC0]  }
0x110: {  	v3 =	vld.idx.msk [tilespmem:v3+s5+$0x0], $0xffff;
	v6 =	vadd.f32 v6, v12  }
0x111: {  	s19 =	simm.s32 $0x12500;
	v2 =	vld.idx.msk [tilespmem:v2+s5+$0x0], $0xffff  }
0x112: {  	s20 =	simm.s32 $0x6170;
	s21 =	simm.s32 $0x1E900;
	s22 =	simm.s32 $0x18700;
	v4 =	vld.idx.msk [tilespmem:v4+s5+$0x0], $0xffff;
	[tilespmem:s16+$0x30] =	vst v6  }
0x113: {  	v5 =	vld.idx.msk [tilespmem:v5+s5+$0x0], $0xffff  }
0x114: {  	v1 =	vld.idx.msk [tilespmem:v1+s5+$0x0], $0xffff  }
0x115: {  	v6 =	vld.idx.msk [tilespmem:v0+s5+$0x0], $0xffff  }
0x116: {  	v8 =	vld.idx.msk [tilespmem:v8+s5+$0x0], $0xffff  }
0x117: {  	v12 =	vld.idx.msk [tilespmem:v15+s5+$0x0], $0xffff  }
0x118: {  	v0 =	vsub.f32 v4, v2;
	v2 =	vld.idx.msk [tilespmem:v9+s5+$0x0], $0xffff  }
0x119: {  	v4 =	vld.idx.msk [tilespmem:v10+s5+$0x0], $0xffff  }
0x11a: {  	v15 =	vmul.f32 v0, v0;
	v0 =	vsub.f32 v1, v5;
	v5 =	vld.idx.msk [tilespmem:v11+s5+$0x0], $0xffff  }
0x11b: {  	v9 =	vld.idx.msk [tilespmem:v13+s5+$0x0], $0xffff  }
0x11c: {  	v0 =	vmul.f32 v0, v0;
	v1 =	vsub.f32 v8, v6;
	v8 =	vld.idx.msk [tilespmem:v7+s5+$0x0], $0xffff  }
0x11d: {  	v3 =	vsub.f32 v3, v12;
	v10 =	vld.idx.msk [tilespmem:v14+s5+$0x0], $0xffff  }
0x11e: {  	v1 =	vmul.f32 v1, v1;
	v7 =	vld [tilespmem:s16+$0xFFFFFFC0]  }
0x11f: {  	v11 =	vmul.f32 v3, v3;
	v2 =	vsub.f32 v4, v2;
	v12 =	vld [tilespmem:s16+$0xFFFFFFD0]  }
.Ltmp4:
0x120: {  	v6 =	vld [tilespmem:s16+$0xFFFFFFE0];
	(pc) =	sbr.rel @p0 .LBB2_10-.Ltmp4, $4  }
0x121: {  	v2 =	vmul.f32 v2, v2;
	v13 =	vsub.f32 v9, v5;
	v3 =	vld [tilespmem:s16+$0xFFFFFFF0]  }
0x122: {  	v4 =	vld [tilespmem:s16+$0x0]  }
0x123: {  	v10 =	vsub.f32 v10, v8;
	v9 =	vadd.f32 v11, v7;
	v5 =	vld [tilespmem:s16+$0x10];
	v7 =	vmul.f32 v13, v13  }
0x124: {  	s18 =	sadd.s32 $0x80, s18;
	v11 =	vadd.f32 v15, v12;
	v8 =	vld [tilespmem:s16+$0x20]  }
0x125: {  	[tilespmem:s16+$0xFFFFFFC0] =	vst v9;
	v0 =	vadd.f32 v0, v6  }
0x126: {  	[tilespmem:s16+$0xFFFFFFD0] =	vst v11;
	v1 =	vadd.f32 v1, v3  }
0x127: {  	v60 =	vmul.f32 v10, v10;
	[tilespmem:s16+$0xFFFFFFE0] =	vst v0;
	v61 =	vadd.f32 v2, v4  }
0x128: {  	[tilespmem:s16+$0xFFFFFFF0] =	vst v1;
	v62 =	vadd.f32 v7, v5  }
0x129: {  	[tilespmem:s16+$0x0] =	vst v61;
	v63 =	vadd.f32 v60, v8  }
0x12a: {  	[tilespmem:s16+$0x10] =	vst v62  }
0x12b: {  	[tilespmem:s16+$0x20] =	vst v63  }
.LBB2_12:
0x12c: {  	v0 =	vld [tilespmem:s19+$0x0]  }
0x12d: {  	v1 =	vld [tilespmem:s22+$0x0];
	_ =	sdelay $0x6  }
0x12e: {  	v0 =	vld.idx.msk [tilespmem:v0+s5+$0x0], $0xffff  }
0x12f: {  	v1 =	vld.idx.msk [tilespmem:v1+s5+$0x0], $0xffff;
	_ =	sdelay $0x3  }
0x130: {  	v2 =	vld [tilespmem:s21+$0x0]  }
0x131: {  	s20 =	sadd.s32 $0x10, s20;
	v0 =	vsub.f32 v1, v0  }
0x132: {  	p0 =	slt.u32 s20, $0x61A0  }
.Ltmp5:
0x133: {  	v0 =	vmul.f32 v0, v0;
	(pc) =	sbr.rel @p0 .LBB2_12-.Ltmp5, $3  }
0x134: {  	_ = 	snop  }
0x135: {  	v0 =	vadd.f32 v0, v2;
	_ =	sdelay $0x1  }
0x136: {  	s22 =	sadd.s32 $0x10, s22;
	s19 =	sadd.s32 $0x10, s19;
	[tilespmem:s21+$0x0] =	vst v0;
	s21 =	sadd.s32 $0x10, s21  }
0x137: {  	s14 =	sadd.s32 $0x1, s14  }
0x138: {  	p0 =	sne.s32 s14, s9  }
.Ltmp6:
0x139: {  	_ = 	snop;
	(pc) =	sbr.rel @p0 .LBB2_1-.Ltmp6, $4  }
0x13a: {  	[hbm4b:s8+s5] =	stream.linear.scatter [tilespmem:s13], [sflag:$0x1], $0x61B0, $0x38;
	[tilespmem:$0x1E980] =	vst v63  }
0x13b: {  	_ =	swait.ge [sflag:s11], $0x61B0  }
0x13c: {  	[sflag:s11] =	ssyncset.done $0x0  }
0x13d: {  	[sflag:s11] =	ssyncadd.s32 $0xFFFF9E50  }
0x13e: {  	_ =	sfence.sel $0x180000  }
0x13f: {  	[bflag:$0x0] =	sbarrier.arrive $0xFFFF  }
0x140: {  	p0 =	sne.s32 s0, $0x0;
	_ =	strace $0x90000047  }
0x141: {  	s0 =	sadd.s32 @!p0 $0x100000, s4;
	[bflag:$0x2] =	sbarrier.arrive $0xFFFF  }
0x142: {  	[sflag:s0] =	ssyncadd.tile.s32 @!p0 $0x1;
	_ =	shalt  }
.Lfunc_end2:
_tile_overlayer_lowered:
.L_overlay_start_2:
0x143: {  	(tag) =	ssettag $0x2  }
0x144: {  	s0 =	rddreg [dreg:$0x0];
	s2 =	stileid.u32  }
0x145: {  	s1 =	rddreg [dreg:$0x1];
	p0 =	sne.s32 s2, $0x0  }
0x146: {  	s3 =	rddreg [dreg:$0x2];
	[bflag:$0x3] =	sbarrier.arrive $0xFFFF;
	s2 =	simm.s32 @!p0 $0x1C01  }
0x147: {  	[timem:s3], [sflag:s2] =	dma.local @!p0 [hbm:s0], s1  }
0x148: {  	s0 =	simm.s32 @!p0 $0x1  }
0x149: {  	_ =	swait.ge @!p0 [sflag:s0], s1  }
0x14a: {  	s1 =	ssub.s32 @!p0 $0x0, s1;
	[sflag:s0] =	ssyncset.done @!p0 $0x0  }
0x14b: {  	[sflag:s0] =	ssyncadd.s32 @!p0 s1  }
0x14c: {  	[bflag:$0x3] =	sbarrier.arrive $0xFFFF  }
0x14d: {  	_ =	shalt  }

// kernel: kernel.8.cloned.1.call-start
scs
__scs_entry_jumppad:
0x0: {  	(pc) =	sbr.rel $0x88, $3  }
0x1: {  	(tag) =	ssettag $0x0;
	lr =	simm.s32 $0x1  }
0x2: {  	[smem:$0x3F9A] =	sst lr;
	_ =	strace $0xD0000000  }
0x3: {  	_ = 	snop  }
0x4: {  	_ = 	snop  }
0x5: {  	_ = 	snop  }
0x6: {  	_ = 	snop  }
0x7: {  	_ = 	snop  }
__scs_overlays_trampoline_lowered:
0x8: {  	[smem:$0x3FA9] =	sst s0  }
0x9: {  	[smem:$0x3FAA] =	sst s1  }
0xa: {  	[smem:$0x3FAB] =	sst s2  }
0xb: {  	[smem:$0x3FAC] =	sst s3  }
0xc: {  	[smem:$0x3FAD] =	sst s4  }
0xd: {  	[smem:$0x3FAE] =	sst s5  }
0xe: {  	[smem:$0x3FAF] =	sst s6  }
0xf: {  	[smem:$0x3FB0] =	sst s7  }
0x10: {  	[smem:$0x3FB1] =	sst s8  }
0x11: {  	[smem:$0x3FB2] =	sst s9;
	s0 =	simm.s32 @!p0 $0x0  }
0x12: {  	s1 =	sld [smem:$0x3F98];
	s0 =	simm.s32 @p0 $0x1  }
0x13: {  	[smem:$0x3FB3] =	sst s0;
	s0 =	simm.s32 @!p1 $0x0  }
0x14: {  	s2 =	sld [smem:$0x3F97];
	s0 =	simm.s32 @p1 $0x1  }
0x15: {  	[smem:$0x3FB4] =	sst s0;
	s0 =	simm.s32 @!p2 $0x0  }
0x16: {  	s3 =	sld [smem:$0x3FDB];
	s0 =	simm.s32 @p2 $0x1  }
0x17: {  	s4 =	simm.s32 $0x1BF5;
	[smem:$0x3FB6] =	sst s0  }
0x18: {  	s0 =	sld [smem:$0x3F99];
	_ =	swait.ge [sflag:s4], $0x0  }
0x19: {  	s7 =	sld [smem:$0x3F9A]  }
0x1a: {  	s8 =	sadd.s32 $0xFFFFE003, lr  }
0x1b: {  	s9 =	sadd.s32 $0xFFFFFEF7, lr;
	s5 =	simm.s32 $0xFFFFFFFF;
	p2 =	slt.u32 s8, $0xFFFFF086  }
0x1c: {  	p1 =	slt.u32 s9, $0xF7A;
	s5 =	simm.s32 @!p2 $0x0  }
0x1d: {  	s5 =	simm.s32 @p1 $0x1;
	p0 =	seq.s32 s7, s2  }
0x1e: {  	s7 =	smul.u32 @!p0 $0xF7A, s2;
	p2 =	seq.s32 @!p0 s5, $0x0  }
0x1f: {  	s9 =	smul.u32 $0xF7A, s1;
	s8 =	simm.s32 @!p0 $0x1BF5;
	p2 =	por !p2, p0  }
0x20: {  	[sflag:s8] =	ssyncset.s32 @!p0 $0xFFFFF086;
	s6 =	sadd.s32 @!p0 s3, s7;
	s7 =	simm.s32 @!p0 $0x108  }
0x21: {  	s3 =	sadd.s32 s3, s9;
	s6 =	sadd.s32 @!p0 $0x88, s6;
	s7 =	simm.s32 @p2 $0x1082  }
0x22: {  	[simem:s7], [sflag:s8] =	dma.local @!p0 [hbm:s6], $0xF7A  }
0x23: {  	s9 =	sor.u32 $0xD0000000, s2;
	s6 =	simm.s32 $0x108;
	_ =	swait.ge @!p0 [sflag:s8], $0x0  }
0x24: {  	s3 =	sadd.s32 $0x88, s3;
	s6 =	simm.s32 @!p1 $0x1082;
	[sflag:s4] =	ssyncset.s32 $0xFFFFF086  }
0x25: {  	[simem:s6], [sflag:s4] =	dma.local [hbm:s3], $0xF7A  }
0x26: {  	[smem:$0x3F9A] =	sst s1;
	(tag) =	ssettag s2;
	_ =	strace s9  }
0x27: {  	s1 =	sld [smem:$0x3FAA]  }
0x28: {  	s2 =	sld [smem:$0x3FAB]  }
0x29: {  	s4 =	sld [smem:$0x3FAD]  }
0x2a: {  	p0 =	seq.s32 s5, $0x0;
	s5 =	sld [smem:$0x3FAE]  }
0x2b: {  	s6 =	sld [smem:$0x3FAF]  }
0x2c: {  	s7 =	sld [smem:$0x3FB0]  }
0x2d: {  	s3 =	simm.s32 $0x108;
	s8 =	sld [smem:$0x3FB1]  }
0x2e: {  	s3 =	simm.s32 @!p0 $0x1082;
	s9 =	sld [smem:$0x3FB2]  }
0x2f: {  	lr =	sadd.s32 s0, s3;
	s0 =	sld [smem:$0x3FA9]  }
0x30: {  	s3 =	sld [smem:$0x3FAC]  }
0x31: {  	[smem:$0x3FB5] =	sst s10  }
0x32: {  	s10 =	sld [smem:$0x3FB3];
	_ =	sdelay $0x3  }
0x33: {  	p0 =	seq.s32 s10, $0x1;
	s10 =	sld [smem:$0x3FB5];
	_ =	sdelay $0x3  }
0x34: {  	[smem:$0x3FB5] =	sst s10  }
0x35: {  	s10 =	sld [smem:$0x3FB4];
	_ =	sdelay $0x3  }
0x36: {  	p1 =	seq.s32 s10, $0x1;
	s10 =	sld [smem:$0x3FB5];
	_ =	sdelay $0x3  }
0x37: {  	[smem:$0x3FB5] =	sst s10  }
0x38: {  	s10 =	sld [smem:$0x3FB6]  }
0x39: {  	_ = 	snop;
	(pc) =	sbr.ind lr, $3  }
0x3a: {  	_ = 	snop  }
0x3b: {  	_ = 	snop  }
0x3c: {  	p2 =	seq.s32 s10, $0x1;
	s10 =	sld [smem:$0x3FB5]  }
0x3d: {  	_ =	shalt  }
0x3e: {  	_ =	shalt  }
0x3f: {  	_ =	shalt  }
0x40: {  	_ =	shalt  }
0x41: {  	_ =	shalt  }
0x42: {  	_ =	shalt  }
0x43: {  	_ =	shalt  }
0x44: {  	_ =	shalt  }
0x45: {  	_ =	shalt  }
0x46: {  	_ =	shalt  }
0x47: {  	_ =	shalt  }
0x48: {  	_ =	shalt  }
0x49: {  	_ =	shalt  }
0x4a: {  	_ =	shalt  }
0x4b: {  	_ =	shalt  }
0x4c: {  	_ =	shalt  }
0x4d: {  	_ =	shalt  }
0x4e: {  	_ =	shalt  }
0x4f: {  	_ =	shalt  }
0x50: {  	_ =	shalt  }
0x51: {  	_ =	shalt  }
0x52: {  	_ =	shalt  }
0x53: {  	_ =	shalt  }
0x54: {  	_ =	shalt  }
0x55: {  	_ =	shalt  }
0x56: {  	_ =	shalt  }
0x57: {  	_ =	shalt  }
0x58: {  	_ =	shalt  }
0x59: {  	_ =	shalt  }
0x5a: {  	_ =	shalt  }
0x5b: {  	_ =	shalt  }
0x5c: {  	_ =	shalt  }
0x5d: {  	_ =	shalt  }
0x5e: {  	_ =	shalt  }
0x5f: {  	_ =	shalt  }
0x60: {  	_ =	shalt  }
0x61: {  	_ =	shalt  }
0x62: {  	_ =	shalt  }
0x63: {  	_ =	shalt  }
0x64: {  	_ =	shalt  }
0x65: {  	_ =	shalt  }
0x66: {  	_ =	shalt  }
0x67: {  	_ =	shalt  }
0x68: {  	_ =	shalt  }
0x69: {  	_ =	shalt  }
0x6a: {  	_ =	shalt  }
0x6b: {  	_ =	shalt  }
0x6c: {  	_ =	shalt  }
0x6d: {  	_ =	shalt  }
0x6e: {  	_ =	shalt  }
0x6f: {  	_ =	shalt  }
0x70: {  	_ =	shalt  }
0x71: {  	_ =	shalt  }
0x72: {  	_ =	shalt  }
0x73: {  	_ =	shalt  }
0x74: {  	_ =	shalt  }
0x75: {  	_ =	shalt  }
0x76: {  	_ =	shalt  }
0x77: {  	_ =	shalt  }
0x78: {  	_ =	shalt  }
0x79: {  	_ =	shalt  }
0x7a: {  	_ =	shalt  }
0x7b: {  	_ =	shalt  }
0x7c: {  	_ =	shalt  }
0x7d: {  	_ =	shalt  }
0x7e: {  	_ =	shalt  }
0x7f: {  	_ =	shalt  }
0x80: {  	_ =	shalt  }
0x81: {  	_ =	shalt  }
0x82: {  	_ =	shalt  }
0x83: {  	_ =	shalt  }
0x84: {  	_ =	shalt  }
0x85: {  	_ =	shalt  }
0x86: {  	_ =	shalt  }
0x87: {  	_ =	shalt  }
.Lfunc_end0:
.L_simem_size_0:
called_computation.1_lowered:
.L_overlay_start_0:
0x88: {  	s2 =	sld [smem:$0x3FD9]  }
0x89: {  	s3 =	sld [smem:$0x3FFE];
	_ =	sdelay $0x1  }
0x8a: {  	s1 =	srdreg.scid  }
0x8b: {  	s0 =	sand.u32 $0x1, s1  }
0x8c: {  	s16 =	sshll.u32 s0, $0xA;
	s2 =	sadd.s32 s3, s2  }
0x8d: {  	s2 =	sadd.s32 s2, s16  }
0x8e: {  	[smem:$0x3FC1] =	sst s2  }
0x8f: {  	_ = 	snop  }
0x90: {  	s4 =	sld [smem:$0x3FD0];
	_ =	sdelay $0x1  }
0x91: {  	s2 =	sld [smem:$0x3FC9]  }
0x92: {  	s5 =	simm.s32 $0xB;
	s6 =	simm.s32 $0x10;
	s17 =	sld [smem:$0x3FC5]  }
0x93: {  	[smem:s6], [sflag:s5] =	dma.local [hbm:s4], $0x1  }
0x94: {  	_ =	swait.eq [sflag:s5], $0x1  }
0x95: {  	[sflag:s5] =	ssyncset.done $0x0  }
0x96: {  	[sflag:s5] =	ssyncadd.s32 $0xFFFFFFFF  }
0x97: {  	s18 =	sld [smem:$0x10];
	(tm) =	ssettm $0x1  }
0x98: {  	s19 =	sld [smem:$0x3FFB];
	_ =	sdelay $0x3  }
0x99: {  	_ =	strace s19  }
0x9a: {  	s4 =	sld [smem:$0x3FFC];
	_ =	sdelay $0x3  }
0x9b: {  	_ =	strace s4  }
0x9c: {  	s4 =	sld [smem:$0x3FFD];
	_ =	sdelay $0x3  }
0x9d: {  	_ =	strace s4  }
0x9e: {  	_ =	strace $0x8FFFFFFF  }
0x9f: {  	s20 =	sld [smem:$0x3FDB];
	_ =	sdelay $0x1  }
0xa0: {  	s21 =	simm.s32 $_scs_section_size  }
0xa1: {  	s7 =	simm.s32 $_size__tile_overlayer_lowered;
	s8 =	simm.s32 $_tile_overlayer_lowered  }
0xa2: {  	s9 =	simm.s32 $0x1BFF;
	s22 =	sshll.u32 s8, $0x1;
	s6 =	sadd.s32 s21, s20  }
0xa3: {  	s23 =	simm.s32 $0x0;
	s7 =	sshll.u32 s7, $0x1;
	s8 =	sadd.s32 s22, s6  }
0xa4: {  	[timem:s23], [sflag:s9] =	dma.local [hbm:s8], s7  }
0xa5: {  	_ =	swait.ge [sflag:s9], s7  }
0xa6: {  	s7 =	ssub.s32 $0x0, s7;
	[sflag:s9] =	ssyncset.done $0x0  }
0xa7: {  	[sflag:s9] =	ssyncadd.s32 s7;
	_ =	sdelay $0x1  }
0xa8: {  	s24 =	simm.s32 $0x1B8B  }
0xa9: {  	_ =	swait.ge [sflag:s24], $0x1  }
0xaa: {  	[sflag:s24] =	ssyncset.done $0x0  }
0xab: {  	[sflag:s24] =	ssyncadd.s32 $0xFFFFFFFF  }
0xac: {  	s7 =	sld [smem:$0x0]  }
0xad: {  	s8 =	sand.u32 $0xFFFFFFFE, s1  }
0xae: {  	p0 =	sne.s32 s1, s8  }
0xaf: {  	s8 =	sshll.u32 @p0 s8, $0xE  }
0xb0: {  	s8 =	sadd.s32 @p0 $0x11B8D, s8;
	s9 =	sshll.u32 @p0 s7, $0x11  }
0xb1: {  	s8 =	sor.u32 @p0 s9, s8  }
0xb2: {  	[sflag:s8] =	ssyncadd.remote.s32 @p0 $0x1;
	_ =	sdelay $0x1  }
0xb3: {  	s8 =	simm.s32 @p0 $0x1B8D  }
0xb4: {  	_ =	swait.eq @p0 [sflag:s8], $0x1  }
0xb5: {  	[sflag:s8] =	ssyncadd.s32 @p0 $0xFFFFFFFF  }
0xb6: {  	s9 =	sshll.u32 @!p0 s1, $0xE  }
0xb7: {  	s9 =	sor.u32 @!p0 $0x4000, s9;
	s8 =	simm.s32 @!p0 $0x1B8D  }
0xb8: {  	s7 =	sshll.u32 @!p0 s7, $0x11;
	s9 =	sadd.s32 @!p0 $0x11B8D, s9;
	_ =	swait.eq @!p0 [sflag:s8], $0x1  }
0xb9: {  	s7 =	sor.u32 @!p0 s7, s9;
	[sflag:s8] =	ssyncadd.s32 @!p0 $0xFFFFFFFF  }
0xba: {  	s25 =	simm.s32 $0x1B8E;
	[sflag:s7] =	ssyncadd.remote.s32 @!p0 $0x1  }
0xbb: {  	s26 =	simm.s32 $execute0_lowered;
	[smem:$0x3FD2] =	sst s25  }
0xbc: {  	s7 =	sshll.u32 s26, $0x1;
	_ =	strace $0x80000049;
	[dreg:$0x1] =	wrdreg $0xFFFFFFFF  }
0xbd: {  	s28 =	simm.s32 $_size_execute0_lowered;
	s6 =	sadd.s32 s6, s7;
	[dreg:$0x0] =	wrdreg $0x0  }
0xbe: {  	s7 =	sshll.u32 s28, $0x1;
	[dreg:$0x2] =	wrdreg s6  }
0xbf: {  	[dreg:$0x3] =	wrdreg s7  }
0xc0: {  	[dreg:$0x4] =	wrdreg $0xC0  }
0xc1: {  	_ =	task [dreg:s23], $0x5FFFF  }
0xc2: {  	[dreg:$0x1] =	wrdreg $0xFFFFFFFF  }
0xc3: {  	[dreg:$0x0] =	wrdreg $0x60  }
0xc4: {  	[dreg:$0x2] =	wrdreg s2  }
0xc5: {  	[dreg:$0x3] =	wrdreg s17  }
0xc6: {  	[dreg:$0x4] =	wrdreg s18  }
0xc7: {  	[dreg:$0x5] =	wrdreg $0xA  }
0xc8: {  	_ =	task.clear_ibuf [dreg:s23], $0x6FFFF;
	_ =	strace $0x90000049  }
0xc9: {  	s29 =	simm.s32 $0xA;
	_ =	strace $0x8000004B  }
0xca: {  	_ =	swait.ge [sflag:s29], $0x1  }
0xcb: {  	[sflag:s29] =	ssyncadd.s32 $0xFFFFFFFF  }
0xcc: {  	_ =	strace $0x9000004B  }
0xcd: {  	_ =	sfence  }
0xce: {  	s30 =	sld [smem:$0x0];
	_ =	sdelay $0x2  }
0xcf: {  	s31 =	sshll.u32 s1, $0xD;
	s1 =	sshrl.u32 s1, $0x2  }
0xd0: {  	s3 =	sand.u32 $0x4000, s31;
	s1 =	sadd.s32 s1, s30  }
0xd1: {  	s0 =	sor.u32 s3, s0;
	s1 =	sshll.u32 s1, $0x11  }
0xd2: {  	s0 =	sor.u32 s1, s0  }
0xd3: {  	s0 =	sadd.s32 $0x8F2B, s0  }
0xd4: {  	[sflag:s0] =	ssyncadd.remote.s32 $0x1  }
0xd5: {  	_ =	sfence.sel $0xFFFF  }
0xd6: {  	[dreg:$0x0] =	wrdreg $0xFFFFFFFF;
	(pc) =	sbr.abs _section_cstart, $3  }
0xd7: {  	[dreg:$0x1] =	wrdreg $0xFFFFFFFF  }
0xd8: {  	_ =	task.clear_ibuf [dreg:s23], $0x2FFFF;
	_ =	strace $0x9FFFFFFF  }
0xd9: {  	(tm) =	ssettm $0x7FFFFFFF  }
tec
execute0_lowered:
.L_overlay_start_1:
0x0: {  	(tag) =	ssettag $0x1  }
0x1: {  	s1 =	srdreg.scid;
	s0 =	stileid.u32  }
0x2: {  	s16 =	sand.u32 $0x1, s1;
	s31 =	sshll.u32 s0, $0x1  }
0x3: {  	s4 =	rddreg [dreg:$0x0];
	s1 =	sor.u32 s16, s31  }
0x4: {  	s2 =	rddreg [dreg:$0x1];
	s5 =	smul.u32 $0x640, s1  }
0x5: {  	s10 =	rddreg [dreg:$0x2];
	s3 =	simm.s32 $0x0  }
0x6: {  	[smem:$0x7FF] =	sst s3;
	s9 =	smin.u32 s5, $0xBD10  }
0x7: {  	s1 =	rddreg [dreg:$0x3];
	s5 =	sshrl.u32 s9, $0x3  }
0x8: {  	_ =	strace $0x8000004A;
	s5 =	sadd.s32 s4, s5;
	s4 =	simm.s32 $0x3  }
0x9: {  	[tilespmem:s3], [sflag:$0x3] =	stream.linear.gather [hbm4b:s5+s3], $0x640, $0x38;
	[tilespmem:$0x19680] =	vst v63  }
0xa: {  	_ =	swait.ge [sflag:s4], $0x640  }
0xb: {  	s6 =	simm.s32 $0x190;
	[sflag:s4] =	ssyncset.done $0x0  }
0xc: {  	s7 =	simm.s32 $0x680;
	s8 =	simm.s32 $0x1;
	[sflag:s4] =	ssyncadd.s32 $0xFFFFF9C0  }
0xd: {  	[tilespmem:s7], [sflag:$0x1] =	stream.indirect.gather [hbm4b:s2+s6], $0x80, s3, s6, $0xb8;
	[tilespmem:$0x19680] =	vst v63  }
0xe: {  	_ =	swait.ge [sflag:s8], $0xC800  }
0xf: {  	[sflag:s8] =	ssyncset.done $0x0  }
0x10: {  	s11 =	sshll.u32 s9, $0x4;
	s9 =	simm.s32 $0xCE80;
	[sflag:s8] =	ssyncadd.s32 $0xFFFF3800  }
0x11: {  	[tilespmem:s9], [sflag:$0x2] =	stream.indirect.gather [hbm4b:s2+s6], $0x80, s6, s6, $0xb8;
	[tilespmem:$0x19680] =	vst v63  }
0x12: {  	s10 =	sadd.s32 s10, s11  }
0x13: {  	[hbm4b:s10+s3] =	stream.linear.scatter [tilespmem:s7], [sflag:$0x3], $0xC800, $0x38;
	[tilespmem:$0x19680] =	vst v63  }
0x14: {  	_ =	swait.ge [sflag:s4], $0xC800  }
0x15: {  	[sflag:s4] =	ssyncset.done $0x0  }
0x16: {  	s11 =	simm.s32 $0x2;
	[sflag:s4] =	ssyncadd.s32 $0xFFFF3800  }
0x17: {  	_ =	swait.ge [sflag:s11], $0xC800  }
0x18: {  	[sflag:s11] =	ssyncset.done $0x0  }
0x19: {  	s12 =	simm.s32 $0x320;
	[sflag:s11] =	ssyncadd.s32 $0xFFFF3800  }
0x1a: {  	[tilespmem:s7], [sflag:$0x1] =	stream.indirect.gather [hbm4b:s2+s6], $0x80, s12, s6, $0xb8;
	[tilespmem:$0x19680] =	vst v63  }
0x1b: {  	s13 =	sadd.s32 $0x1900, s10  }
0x1c: {  	[hbm4b:s13+s3] =	stream.linear.scatter [tilespmem:s9], [sflag:$0x3], $0xC800, $0x38;
	[tilespmem:$0x19680] =	vst v63  }
0x1d: {  	_ =	swait.ge [sflag:s4], $0xC800  }
0x1e: {  	[sflag:s4] =	ssyncset.done $0x0  }
0x1f: {  	[sflag:s4] =	ssyncadd.s32 $0xFFFF3800  }
0x20: {  	_ =	swait.ge [sflag:s8], $0xC800  }
0x21: {  	[sflag:s8] =	ssyncset.done $0x0  }
0x22: {  	s14 =	simm.s32 $0x4B0;
	[sflag:s8] =	ssyncadd.s32 $0xFFFF3800  }
0x23: {  	[tilespmem:s9], [sflag:$0x2] =	stream.indirect.gather [hbm4b:s2+s6], $0x80, s14, s6, $0xb8;
	[tilespmem:$0x19680] =	vst v63  }
0x24: {  	s16 =	ssub.s32 $0x2, s16;
	s15 =	sadd.s32 $0x3200, s10  }
0x25: {  	[hbm4b:s15+s3] =	stream.linear.scatter [tilespmem:s7], [sflag:$0x3], $0xC800, $0x38;
	[tilespmem:$0x19680] =	vst v63  }
0x26: {  	s17 =	sshrl.u32 s16, $0x1;
	_ =	swait.ge [sflag:s4], $0xC800  }
0x27: {  	s17 =	ssub.s32 s16, s17;
	[sflag:s4] =	ssyncset.done $0x0  }
0x28: {  	s17 =	smax.u32 s17, $0x1;
	[sflag:s4] =	ssyncadd.s32 $0xFFFF3800  }
0x29: {  	p0 =	sne.s32 s17, $0x1;
	_ =	swait.ge [sflag:s11], $0xC800  }
.Ltmp0:
0x2a: {  	[sflag:s11] =	ssyncset.done $0x0;
	(pc) =	sbr.rel @!p0 .LBB2_2-.Ltmp0, $4  }
0x2b: {  	s16 =	sadd.s32 $0x4B00, s10;
	[sflag:s11] =	ssyncadd.s32 $0xFFFF3800  }
0x2c: {  	[hbm4b:s16+s3] =	stream.linear.scatter [tilespmem:s9], [sflag:$0x3], $0xC800, $0x38;
	[tilespmem:$0x19680] =	vst v63  }
0x2d: {  	_ =	swait.ge [sflag:s4], $0xC800  }
0x2e: {  	s17 =	sadd.s32 $0xFFFFFFFF, s17;
	[sflag:s4] =	ssyncset.done $0x0  }
.LBB2_1:
0x2f: {  	p0 =	sne.s32 s17, $0x1;
	s17 =	sadd.s32 $0xFFFFFFFF, s17;
	[sflag:s4] =	ssyncadd.s32 $0xFFFF3800  }
0x30: {  	[tilespmem:s3], [sflag:$0x3] =	stream.linear.gather [hbm4b:s5+s3], $0x640, $0x38;
	[tilespmem:$0x19680] =	vst v63  }
0x31: {  	_ =	swait.ge [sflag:s4], $0x640  }
0x32: {  	[sflag:s4] =	ssyncset.done $0x0  }
0x33: {  	[sflag:s4] =	ssyncadd.s32 $0xFFFFF9C0  }
0x34: {  	[tilespmem:s7], [sflag:$0x1] =	stream.indirect.gather [hbm4b:s2+s6], $0x80, s3, s6, $0xb8;
	[tilespmem:$0x19680] =	vst v63  }
0x35: {  	_ =	swait.ge [sflag:s8], $0xC800  }
0x36: {  	[sflag:s8] =	ssyncset.done $0x0  }
0x37: {  	[sflag:s8] =	ssyncadd.s32 $0xFFFF3800  }
0x38: {  	[tilespmem:s9], [sflag:$0x2] =	stream.indirect.gather [hbm4b:s2+s6], $0x80, s6, s6, $0xb8;
	[tilespmem:$0x19680] =	vst v63  }
0x39: {  	_ = 	snop  }
0x3a: {  	[hbm4b:s10+s3] =	stream.linear.scatter [tilespmem:s7], [sflag:$0x3], $0xC800, $0x38;
	[tilespmem:$0x19680] =	vst v63  }
0x3b: {  	_ =	swait.ge [sflag:s4], $0xC800  }
0x3c: {  	[sflag:s4] =	ssyncset.done $0x0  }
0x3d: {  	[sflag:s4] =	ssyncadd.s32 $0xFFFF3800  }
0x3e: {  	_ =	swait.ge [sflag:s11], $0xC800  }
0x3f: {  	[sflag:s11] =	ssyncset.done $0x0  }
0x40: {  	[sflag:s11] =	ssyncadd.s32 $0xFFFF3800  }
0x41: {  	[tilespmem:s7], [sflag:$0x1] =	stream.indirect.gather [hbm4b:s2+s6], $0x80, s12, s6, $0xb8;
	[tilespmem:$0x19680] =	vst v63  }
0x42: {  	_ = 	snop  }
0x43: {  	[hbm4b:s13+s3] =	stream.linear.scatter [tilespmem:s9], [sflag:$0x3], $0xC800, $0x38;
	[tilespmem:$0x19680] =	vst v63  }
0x44: {  	_ =	swait.ge [sflag:s4], $0xC800  }
0x45: {  	[sflag:s4] =	ssyncset.done $0x0  }
0x46: {  	[sflag:s4] =	ssyncadd.s32 $0xFFFF3800  }
0x47: {  	_ =	swait.ge [sflag:s8], $0xC800  }
0x48: {  	[sflag:s8] =	ssyncset.done $0x0  }
0x49: {  	[sflag:s8] =	ssyncadd.s32 $0xFFFF3800  }
0x4a: {  	[tilespmem:s9], [sflag:$0x2] =	stream.indirect.gather [hbm4b:s2+s6], $0x80, s14, s6, $0xb8;
	[tilespmem:$0x19680] =	vst v63  }
0x4b: {  	_ = 	snop  }
0x4c: {  	[hbm4b:s15+s3] =	stream.linear.scatter [tilespmem:s7], [sflag:$0x3], $0xC800, $0x38;
	[tilespmem:$0x19680] =	vst v63  }
0x4d: {  	_ =	swait.ge [sflag:s4], $0xC800  }
0x4e: {  	[sflag:s4] =	ssyncset.done $0x0  }
0x4f: {  	[sflag:s4] =	ssyncadd.s32 $0xFFFF3800  }
0x50: {  	_ =	swait.ge [sflag:s11], $0xC800  }
.Ltmp1:
0x51: {  	[sflag:s11] =	ssyncset.done $0x0;
	(pc) =	sbr.rel @p0 .LBB2_1-.Ltmp1, $4  }
0x52: {  	[sflag:s11] =	ssyncadd.s32 $0xFFFF3800  }
0x53: {  	[hbm4b:s16+s3] =	stream.linear.scatter [tilespmem:s9], [sflag:$0x3], $0xC800, $0x38;
	[tilespmem:$0x19680] =	vst v63  }
0x54: {  	_ =	swait.ge [sflag:s4], $0xC800  }
0x55: {  	[sflag:s4] =	ssyncset.done $0x0  }
.LBB2_2:
0x56: {  	[sflag:s4] =	ssyncadd.s32 $0xFFFF3800  }
0x57: {  	_ =	sfence.sel $0x180000  }
0x58: {  	[bflag:$0x0] =	sbarrier.arrive $0xFFFF  }
0x59: {  	p0 =	sne.s32 s0, $0x0;
	_ =	strace $0x9000004A  }
0x5a: {  	s0 =	sadd.s32 @!p0 $0x100000, s1;
	[bflag:$0x2] =	sbarrier.arrive $0xFFFF  }
0x5b: {  	[sflag:s0] =	ssyncadd.tile.s32 @!p0 $0x1;
	_ =	shalt  }
.Lfunc_end2:
_tile_overlayer_lowered:
.L_overlay_start_2:
0x5c: {  	(tag) =	ssettag $0x2  }
0x5d: {  	s0 =	rddreg [dreg:$0x0];
	s2 =	stileid.u32  }
0x5e: {  	s1 =	rddreg [dreg:$0x1];
	p0 =	sne.s32 s2, $0x0  }
0x5f: {  	s3 =	rddreg [dreg:$0x2];
	[bflag:$0x3] =	sbarrier.arrive $0xFFFF;
	s2 =	simm.s32 @!p0 $0x1C03  }
0x60: {  	[timem:s3], [sflag:s2] =	dma.local @!p0 [hbm:s0], s1  }
0x61: {  	s0 =	simm.s32 @!p0 $0x3  }
0x62: {  	_ =	swait.ge @!p0 [sflag:s0], s1  }
0x63: {  	s1 =	ssub.s32 @!p0 $0x0, s1;
	[sflag:s0] =	ssyncset.done @!p0 $0x0  }
0x64: {  	[sflag:s0] =	ssyncadd.s32 @!p0 s1  }
0x65: {  	[bflag:$0x3] =	sbarrier.arrive $0xFFFF  }
0x66: {  	_ =	shalt  }

</sc_bundles>
